<compile_context>
chip_gen: v7x
topology: tpu7x:2x2x1
jax: 0.10.2.dev20260603
libtpu: 0.0.44.dev20260713+nightly
codegen_flags: <defaults>
</compile_context>

<pallas_src>
import jax
import jax.numpy as jnp
from jax import lax
from jax.experimental import pallas as pl
from jax.experimental.pallas import tpu as pltpu
from jax.experimental.pallas import tpu_sc as plsc

_N = 10000
_DN = 128
_DE = 16
_NC = 2
_NS = 16
_NPAD = 10240
_EPAD = 321024
_NBUF = 4
_KOFF = 3
_L = 88
_CHUNKS = _EPAD // _L // (_NC * _NS)
_ROWS_PER_SUB = _NPAD // _NS


def _sc_aggregate(x, sdg, z_wide):
    mesh = plsc.VectorSubcoreMesh(core_axis_name="c", subcore_axis_name="s")
    out_type = jax.ShapeDtypeStruct((_NC, _NPAD, _DN), jnp.float32)
    scratch = [pltpu.VMEM_SHARED((_NPAD, _DN), jnp.float32)]

    def body(x_hbm, sdg_hbm, zw_hbm, p_hbm, acc):
        cid = lax.axis_index("c")
        sid = lax.axis_index("s")
        row0 = sid * _ROWS_PER_SUB

        pltpu.sync_copy(zw_hbm.at[pl.ds(row0, _ROWS_PER_SUB)],
                        acc.at[pl.ds(row0, _ROWS_PER_SUB)])
        plsc.subcore_barrier()

        base_g = (cid * _NS + sid) * _CHUNKS

        def edge_loop(idxb, rows, *sems):
            sem_i = sems[0:_NBUF]
            sem_g = sems[_NBUF:2 * _NBUF]
            sem_s = sems[2 * _NBUF:3 * _NBUF]

            def rows_at(b):
                return rows.at[pl.ds(b * _L, _L)]

            def issue_idx(c, b):
                pltpu.async_copy(sdg_hbm.at[base_g + c], idxb.at[b], sem_i[b])

            def wait_idx(c, b):
                pltpu.make_async_copy(sdg_hbm.at[base_g + c], idxb.at[b],
                                      sem_i[b]).wait()

            def issue_gather(b):
                pltpu.async_copy(x_hbm.at[idxb.at[b, 0]], rows_at(b),
                                 sem_g[b])

            def wait_gather(b):
                pltpu.make_async_copy(x_hbm.at[idxb.at[b, 0]], rows_at(b),
                                      sem_g[b]).wait()

            def issue_scatter(b):
                pltpu.async_copy(rows_at(b), acc.at[idxb.at[b, 1]], sem_s[b],
                                 add=True)

            def wait_scatter(b):
                pltpu.make_async_copy(rows_at(b), acc.at[idxb.at[b, 1]],
                                      sem_s[b]).wait()

            @pl.loop(0, _CHUNKS + _NBUF, step=_NBUF)
            def _(c0):
                for b in range(_NBUF):
                    c = c0 + b

                    @pl.when(c < _CHUNKS)
                    def _():
                        @pl.when(c >= _NBUF)
                        def _():
                            wait_scatter(b)
                        issue_idx(c, b)

                    cg = c - 1
                    bg = (b - 1) % _NBUF

                    @pl.when((cg >= 0) & (cg < _CHUNKS))
                    def _():
                        wait_idx(cg, bg)
                        issue_gather(bg)

                    cs = c - _KOFF
                    bs = (b - _KOFF) % _NBUF

                    @pl.when((cs >= 0) & (cs < _CHUNKS))
                    def _():
                        wait_gather(bs)
                        issue_scatter(bs)

            for b in range(_NBUF):
                wait_scatter(b)

        pl.run_scoped(edge_loop,
                      pltpu.VMEM((_NBUF, 2, _L), jnp.int32),
                      pltpu.VMEM((_NBUF * _L, _DN), jnp.float32),
                      *([pltpu.SemaphoreType.DMA] * (3 * _NBUF)))

        plsc.subcore_barrier()
        pltpu.sync_copy(acc.at[pl.ds(row0, _ROWS_PER_SUB)],
                        p_hbm.at[cid, pl.ds(row0, _ROWS_PER_SUB)])

    k = pl.kernel(body, out_type=out_type, mesh=mesh, scratch_types=scratch)
    return k(x, sdg, z_wide)


def _tc_combine(p, eap, W, b, relu):
    blk = 1024

    def body(p_ref, e_ref, w_ref, b_ref, o_ref):
        a = p_ref[0] + p_ref[1]
        e = (e_ref[0] + e_ref[1])[:, :_DE]
        r = (jnp.dot(a, w_ref[0:_DN, :], preferred_element_type=jnp.float32)
             + jnp.dot(e, w_ref[_DN:, :], preferred_element_type=jnp.float32)
             + b_ref[0])
        o_ref[...] = jnp.maximum(r, 0.0) if relu else r

    return pl.pallas_call(
        body,
        grid=(_NPAD // blk,),
        in_specs=[
            pl.BlockSpec((_NC, blk, _DN), lambda i: (0, i, 0)),
            pl.BlockSpec((_NC, blk, _DN), lambda i: (0, i, 0)),
            pl.BlockSpec((_DN + _DE, _DN), lambda i: (0, 0)),
            pl.BlockSpec((1, _DN), lambda i: (0, 0)),
        ],
        out_specs=pl.BlockSpec((blk, _DN), lambda i: (i, 0)),
        out_shape=jax.ShapeDtypeStruct((_NPAD, _DN), jnp.float32),
    )(p, eap, W, b.reshape(1, _DN))


def kernel(x, edge_index, edge_attr, W1, b1, W2, b2):
    e = edge_index.shape[1]
    pad = _EPAD - e
    src = edge_index[0].astype(jnp.int32)
    dst = edge_index[1].astype(jnp.int32)
    src_p = jnp.concatenate([src, jnp.zeros((pad,), jnp.int32)])
    dst_p = jnp.concatenate([dst, jnp.full((pad,), _NPAD - 1, jnp.int32)])
    g = _EPAD // _L
    dst_g = dst_p.reshape(g, 1, _L)
    sdg = jnp.concatenate([src_p.reshape(g, 1, _L), dst_g], axis=1)
    ea_wide = jnp.zeros((_EPAD, _DN), jnp.float32)
    ea_wide = lax.dynamic_update_slice(ea_wide, edge_attr, (0, 0))
    iota_g = jnp.arange(_EPAD, dtype=jnp.int32).reshape(g, 1, _L)
    sdg_ea = jnp.concatenate([iota_g, dst_g], axis=1)

    z_wide = jnp.zeros((_NPAD, _DN), jnp.float32)
    p1 = _sc_aggregate(x, sdg, z_wide)
    eap = _sc_aggregate(ea_wide, sdg_ea, z_wide)
    h = _tc_combine(p1, eap, W1, b1, relu=True)
    q = _sc_aggregate(h, sdg, z_wide)
    out_p = _tc_combine(q, eap, W2, b2, relu=False)
    return out_p[:_N]

# --- scband reference (transcript-rebuilt; emitter-appended) ---
"""Pipeline reference for scband-edge-gcn-77962246357191 (READ-ONLY COPY).

The authoritative reference and input builder live on the scoring server;
editing this copy changes nothing except your own understanding.
"""

import jax, jax.numpy as jnp
import numpy as np

N = 10000
E = 320000
D_NODE = 128
D_EDGE = 16
HIDDEN = 128
OUT = 128


def setup_inputs(seed: int = 0) -> dict:
    key = jax.random.key(seed)
    k_x, k_ei_s, k_ei_d, k_ea, k_w1, k_w2 = jax.random.split(key, 6)
    x = jax.random.normal(k_x, (N, D_NODE), dtype=jnp.float32)
    src = jax.random.randint(k_ei_s, (1, E), 0, N, dtype=jnp.int64)
    dst = jax.random.randint(k_ei_d, (1, E), 0, N, dtype=jnp.int64)
    edge_index = jnp.concatenate([src, dst], axis=0)
    edge_attr = jax.random.normal(k_ea, (E, D_EDGE), dtype=jnp.float32)
    # conv1 linear: in = D_NODE + D_EDGE -> HIDDEN (no bias in lin, separate bias param)
    W1 = jax.random.normal(k_w1, (D_NODE + D_EDGE, HIDDEN), dtype=jnp.float32) * (1.0 / np.sqrt(D_NODE + D_EDGE))
    b1 = jnp.zeros((HIDDEN,), dtype=jnp.float32)
    # conv2 linear: in = HIDDEN + D_EDGE -> OUT
    W2 = jax.random.normal(k_w2, (HIDDEN + D_EDGE, OUT), dtype=jnp.float32) * (1.0 / np.sqrt(HIDDEN + D_EDGE))
    b2 = jnp.zeros((OUT,), dtype=jnp.float32)
    return {"x": x, "edge_index": edge_index, "edge_attr": edge_attr,
            "W1": W1, "b1": b1, "W2": W2, "b2": b2}


def _edge_conv(x, edge_index, edge_attr, W, b, num_nodes):
    src = edge_index[0]
    dst = edge_index[1]
    x_j = jnp.take(x, src, axis=0)                      # gather source node feats per edge
    msg = jnp.concatenate([x_j, edge_attr], axis=1) @ W  # message = lin(cat(x_j, edge_attr))
    aggr = jax.ops.segment_sum(msg, dst, num_segments=num_nodes)  # aggr='add' scatter to dst
    return aggr + b                                      # update: aggr_out + bias


def reference(x, edge_index, edge_attr, W1, b1, W2, b2):
    h = _edge_conv(x, edge_index, edge_attr, W1, b1, N)
    h = jax.nn.relu(h)
    out = _edge_conv(h, edge_index, edge_attr, W2, b2, N)
    return out

if __name__ == "__main__":
    import jax
    _d = setup_inputs()
    print(jax.jit(kernel)(*tuple(_d.values())))

</pallas_src>

<mosaic_0001>
#map = affine_map<(d0, d1) -> (0, 0)>
#map1 = affine_map<(d0, d1) -> (0, 0, 0)>
module attributes {stable_mosaic.version = 14 : i64} {
  func.func @body(%arg0: i32, %arg1: i32, %arg2: memref<10240x128xf32, #tpu.memory_space<hbm>>, %arg3: memref<3648x2x88xi32, #tpu.memory_space<hbm>>, %arg4: memref<10240x128xf32, #tpu.memory_space<hbm>>, %arg5: memref<2x10240x128xf32, #tpu.memory_space<hbm>>, %arg6: memref<10240x128xf32, #tpu.memory_space<vmem_shared>>) attributes {dimension_semantics = [#tpu.dimension_semantics<core_parallel>, #tpu.dimension_semantics<subcore_parallel>], iteration_bounds = array<i64: 2, 16>, scalar_prefetch = 0 : i64, scratch_operands = 1 : i64, tpu.core_type = #tpu.core_type<sc_vector_subcore>, window_params = [{transform_indices = #map}, {transform_indices = #map1}, {transform_indices = #map}, {transform_indices = #map1}]} {
    %mul3A = arith.constant 640 : i32
    %mul3A_0 = arith.muli %arg1, %mul3A : i32
    "tpu.region"() ({
      %run_scoped3A = tpu.sem_alloc : memref<!tpu.dma_semaphore, #tpu.memory_space<semaphore_mem>>
      %dma_start3A = arith.constant 0 : i32
      %dma_start3A_6 = tpu.memref_slice %arg6[%mul3A_0, %dma_start3A] : memref<10240x128xf32, #tpu.memory_space<vmem_shared>> -> memref<640x128xf32, #tpu.memory_space<vmem_shared>>
      %dma_start3A_7 = arith.constant 0 : i32
      %dma_start3A_8 = tpu.memref_slice %arg4[%mul3A_0, %dma_start3A_7] : memref<10240x128xf32, #tpu.memory_space<hbm>> -> memref<640x128xf32, #tpu.memory_space<hbm>>
      tpu.enqueue_dma source(%dma_start3A_8 : memref<640x128xf32, #tpu.memory_space<hbm>>) target(%dma_start3A_6 : memref<640x128xf32, #tpu.memory_space<vmem_shared>>) target_semaphore(%run_scoped3A : memref<!tpu.dma_semaphore, #tpu.memory_space<semaphore_mem>>)
      %dma_wait3A = arith.constant 0 : i32
      %dma_wait3A_9 = tpu.memref_slice %arg6[%mul3A_0, %dma_wait3A] : memref<10240x128xf32, #tpu.memory_space<vmem_shared>> -> memref<640x128xf32, #tpu.memory_space<vmem_shared>>
      %dma_wait3A_10 = arith.constant 0 : i32
      %dma_wait3A_11 = tpu.memref_slice %arg4[%mul3A_0, %dma_wait3A_10] : memref<10240x128xf32, #tpu.memory_space<hbm>> -> memref<640x128xf32, #tpu.memory_space<hbm>>
      tpu.wait_dma2 semaphore(%run_scoped3A : memref<!tpu.dma_semaphore, #tpu.memory_space<semaphore_mem>>) src(%dma_wait3A_11 : memref<640x128xf32, #tpu.memory_space<hbm>>) dst(%dma_wait3A_9 : memref<640x128xf32, #tpu.memory_space<vmem_shared>>)
      tpu.yield
    }) : () -> ()
    %barrier3A = arith.constant 0 : index
    tpu.barrier barrier_id(%barrier3A)
    %mul3A_1 = arith.constant 16 : i32
    %mul3A_2 = arith.muli %arg0, %mul3A_1 : i32
    %add3A = arith.addi %mul3A_2, %arg1 : i32
    %mul3A_3 = arith.constant 114 : i32
    %mul3A_4 = arith.muli %add3A, %mul3A_3 : i32
    "tpu.region"() ({
      %run_scoped3A = memref.alloca() : memref<4x2x88xi32, #tpu.memory_space<vmem>>
      %run_scoped3A_6 = memref.alloca() : memref<352x128xf32, #tpu.memory_space<vmem>>
      %run_scoped3A_7 = tpu.sem_alloc : memref<!tpu.dma_semaphore, #tpu.memory_space<semaphore_mem>>
      %run_scoped3A_8 = tpu.sem_alloc : memref<!tpu.dma_semaphore, #tpu.memory_space<semaphore_mem>>
      %run_scoped3A_9 = tpu.sem_alloc : memref<!tpu.dma_semaphore, #tpu.memory_space<semaphore_mem>>
      %run_scoped3A_10 = tpu.sem_alloc : memref<!tpu.dma_semaphore, #tpu.memory_space<semaphore_mem>>
      %run_scoped3A_11 = tpu.sem_alloc : memref<!tpu.dma_semaphore, #tpu.memory_space<semaphore_mem>>
      %run_scoped3A_12 = tpu.sem_alloc : memref<!tpu.dma_semaphore, #tpu.memory_space<semaphore_mem>>
      %run_scoped3A_13 = tpu.sem_alloc : memref<!tpu.dma_semaphore, #tpu.memory_space<semaphore_mem>>
      %run_scoped3A_14 = tpu.sem_alloc : memref<!tpu.dma_semaphore, #tpu.memory_space<semaphore_mem>>
      %run_scoped3A_15 = tpu.sem_alloc : memref<!tpu.dma_semaphore, #tpu.memory_space<semaphore_mem>>
      %run_scoped3A_16 = tpu.sem_alloc : memref<!tpu.dma_semaphore, #tpu.memory_space<semaphore_mem>>
      %run_scoped3A_17 = tpu.sem_alloc : memref<!tpu.dma_semaphore, #tpu.memory_space<semaphore_mem>>
      %run_scoped3A_18 = tpu.sem_alloc : memref<!tpu.dma_semaphore, #tpu.memory_space<semaphore_mem>>
      %scan3A = arith.constant 0 : i32
      %scan3A_19 = arith.constant 30 : i32
      %scan3A_20 = arith.addi %scan3A, %scan3A_19 : i32
      %scan3A_21 = arith.constant 1 : i32
      scf.for %scan3A_66 = %scan3A to %scan3A_20 step %scan3A_21  : i32 {
        %mul3A_67 = arith.constant 4 : i32
        %mul3A_68 = arith.muli %scan3A_66, %mul3A_67 : i32
        %add3A_69 = arith.constant 0 : i32
        %add3A_70 = arith.addi %add3A_69, %mul3A_68 : i32
        %add3A_71 = arith.constant 0 : i32
        %add3A_72 = arith.addi %add3A_70, %add3A_71 : i32
        %lt3A = arith.constant 114 : i32
        %lt3A_73 = arith.cmpi slt, %add3A_72, %lt3A : i32
        %convert_element_type3A = arith.extui %lt3A_73 : i1 to i32
        %cond3A = arith.constant 0 : i32
        %cond3A_74 = arith.cmpi ne, %convert_element_type3A, %cond3A : i32
        scf.if %cond3A_74 {
          %ge3A_173 = arith.constant 4 : i32
          %ge3A_174 = arith.cmpi sge, %add3A_72, %ge3A_173 : i32
          %convert_element_type3A_175 = arith.extui %ge3A_174 : i1 to i32
          %cond3A_176 = arith.constant 0 : i32
          %cond3A_177 = arith.cmpi ne, %convert_element_type3A_175, %cond3A_176 : i32
          scf.if %cond3A_177 {
            %dma_wait3A_195 = arith.constant 0 : i32
            %dma_wait3A_196 = arith.constant 1 : i32
            %dma_wait3A_197 = arith.constant 0 : i32
            %dma_wait3A_198 = arith.constant 0 : i32
            %dma_wait3A_199 = tpu.memref_slice %run_scoped3A_6[%dma_wait3A_197, %dma_wait3A_198] : memref<352x128xf32, #tpu.memory_space<vmem>> -> memref<88x128xf32, #tpu.memory_space<vmem>>
            %dma_wait3A_200 = arith.constant 0 : i32
            %dma_wait3A_201 = tpu.memref_slice %run_scoped3A[%dma_wait3A_195, %dma_wait3A_196, %dma_wait3A_200] : memref<4x2x88xi32, #tpu.memory_space<vmem>> -> memref<1x1x88xi32, #tpu.memory_space<vmem>>
            %dma_wait3A_202 = tpu.memref_squeeze %dma_wait3A_201 : memref<1x1x88xi32, #tpu.memory_space<vmem>> -> memref<88xi32, #tpu.memory_space<vmem>>
            %dma_wait3A_203 = arith.constant 0 : i32
            %dma_wait3A_204 = arith.constant 0 : i32
            %dma_wait3A_205 = tpu.memref_slice %arg6[%dma_wait3A_203, %dma_wait3A_204] : memref<10240x128xf32, #tpu.memory_space<vmem_shared>> -> memref<10240x128xf32, #tpu.memory_space<vmem_shared>>
            tpu.wait_indirect_dma semaphore(%run_scoped3A_15 : memref<!tpu.dma_semaphore, #tpu.memory_space<semaphore_mem>>) src(%dma_wait3A_199 : memref<88x128xf32, #tpu.memory_space<vmem>>) dst(%dma_wait3A_205 : memref<10240x128xf32, #tpu.memory_space<vmem_shared>>)
          } else {
          }
          %add3A_178 = arith.addi %mul3A_4, %add3A_72 : i32
          %dma_start3A = arith.constant 0 : i32
          %dma_start3A_179 = arith.constant 0 : i32
          %dma_start3A_180 = arith.constant 0 : i32
          %dma_start3A_181 = tpu.memref_slice %run_scoped3A[%dma_start3A, %dma_start3A_179, %dma_start3A_180] : memref<4x2x88xi32, #tpu.memory_space<vmem>> -> memref<1x2x88xi32, #tpu.memory_space<vmem>>
          %dma_start3A_182 = tpu.memref_squeeze %dma_start3A_181 : memref<1x2x88xi32, #tpu.memory_space<vmem>> -> memref<2x88xi32, #tpu.memory_space<vmem>>
          %dma_start3A_183 = arith.constant 0 : i32
          %dma_start3A_184 = arith.constant 0 : i32
          %dma_start3A_185 = tpu.memref_slice %arg3[%add3A_178, %dma_start3A_183, %dma_start3A_184] : memref<3648x2x88xi32, #tpu.memory_space<hbm>> -> memref<1x2x88xi32, #tpu.memory_space<hbm>>
          %dma_start3A_186 = tpu.memref_squeeze %dma_start3A_185 : memref<1x2x88xi32, #tpu.memory_space<hbm>> -> memref<2x88xi32, #tpu.memory_space<hbm>>
          %dma_start3A_187 = arith.constant 0 : i32
          %dma_start3A_188 = arith.constant 0 : i32
          %dma_start3A_189 = tpu.memref_slice %run_scoped3A[%dma_start3A, %dma_start3A_187, %dma_start3A_188] : memref<4x2x88xi32, #tpu.memory_space<vmem>> -> memref<1x2x88xi32, #tpu.memory_space<vmem>>
          %dma_start3A_190 = tpu.memref_squeeze %dma_start3A_189 : memref<1x2x88xi32, #tpu.memory_space<vmem>> -> memref<2x88xi32, #tpu.memory_space<vmem>>
          %dma_start3A_191 = arith.constant 0 : i32
          %dma_start3A_192 = arith.constant 0 : i32
          %dma_start3A_193 = tpu.memref_slice %arg3[%add3A_178, %dma_start3A_191, %dma_start3A_192] : memref<3648x2x88xi32, #tpu.memory_space<hbm>> -> memref<1x2x88xi32, #tpu.memory_space<hbm>>
          %dma_start3A_194 = tpu.memref_squeeze %dma_start3A_193 : memref<1x2x88xi32, #tpu.memory_space<hbm>> -> memref<2x88xi32, #tpu.memory_space<hbm>>
          tpu.enqueue_dma source(%dma_start3A_194 : memref<2x88xi32, #tpu.memory_space<hbm>>) target(%dma_start3A_190 : memref<2x88xi32, #tpu.memory_space<vmem>>) target_semaphore(%run_scoped3A_7 : memref<!tpu.dma_semaphore, #tpu.memory_space<semaphore_mem>>)
        } else {
        }
        %sub3A = arith.constant 1 : i32
        %sub3A_75 = arith.subi %add3A_72, %sub3A : i32
        %ge3A = arith.constant 0 : i32
        %ge3A_76 = arith.cmpi sge, %sub3A_75, %ge3A : i32
        %lt3A_77 = arith.constant 114 : i32
        %lt3A_78 = arith.cmpi slt, %sub3A_75, %lt3A_77 : i32
        %and3A = arith.andi %ge3A_76, %lt3A_78 : i1
        %convert_element_type3A_79 = arith.extui %and3A : i1 to i32
        %cond3A_80 = arith.constant 0 : i32
        %cond3A_81 = arith.cmpi ne, %convert_element_type3A_79, %cond3A_80 : i32
        scf.if %cond3A_81 {
          %add3A_173 = arith.addi %mul3A_4, %sub3A_75 : i32
          %dma_wait3A_174 = arith.constant 3 : i32
          %dma_wait3A_175 = arith.constant 0 : i32
          %dma_wait3A_176 = arith.constant 0 : i32
          %dma_wait3A_177 = tpu.memref_slice %run_scoped3A[%dma_wait3A_174, %dma_wait3A_175, %dma_wait3A_176] : memref<4x2x88xi32, #tpu.memory_space<vmem>> -> memref<1x2x88xi32, #tpu.memory_space<vmem>>
          %dma_wait3A_178 = tpu.memref_squeeze %dma_wait3A_177 : memref<1x2x88xi32, #tpu.memory_space<vmem>> -> memref<2x88xi32, #tpu.memory_space<vmem>>
          %dma_wait3A_179 = arith.constant 0 : i32
          %dma_wait3A_180 = arith.constant 0 : i32
          %dma_wait3A_181 = tpu.memref_slice %arg3[%add3A_173, %dma_wait3A_179, %dma_wait3A_180] : memref<3648x2x88xi32, #tpu.memory_space<hbm>> -> memref<1x2x88xi32, #tpu.memory_space<hbm>>
          %dma_wait3A_182 = tpu.memref_squeeze %dma_wait3A_181 : memref<1x2x88xi32, #tpu.memory_space<hbm>> -> memref<2x88xi32, #tpu.memory_space<hbm>>
          %dma_wait3A_183 = arith.constant 0 : i32
          %dma_wait3A_184 = arith.constant 0 : i32
          %dma_wait3A_185 = tpu.memref_slice %run_scoped3A[%dma_wait3A_174, %dma_wait3A_183, %dma_wait3A_184] : memref<4x2x88xi32, #tpu.memory_space<vmem>> -> memref<1x2x88xi32, #tpu.memory_space<vmem>>
          %dma_wait3A_186 = tpu.memref_squeeze %dma_wait3A_185 : memref<1x2x88xi32, #tpu.memory_space<vmem>> -> memref<2x88xi32, #tpu.memory_space<vmem>>
          %dma_wait3A_187 = arith.constant 0 : i32
          %dma_wait3A_188 = arith.constant 0 : i32
          %dma_wait3A_189 = tpu.memref_slice %arg3[%add3A_173, %dma_wait3A_187, %dma_wait3A_188] : memref<3648x2x88xi32, #tpu.memory_space<hbm>> -> memref<1x2x88xi32, #tpu.memory_space<hbm>>
          %dma_wait3A_190 = tpu.memref_squeeze %dma_wait3A_189 : memref<1x2x88xi32, #tpu.memory_space<hbm>> -> memref<2x88xi32, #tpu.memory_space<hbm>>
          tpu.wait_dma2 semaphore(%run_scoped3A_10 : memref<!tpu.dma_semaphore, #tpu.memory_space<semaphore_mem>>) src(%dma_wait3A_190 : memref<2x88xi32, #tpu.memory_space<hbm>>) dst(%dma_wait3A_186 : memref<2x88xi32, #tpu.memory_space<vmem>>)
          %dma_start3A = arith.constant 3 : i32
          %dma_start3A_191 = arith.constant 0 : i32
          %dma_start3A_192 = arith.constant 264 : i32
          %dma_start3A_193 = arith.constant 0 : i32
          %dma_start3A_194 = tpu.memref_slice %run_scoped3A_6[%dma_start3A_192, %dma_start3A_193] : memref<352x128xf32, #tpu.memory_space<vmem>> -> memref<88x128xf32, #tpu.memory_space<vmem>>
          %dma_start3A_195 = arith.constant 0 : i32
          %dma_start3A_196 = tpu.memref_slice %run_scoped3A[%dma_start3A, %dma_start3A_191, %dma_start3A_195] : memref<4x2x88xi32, #tpu.memory_space<vmem>> -> memref<1x1x88xi32, #tpu.memory_space<vmem>>
          %dma_start3A_197 = tpu.memref_squeeze %dma_start3A_196 : memref<1x1x88xi32, #tpu.memory_space<vmem>> -> memref<88xi32, #tpu.memory_space<vmem>>
          %dma_start3A_198 = arith.constant 0 : i32
          %dma_start3A_199 = arith.constant 0 : i32
          %dma_start3A_200 = tpu.memref_slice %arg2[%dma_start3A_198, %dma_start3A_199] : memref<10240x128xf32, #tpu.memory_space<hbm>> -> memref<10240x128xf32, #tpu.memory_space<hbm>>
          tpu.enqueue_indirect_dma source(%dma_start3A_200 : memref<10240x128xf32, #tpu.memory_space<hbm>>) target(%dma_start3A_194 : memref<88x128xf32, #tpu.memory_space<vmem>>) offsets(%dma_start3A_197 : memref<88xi32, #tpu.memory_space<vmem>>) semaphore(%run_scoped3A_14 : memref<!tpu.dma_semaphore, #tpu.memory_space<semaphore_mem>>)
        } else {
        }
        %sub3A_82 = arith.constant 3 : i32
        %sub3A_83 = arith.subi %add3A_72, %sub3A_82 : i32
        %ge3A_84 = arith.constant 0 : i32
        %ge3A_85 = arith.cmpi sge, %sub3A_83, %ge3A_84 : i32
        %lt3A_86 = arith.constant 114 : i32
        %lt3A_87 = arith.cmpi slt, %sub3A_83, %lt3A_86 : i32
        %and3A_88 = arith.andi %ge3A_85, %lt3A_87 : i1
        %convert_element_type3A_89 = arith.extui %and3A_88 : i1 to i32
        %cond3A_90 = arith.constant 0 : i32
        %cond3A_91 = arith.cmpi ne, %convert_element_type3A_89, %cond3A_90 : i32
        scf.if %cond3A_91 {
          %dma_wait3A_173 = arith.constant 1 : i32
          %dma_wait3A_174 = arith.constant 0 : i32
          %dma_wait3A_175 = arith.constant 88 : i32
          %dma_wait3A_176 = arith.constant 0 : i32
          %dma_wait3A_177 = tpu.memref_slice %run_scoped3A_6[%dma_wait3A_175, %dma_wait3A_176] : memref<352x128xf32, #tpu.memory_space<vmem>> -> memref<88x128xf32, #tpu.memory_space<vmem>>
          %dma_wait3A_178 = arith.constant 0 : i32
          %dma_wait3A_179 = tpu.memref_slice %run_scoped3A[%dma_wait3A_173, %dma_wait3A_174, %dma_wait3A_178] : memref<4x2x88xi32, #tpu.memory_space<vmem>> -> memref<1x1x88xi32, #tpu.memory_space<vmem>>
          %dma_wait3A_180 = tpu.memref_squeeze %dma_wait3A_179 : memref<1x1x88xi32, #tpu.memory_space<vmem>> -> memref<88xi32, #tpu.memory_space<vmem>>
          %dma_wait3A_181 = arith.constant 0 : i32
          %dma_wait3A_182 = arith.constant 0 : i32
          %dma_wait3A_183 = tpu.memref_slice %arg2[%dma_wait3A_181, %dma_wait3A_182] : memref<10240x128xf32, #tpu.memory_space<hbm>> -> memref<10240x128xf32, #tpu.memory_space<hbm>>
          tpu.wait_indirect_dma semaphore(%run_scoped3A_12 : memref<!tpu.dma_semaphore, #tpu.memory_space<semaphore_mem>>) src(%dma_wait3A_183 : memref<10240x128xf32, #tpu.memory_space<hbm>>) dst(%dma_wait3A_177 : memref<88x128xf32, #tpu.memory_space<vmem>>)
          %dma_start3A = arith.constant 1 : i32
          %dma_start3A_184 = arith.constant 1 : i32
          %dma_start3A_185 = arith.constant 88 : i32
          %dma_start3A_186 = arith.constant 0 : i32
          %dma_start3A_187 = tpu.memref_slice %run_scoped3A_6[%dma_start3A_185, %dma_start3A_186] : memref<352x128xf32, #tpu.memory_space<vmem>> -> memref<88x128xf32, #tpu.memory_space<vmem>>
          %dma_start3A_188 = arith.constant 0 : i32
          %dma_start3A_189 = tpu.memref_slice %run_scoped3A[%dma_start3A, %dma_start3A_184, %dma_start3A_188] : memref<4x2x88xi32, #tpu.memory_space<vmem>> -> memref<1x1x88xi32, #tpu.memory_space<vmem>>
          %dma_start3A_190 = tpu.memref_squeeze %dma_start3A_189 : memref<1x1x88xi32, #tpu.memory_space<vmem>> -> memref<88xi32, #tpu.memory_space<vmem>>
          %dma_start3A_191 = arith.constant 0 : i32
          %dma_start3A_192 = arith.constant 0 : i32
          %dma_start3A_193 = tpu.memref_slice %arg6[%dma_start3A_191, %dma_start3A_192] : memref<10240x128xf32, #tpu.memory_space<vmem_shared>> -> memref<10240x128xf32, #tpu.memory_space<vmem_shared>>
          tpu.enqueue_indirect_dma source(%dma_start3A_187 : memref<88x128xf32, #tpu.memory_space<vmem>>) target(%dma_start3A_193 : memref<10240x128xf32, #tpu.memory_space<vmem_shared>>) offsets(%dma_start3A_190 : memref<88xi32, #tpu.memory_space<vmem>>) semaphore(%run_scoped3A_16 : memref<!tpu.dma_semaphore, #tpu.memory_space<semaphore_mem>>) {add = true}
        } else {
        }
        %add3A_92 = arith.constant 1 : i32
        %add3A_93 = arith.addi %add3A_70, %add3A_92 : i32
        %lt3A_94 = arith.constant 114 : i32
        %lt3A_95 = arith.cmpi slt, %add3A_93, %lt3A_94 : i32
        %convert_element_type3A_96 = arith.extui %lt3A_95 : i1 to i32
        %cond3A_97 = arith.constant 0 : i32
        %cond3A_98 = arith.cmpi ne, %convert_element_type3A_96, %cond3A_97 : i32
        scf.if %cond3A_98 {
          %ge3A_173 = arith.constant 4 : i32
          %ge3A_174 = arith.cmpi sge, %add3A_93, %ge3A_173 : i32
          %convert_element_type3A_175 = arith.extui %ge3A_174 : i1 to i32
          %cond3A_176 = arith.constant 0 : i32
          %cond3A_177 = arith.cmpi ne, %convert_element_type3A_175, %cond3A_176 : i32
          scf.if %cond3A_177 {
            %dma_wait3A_195 = arith.constant 1 : i32
            %dma_wait3A_196 = arith.constant 1 : i32
            %dma_wait3A_197 = arith.constant 88 : i32
            %dma_wait3A_198 = arith.constant 0 : i32
            %dma_wait3A_199 = tpu.memref_slice %run_scoped3A_6[%dma_wait3A_197, %dma_wait3A_198] : memref<352x128xf32, #tpu.memory_space<vmem>> -> memref<88x128xf32, #tpu.memory_space<vmem>>
            %dma_wait3A_200 = arith.constant 0 : i32
            %dma_wait3A_201 = tpu.memref_slice %run_scoped3A[%dma_wait3A_195, %dma_wait3A_196, %dma_wait3A_200] : memref<4x2x88xi32, #tpu.memory_space<vmem>> -> memref<1x1x88xi32, #tpu.memory_space<vmem>>
            %dma_wait3A_202 = tpu.memref_squeeze %dma_wait3A_201 : memref<1x1x88xi32, #tpu.memory_space<vmem>> -> memref<88xi32, #tpu.memory_space<vmem>>
            %dma_wait3A_203 = arith.constant 0 : i32
            %dma_wait3A_204 = arith.constant 0 : i32
            %dma_wait3A_205 = tpu.memref_slice %arg6[%dma_wait3A_203, %dma_wait3A_204] : memref<10240x128xf32, #tpu.memory_space<vmem_shared>> -> memref<10240x128xf32, #tpu.memory_space<vmem_shared>>
            tpu.wait_indirect_dma semaphore(%run_scoped3A_16 : memref<!tpu.dma_semaphore, #tpu.memory_space<semaphore_mem>>) src(%dma_wait3A_199 : memref<88x128xf32, #tpu.memory_space<vmem>>) dst(%dma_wait3A_205 : memref<10240x128xf32, #tpu.memory_space<vmem_shared>>)
          } else {
          }
          %add3A_178 = arith.addi %mul3A_4, %add3A_93 : i32
          %dma_start3A = arith.constant 1 : i32
          %dma_start3A_179 = arith.constant 0 : i32
          %dma_start3A_180 = arith.constant 0 : i32
          %dma_start3A_181 = tpu.memref_slice %run_scoped3A[%dma_start3A, %dma_start3A_179, %dma_start3A_180] : memref<4x2x88xi32, #tpu.memory_space<vmem>> -> memref<1x2x88xi32, #tpu.memory_space<vmem>>
          %dma_start3A_182 = tpu.memref_squeeze %dma_start3A_181 : memref<1x2x88xi32, #tpu.memory_space<vmem>> -> memref<2x88xi32, #tpu.memory_space<vmem>>
          %dma_start3A_183 = arith.constant 0 : i32
          %dma_start3A_184 = arith.constant 0 : i32
          %dma_start3A_185 = tpu.memref_slice %arg3[%add3A_178, %dma_start3A_183, %dma_start3A_184] : memref<3648x2x88xi32, #tpu.memory_space<hbm>> -> memref<1x2x88xi32, #tpu.memory_space<hbm>>
          %dma_start3A_186 = tpu.memref_squeeze %dma_start3A_185 : memref<1x2x88xi32, #tpu.memory_space<hbm>> -> memref<2x88xi32, #tpu.memory_space<hbm>>
          %dma_start3A_187 = arith.constant 0 : i32
          %dma_start3A_188 = arith.constant 0 : i32
          %dma_start3A_189 = tpu.memref_slice %run_scoped3A[%dma_start3A, %dma_start3A_187, %dma_start3A_188] : memref<4x2x88xi32, #tpu.memory_space<vmem>> -> memref<1x2x88xi32, #tpu.memory_space<vmem>>
          %dma_start3A_190 = tpu.memref_squeeze %dma_start3A_189 : memref<1x2x88xi32, #tpu.memory_space<vmem>> -> memref<2x88xi32, #tpu.memory_space<vmem>>
          %dma_start3A_191 = arith.constant 0 : i32
          %dma_start3A_192 = arith.constant 0 : i32
          %dma_start3A_193 = tpu.memref_slice %arg3[%add3A_178, %dma_start3A_191, %dma_start3A_192] : memref<3648x2x88xi32, #tpu.memory_space<hbm>> -> memref<1x2x88xi32, #tpu.memory_space<hbm>>
          %dma_start3A_194 = tpu.memref_squeeze %dma_start3A_193 : memref<1x2x88xi32, #tpu.memory_space<hbm>> -> memref<2x88xi32, #tpu.memory_space<hbm>>
          tpu.enqueue_dma source(%dma_start3A_194 : memref<2x88xi32, #tpu.memory_space<hbm>>) target(%dma_start3A_190 : memref<2x88xi32, #tpu.memory_space<vmem>>) target_semaphore(%run_scoped3A_8 : memref<!tpu.dma_semaphore, #tpu.memory_space<semaphore_mem>>)
        } else {
        }
        %sub3A_99 = arith.constant 1 : i32
        %sub3A_100 = arith.subi %add3A_93, %sub3A_99 : i32
        %ge3A_101 = arith.constant 0 : i32
        %ge3A_102 = arith.cmpi sge, %sub3A_100, %ge3A_101 : i32
        %lt3A_103 = arith.constant 114 : i32
        %lt3A_104 = arith.cmpi slt, %sub3A_100, %lt3A_103 : i32
        %and3A_105 = arith.andi %ge3A_102, %lt3A_104 : i1
        %convert_element_type3A_106 = arith.extui %and3A_105 : i1 to i32
        %cond3A_107 = arith.constant 0 : i32
        %cond3A_108 = arith.cmpi ne, %convert_element_type3A_106, %cond3A_107 : i32
        scf.if %cond3A_108 {
          %add3A_173 = arith.addi %mul3A_4, %sub3A_100 : i32
          %dma_wait3A_174 = arith.constant 0 : i32
          %dma_wait3A_175 = arith.constant 0 : i32
          %dma_wait3A_176 = arith.constant 0 : i32
          %dma_wait3A_177 = tpu.memref_slice %run_scoped3A[%dma_wait3A_174, %dma_wait3A_175, %dma_wait3A_176] : memref<4x2x88xi32, #tpu.memory_space<vmem>> -> memref<1x2x88xi32, #tpu.memory_space<vmem>>
          %dma_wait3A_178 = tpu.memref_squeeze %dma_wait3A_177 : memref<1x2x88xi32, #tpu.memory_space<vmem>> -> memref<2x88xi32, #tpu.memory_space<vmem>>
          %dma_wait3A_179 = arith.constant 0 : i32
          %dma_wait3A_180 = arith.constant 0 : i32
          %dma_wait3A_181 = tpu.memref_slice %arg3[%add3A_173, %dma_wait3A_179, %dma_wait3A_180] : memref<3648x2x88xi32, #tpu.memory_space<hbm>> -> memref<1x2x88xi32, #tpu.memory_space<hbm>>
          %dma_wait3A_182 = tpu.memref_squeeze %dma_wait3A_181 : memref<1x2x88xi32, #tpu.memory_space<hbm>> -> memref<2x88xi32, #tpu.memory_space<hbm>>
          %dma_wait3A_183 = arith.constant 0 : i32
          %dma_wait3A_184 = arith.constant 0 : i32
          %dma_wait3A_185 = tpu.memref_slice %run_scoped3A[%dma_wait3A_174, %dma_wait3A_183, %dma_wait3A_184] : memref<4x2x88xi32, #tpu.memory_space<vmem>> -> memref<1x2x88xi32, #tpu.memory_space<vmem>>
          %dma_wait3A_186 = tpu.memref_squeeze %dma_wait3A_185 : memref<1x2x88xi32, #tpu.memory_space<vmem>> -> memref<2x88xi32, #tpu.memory_space<vmem>>
          %dma_wait3A_187 = arith.constant 0 : i32
          %dma_wait3A_188 = arith.constant 0 : i32
          %dma_wait3A_189 = tpu.memref_slice %arg3[%add3A_173, %dma_wait3A_187, %dma_wait3A_188] : memref<3648x2x88xi32, #tpu.memory_space<hbm>> -> memref<1x2x88xi32, #tpu.memory_space<hbm>>
          %dma_wait3A_190 = tpu.memref_squeeze %dma_wait3A_189 : memref<1x2x88xi32, #tpu.memory_space<hbm>> -> memref<2x88xi32, #tpu.memory_space<hbm>>
          tpu.wait_dma2 semaphore(%run_scoped3A_7 : memref<!tpu.dma_semaphore, #tpu.memory_space<semaphore_mem>>) src(%dma_wait3A_190 : memref<2x88xi32, #tpu.memory_space<hbm>>) dst(%dma_wait3A_186 : memref<2x88xi32, #tpu.memory_space<vmem>>)
          %dma_start3A = arith.constant 0 : i32
          %dma_start3A_191 = arith.constant 0 : i32
          %dma_start3A_192 = arith.constant 0 : i32
          %dma_start3A_193 = arith.constant 0 : i32
          %dma_start3A_194 = tpu.memref_slice %run_scoped3A_6[%dma_start3A_192, %dma_start3A_193] : memref<352x128xf32, #tpu.memory_space<vmem>> -> memref<88x128xf32, #tpu.memory_space<vmem>>
          %dma_start3A_195 = arith.constant 0 : i32
          %dma_start3A_196 = tpu.memref_slice %run_scoped3A[%dma_start3A, %dma_start3A_191, %dma_start3A_195] : memref<4x2x88xi32, #tpu.memory_space<vmem>> -> memref<1x1x88xi32, #tpu.memory_space<vmem>>
          %dma_start3A_197 = tpu.memref_squeeze %dma_start3A_196 : memref<1x1x88xi32, #tpu.memory_space<vmem>> -> memref<88xi32, #tpu.memory_space<vmem>>
          %dma_start3A_198 = arith.constant 0 : i32
          %dma_start3A_199 = arith.constant 0 : i32
          %dma_start3A_200 = tpu.memref_slice %arg2[%dma_start3A_198, %dma_start3A_199] : memref<10240x128xf32, #tpu.memory_space<hbm>> -> memref<10240x128xf32, #tpu.memory_space<hbm>>
          tpu.enqueue_indirect_dma source(%dma_start3A_200 : memref<10240x128xf32, #tpu.memory_space<hbm>>) target(%dma_start3A_194 : memref<88x128xf32, #tpu.memory_space<vmem>>) offsets(%dma_start3A_197 : memref<88xi32, #tpu.memory_space<vmem>>) semaphore(%run_scoped3A_11 : memref<!tpu.dma_semaphore, #tpu.memory_space<semaphore_mem>>)
        } else {
        }
        %sub3A_109 = arith.constant 3 : i32
        %sub3A_110 = arith.subi %add3A_93, %sub3A_109 : i32
        %ge3A_111 = arith.constant 0 : i32
        %ge3A_112 = arith.cmpi sge, %sub3A_110, %ge3A_111 : i32
        %lt3A_113 = arith.constant 114 : i32
        %lt3A_114 = arith.cmpi slt, %sub3A_110, %lt3A_113 : i32
        %and3A_115 = arith.andi %ge3A_112, %lt3A_114 : i1
        %convert_element_type3A_116 = arith.extui %and3A_115 : i1 to i32
        %cond3A_117 = arith.constant 0 : i32
        %cond3A_118 = arith.cmpi ne, %convert_element_type3A_116, %cond3A_117 : i32
        scf.if %cond3A_118 {
          %dma_wait3A_173 = arith.constant 2 : i32
          %dma_wait3A_174 = arith.constant 0 : i32
          %dma_wait3A_175 = arith.constant 176 : i32
          %dma_wait3A_176 = arith.constant 0 : i32
          %dma_wait3A_177 = tpu.memref_slice %run_scoped3A_6[%dma_wait3A_175, %dma_wait3A_176] : memref<352x128xf32, #tpu.memory_space<vmem>> -> memref<88x128xf32, #tpu.memory_space<vmem>>
          %dma_wait3A_178 = arith.constant 0 : i32
          %dma_wait3A_179 = tpu.memref_slice %run_scoped3A[%dma_wait3A_173, %dma_wait3A_174, %dma_wait3A_178] : memref<4x2x88xi32, #tpu.memory_space<vmem>> -> memref<1x1x88xi32, #tpu.memory_space<vmem>>
          %dma_wait3A_180 = tpu.memref_squeeze %dma_wait3A_179 : memref<1x1x88xi32, #tpu.memory_space<vmem>> -> memref<88xi32, #tpu.memory_space<vmem>>
          %dma_wait3A_181 = arith.constant 0 : i32
          %dma_wait3A_182 = arith.constant 0 : i32
          %dma_wait3A_183 = tpu.memref_slice %arg2[%dma_wait3A_181, %dma_wait3A_182] : memref<10240x128xf32, #tpu.memory_space<hbm>> -> memref<10240x128xf32, #tpu.memory_space<hbm>>
          tpu.wait_indirect_dma semaphore(%run_scoped3A_13 : memref<!tpu.dma_semaphore, #tpu.memory_space<semaphore_mem>>) src(%dma_wait3A_183 : memref<10240x128xf32, #tpu.memory_space<hbm>>) dst(%dma_wait3A_177 : memref<88x128xf32, #tpu.memory_space<vmem>>)
          %dma_start3A = arith.constant 2 : i32
          %dma_start3A_184 = arith.constant 1 : i32
          %dma_start3A_185 = arith.constant 176 : i32
          %dma_start3A_186 = arith.constant 0 : i32
          %dma_start3A_187 = tpu.memref_slice %run_scoped3A_6[%dma_start3A_185, %dma_start3A_186] : memref<352x128xf32, #tpu.memory_space<vmem>> -> memref<88x128xf32, #tpu.memory_space<vmem>>
          %dma_start3A_188 = arith.constant 0 : i32
          %dma_start3A_189 = tpu.memref_slice %run_scoped3A[%dma_start3A, %dma_start3A_184, %dma_start3A_188] : memref<4x2x88xi32, #tpu.memory_space<vmem>> -> memref<1x1x88xi32, #tpu.memory_space<vmem>>
          %dma_start3A_190 = tpu.memref_squeeze %dma_start3A_189 : memref<1x1x88xi32, #tpu.memory_space<vmem>> -> memref<88xi32, #tpu.memory_space<vmem>>
          %dma_start3A_191 = arith.constant 0 : i32
          %dma_start3A_192 = arith.constant 0 : i32
          %dma_start3A_193 = tpu.memref_slice %arg6[%dma_start3A_191, %dma_start3A_192] : memref<10240x128xf32, #tpu.memory_space<vmem_shared>> -> memref<10240x128xf32, #tpu.memory_space<vmem_shared>>
          tpu.enqueue_indirect_dma source(%dma_start3A_187 : memref<88x128xf32, #tpu.memory_space<vmem>>) target(%dma_start3A_193 : memref<10240x128xf32, #tpu.memory_space<vmem_shared>>) offsets(%dma_start3A_190 : memref<88xi32, #tpu.memory_space<vmem>>) semaphore(%run_scoped3A_17 : memref<!tpu.dma_semaphore, #tpu.memory_space<semaphore_mem>>) {add = true}
        } else {
        }
        %add3A_119 = arith.constant 2 : i32
        %add3A_120 = arith.addi %add3A_70, %add3A_119 : i32
        %lt3A_121 = arith.constant 114 : i32
        %lt3A_122 = arith.cmpi slt, %add3A_120, %lt3A_121 : i32
        %convert_element_type3A_123 = arith.extui %lt3A_122 : i1 to i32
        %cond3A_124 = arith.constant 0 : i32
        %cond3A_125 = arith.cmpi ne, %convert_element_type3A_123, %cond3A_124 : i32
        scf.if %cond3A_125 {
          %ge3A_173 = arith.constant 4 : i32
          %ge3A_174 = arith.cmpi sge, %add3A_120, %ge3A_173 : i32
          %convert_element_type3A_175 = arith.extui %ge3A_174 : i1 to i32
          %cond3A_176 = arith.constant 0 : i32
          %cond3A_177 = arith.cmpi ne, %convert_element_type3A_175, %cond3A_176 : i32
          scf.if %cond3A_177 {
            %dma_wait3A_195 = arith.constant 2 : i32
            %dma_wait3A_196 = arith.constant 1 : i32
            %dma_wait3A_197 = arith.constant 176 : i32
            %dma_wait3A_198 = arith.constant 0 : i32
            %dma_wait3A_199 = tpu.memref_slice %run_scoped3A_6[%dma_wait3A_197, %dma_wait3A_198] : memref<352x128xf32, #tpu.memory_space<vmem>> -> memref<88x128xf32, #tpu.memory_space<vmem>>
            %dma_wait3A_200 = arith.constant 0 : i32
            %dma_wait3A_201 = tpu.memref_slice %run_scoped3A[%dma_wait3A_195, %dma_wait3A_196, %dma_wait3A_200] : memref<4x2x88xi32, #tpu.memory_space<vmem>> -> memref<1x1x88xi32, #tpu.memory_space<vmem>>
            %dma_wait3A_202 = tpu.memref_squeeze %dma_wait3A_201 : memref<1x1x88xi32, #tpu.memory_space<vmem>> -> memref<88xi32, #tpu.memory_space<vmem>>
            %dma_wait3A_203 = arith.constant 0 : i32
            %dma_wait3A_204 = arith.constant 0 : i32
            %dma_wait3A_205 = tpu.memref_slice %arg6[%dma_wait3A_203, %dma_wait3A_204] : memref<10240x128xf32, #tpu.memory_space<vmem_shared>> -> memref<10240x128xf32, #tpu.memory_space<vmem_shared>>
            tpu.wait_indirect_dma semaphore(%run_scoped3A_17 : memref<!tpu.dma_semaphore, #tpu.memory_space<semaphore_mem>>) src(%dma_wait3A_199 : memref<88x128xf32, #tpu.memory_space<vmem>>) dst(%dma_wait3A_205 : memref<10240x128xf32, #tpu.memory_space<vmem_shared>>)
          } else {
          }
          %add3A_178 = arith.addi %mul3A_4, %add3A_120 : i32
          %dma_start3A = arith.constant 2 : i32
          %dma_start3A_179 = arith.constant 0 : i32
          %dma_start3A_180 = arith.constant 0 : i32
          %dma_start3A_181 = tpu.memref_slice %run_scoped3A[%dma_start3A, %dma_start3A_179, %dma_start3A_180] : memref<4x2x88xi32, #tpu.memory_space<vmem>> -> memref<1x2x88xi32, #tpu.memory_space<vmem>>
          %dma_start3A_182 = tpu.memref_squeeze %dma_start3A_181 : memref<1x2x88xi32, #tpu.memory_space<vmem>> -> memref<2x88xi32, #tpu.memory_space<vmem>>
          %dma_start3A_183 = arith.constant 0 : i32
          %dma_start3A_184 = arith.constant 0 : i32
          %dma_start3A_185 = tpu.memref_slice %arg3[%add3A_178, %dma_start3A_183, %dma_start3A_184] : memref<3648x2x88xi32, #tpu.memory_space<hbm>> -> memref<1x2x88xi32, #tpu.memory_space<hbm>>
          %dma_start3A_186 = tpu.memref_squeeze %dma_start3A_185 : memref<1x2x88xi32, #tpu.memory_space<hbm>> -> memref<2x88xi32, #tpu.memory_space<hbm>>
          %dma_start3A_187 = arith.constant 0 : i32
          %dma_start3A_188 = arith.constant 0 : i32
          %dma_start3A_189 = tpu.memref_slice %run_scoped3A[%dma_start3A, %dma_start3A_187, %dma_start3A_188] : memref<4x2x88xi32, #tpu.memory_space<vmem>> -> memref<1x2x88xi32, #tpu.memory_space<vmem>>
          %dma_start3A_190 = tpu.memref_squeeze %dma_start3A_189 : memref<1x2x88xi32, #tpu.memory_space<vmem>> -> memref<2x88xi32, #tpu.memory_space<vmem>>
          %dma_start3A_191 = arith.constant 0 : i32
          %dma_start3A_192 = arith.constant 0 : i32
          %dma_start3A_193 = tpu.memref_slice %arg3[%add3A_178, %dma_start3A_191, %dma_start3A_192] : memref<3648x2x88xi32, #tpu.memory_space<hbm>> -> memref<1x2x88xi32, #tpu.memory_space<hbm>>
          %dma_start3A_194 = tpu.memref_squeeze %dma_start3A_193 : memref<1x2x88xi32, #tpu.memory_space<hbm>> -> memref<2x88xi32, #tpu.memory_space<hbm>>
          tpu.enqueue_dma source(%dma_start3A_194 : memref<2x88xi32, #tpu.memory_space<hbm>>) target(%dma_start3A_190 : memref<2x88xi32, #tpu.memory_space<vmem>>) target_semaphore(%run_scoped3A_9 : memref<!tpu.dma_semaphore, #tpu.memory_space<semaphore_mem>>)
        } else {
        }
        %sub3A_126 = arith.constant 1 : i32
        %sub3A_127 = arith.subi %add3A_120, %sub3A_126 : i32
        %ge3A_128 = arith.constant 0 : i32
        %ge3A_129 = arith.cmpi sge, %sub3A_127, %ge3A_128 : i32
        %lt3A_130 = arith.constant 114 : i32
        %lt3A_131 = arith.cmpi slt, %sub3A_127, %lt3A_130 : i32
        %and3A_132 = arith.andi %ge3A_129, %lt3A_131 : i1
        %convert_element_type3A_133 = arith.extui %and3A_132 : i1 to i32
        %cond3A_134 = arith.constant 0 : i32
        %cond3A_135 = arith.cmpi ne, %convert_element_type3A_133, %cond3A_134 : i32
        scf.if %cond3A_135 {
          %add3A_173 = arith.addi %mul3A_4, %sub3A_127 : i32
          %dma_wait3A_174 = arith.constant 1 : i32
          %dma_wait3A_175 = arith.constant 0 : i32
          %dma_wait3A_176 = arith.constant 0 : i32
          %dma_wait3A_177 = tpu.memref_slice %run_scoped3A[%dma_wait3A_174, %dma_wait3A_175, %dma_wait3A_176] : memref<4x2x88xi32, #tpu.memory_space<vmem>> -> memref<1x2x88xi32, #tpu.memory_space<vmem>>
          %dma_wait3A_178 = tpu.memref_squeeze %dma_wait3A_177 : memref<1x2x88xi32, #tpu.memory_space<vmem>> -> memref<2x88xi32, #tpu.memory_space<vmem>>
          %dma_wait3A_179 = arith.constant 0 : i32
          %dma_wait3A_180 = arith.constant 0 : i32
          %dma_wait3A_181 = tpu.memref_slice %arg3[%add3A_173, %dma_wait3A_179, %dma_wait3A_180] : memref<3648x2x88xi32, #tpu.memory_space<hbm>> -> memref<1x2x88xi32, #tpu.memory_space<hbm>>
          %dma_wait3A_182 = tpu.memref_squeeze %dma_wait3A_181 : memref<1x2x88xi32, #tpu.memory_space<hbm>> -> memref<2x88xi32, #tpu.memory_space<hbm>>
          %dma_wait3A_183 = arith.constant 0 : i32
          %dma_wait3A_184 = arith.constant 0 : i32
          %dma_wait3A_185 = tpu.memref_slice %run_scoped3A[%dma_wait3A_174, %dma_wait3A_183, %dma_wait3A_184] : memref<4x2x88xi32, #tpu.memory_space<vmem>> -> memref<1x2x88xi32, #tpu.memory_space<vmem>>
          %dma_wait3A_186 = tpu.memref_squeeze %dma_wait3A_185 : memref<1x2x88xi32, #tpu.memory_space<vmem>> -> memref<2x88xi32, #tpu.memory_space<vmem>>
          %dma_wait3A_187 = arith.constant 0 : i32
          %dma_wait3A_188 = arith.constant 0 : i32
          %dma_wait3A_189 = tpu.memref_slice %arg3[%add3A_173, %dma_wait3A_187, %dma_wait3A_188] : memref<3648x2x88xi32, #tpu.memory_space<hbm>> -> memref<1x2x88xi32, #tpu.memory_space<hbm>>
          %dma_wait3A_190 = tpu.memref_squeeze %dma_wait3A_189 : memref<1x2x88xi32, #tpu.memory_space<hbm>> -> memref<2x88xi32, #tpu.memory_space<hbm>>
          tpu.wait_dma2 semaphore(%run_scoped3A_8 : memref<!tpu.dma_semaphore, #tpu.memory_space<semaphore_mem>>) src(%dma_wait3A_190 : memref<2x88xi32, #tpu.memory_space<hbm>>) dst(%dma_wait3A_186 : memref<2x88xi32, #tpu.memory_space<vmem>>)
          %dma_start3A = arith.constant 1 : i32
          %dma_start3A_191 = arith.constant 0 : i32
          %dma_start3A_192 = arith.constant 88 : i32
          %dma_start3A_193 = arith.constant 0 : i32
          %dma_start3A_194 = tpu.memref_slice %run_scoped3A_6[%dma_start3A_192, %dma_start3A_193] : memref<352x128xf32, #tpu.memory_space<vmem>> -> memref<88x128xf32, #tpu.memory_space<vmem>>
          %dma_start3A_195 = arith.constant 0 : i32
          %dma_start3A_196 = tpu.memref_slice %run_scoped3A[%dma_start3A, %dma_start3A_191, %dma_start3A_195] : memref<4x2x88xi32, #tpu.memory_space<vmem>> -> memref<1x1x88xi32, #tpu.memory_space<vmem>>
          %dma_start3A_197 = tpu.memref_squeeze %dma_start3A_196 : memref<1x1x88xi32, #tpu.memory_space<vmem>> -> memref<88xi32, #tpu.memory_space<vmem>>
          %dma_start3A_198 = arith.constant 0 : i32
          %dma_start3A_199 = arith.constant 0 : i32
          %dma_start3A_200 = tpu.memref_slice %arg2[%dma_start3A_198, %dma_start3A_199] : memref<10240x128xf32, #tpu.memory_space<hbm>> -> memref<10240x128xf32, #tpu.memory_space<hbm>>
          tpu.enqueue_indirect_dma source(%dma_start3A_200 : memref<10240x128xf32, #tpu.memory_space<hbm>>) target(%dma_start3A_194 : memref<88x128xf32, #tpu.memory_space<vmem>>) offsets(%dma_start3A_197 : memref<88xi32, #tpu.memory_space<vmem>>) semaphore(%run_scoped3A_12 : memref<!tpu.dma_semaphore, #tpu.memory_space<semaphore_mem>>)
        } else {
        }
        %sub3A_136 = arith.constant 3 : i32
        %sub3A_137 = arith.subi %add3A_120, %sub3A_136 : i32
        %ge3A_138 = arith.constant 0 : i32
        %ge3A_139 = arith.cmpi sge, %sub3A_137, %ge3A_138 : i32
        %lt3A_140 = arith.constant 114 : i32
        %lt3A_141 = arith.cmpi slt, %sub3A_137, %lt3A_140 : i32
        %and3A_142 = arith.andi %ge3A_139, %lt3A_141 : i1
        %convert_element_type3A_143 = arith.extui %and3A_142 : i1 to i32
        %cond3A_144 = arith.constant 0 : i32
        %cond3A_145 = arith.cmpi ne, %convert_element_type3A_143, %cond3A_144 : i32
        scf.if %cond3A_145 {
          %dma_wait3A_173 = arith.constant 3 : i32
          %dma_wait3A_174 = arith.constant 0 : i32
          %dma_wait3A_175 = arith.constant 264 : i32
          %dma_wait3A_176 = arith.constant 0 : i32
          %dma_wait3A_177 = tpu.memref_slice %run_scoped3A_6[%dma_wait3A_175, %dma_wait3A_176] : memref<352x128xf32, #tpu.memory_space<vmem>> -> memref<88x128xf32, #tpu.memory_space<vmem>>
          %dma_wait3A_178 = arith.constant 0 : i32
          %dma_wait3A_179 = tpu.memref_slice %run_scoped3A[%dma_wait3A_173, %dma_wait3A_174, %dma_wait3A_178] : memref<4x2x88xi32, #tpu.memory_space<vmem>> -> memref<1x1x88xi32, #tpu.memory_space<vmem>>
          %dma_wait3A_180 = tpu.memref_squeeze %dma_wait3A_179 : memref<1x1x88xi32, #tpu.memory_space<vmem>> -> memref<88xi32, #tpu.memory_space<vmem>>
          %dma_wait3A_181 = arith.constant 0 : i32
          %dma_wait3A_182 = arith.constant 0 : i32
          %dma_wait3A_183 = tpu.memref_slice %arg2[%dma_wait3A_181, %dma_wait3A_182] : memref<10240x128xf32, #tpu.memory_space<hbm>> -> memref<10240x128xf32, #tpu.memory_space<hbm>>
          tpu.wait_indirect_dma semaphore(%run_scoped3A_14 : memref<!tpu.dma_semaphore, #tpu.memory_space<semaphore_mem>>) src(%dma_wait3A_183 : memref<10240x128xf32, #tpu.memory_space<hbm>>) dst(%dma_wait3A_177 : memref<88x128xf32, #tpu.memory_space<vmem>>)
          %dma_start3A = arith.constant 3 : i32
          %dma_start3A_184 = arith.constant 1 : i32
          %dma_start3A_185 = arith.constant 264 : i32
          %dma_start3A_186 = arith.constant 0 : i32
          %dma_start3A_187 = tpu.memref_slice %run_scoped3A_6[%dma_start3A_185, %dma_start3A_186] : memref<352x128xf32, #tpu.memory_space<vmem>> -> memref<88x128xf32, #tpu.memory_space<vmem>>
          %dma_start3A_188 = arith.constant 0 : i32
          %dma_start3A_189 = tpu.memref_slice %run_scoped3A[%dma_start3A, %dma_start3A_184, %dma_start3A_188] : memref<4x2x88xi32, #tpu.memory_space<vmem>> -> memref<1x1x88xi32, #tpu.memory_space<vmem>>
          %dma_start3A_190 = tpu.memref_squeeze %dma_start3A_189 : memref<1x1x88xi32, #tpu.memory_space<vmem>> -> memref<88xi32, #tpu.memory_space<vmem>>
          %dma_start3A_191 = arith.constant 0 : i32
          %dma_start3A_192 = arith.constant 0 : i32
          %dma_start3A_193 = tpu.memref_slice %arg6[%dma_start3A_191, %dma_start3A_192] : memref<10240x128xf32, #tpu.memory_space<vmem_shared>> -> memref<10240x128xf32, #tpu.memory_space<vmem_shared>>
          tpu.enqueue_indirect_dma source(%dma_start3A_187 : memref<88x128xf32, #tpu.memory_space<vmem>>) target(%dma_start3A_193 : memref<10240x128xf32, #tpu.memory_space<vmem_shared>>) offsets(%dma_start3A_190 : memref<88xi32, #tpu.memory_space<vmem>>) semaphore(%run_scoped3A_18 : memref<!tpu.dma_semaphore, #tpu.memory_space<semaphore_mem>>) {add = true}
        } else {
        }
        %add3A_146 = arith.constant 3 : i32
        %add3A_147 = arith.addi %add3A_70, %add3A_146 : i32
        %lt3A_148 = arith.constant 114 : i32
        %lt3A_149 = arith.cmpi slt, %add3A_147, %lt3A_148 : i32
        %convert_element_type3A_150 = arith.extui %lt3A_149 : i1 to i32
        %cond3A_151 = arith.constant 0 : i32
        %cond3A_152 = arith.cmpi ne, %convert_element_type3A_150, %cond3A_151 : i32
        scf.if %cond3A_152 {
          %ge3A_173 = arith.constant 4 : i32
          %ge3A_174 = arith.cmpi sge, %add3A_147, %ge3A_173 : i32
          %convert_element_type3A_175 = arith.extui %ge3A_174 : i1 to i32
          %cond3A_176 = arith.constant 0 : i32
          %cond3A_177 = arith.cmpi ne, %convert_element_type3A_175, %cond3A_176 : i32
          scf.if %cond3A_177 {
            %dma_wait3A_195 = arith.constant 3 : i32
            %dma_wait3A_196 = arith.constant 1 : i32
            %dma_wait3A_197 = arith.constant 264 : i32
            %dma_wait3A_198 = arith.constant 0 : i32
            %dma_wait3A_199 = tpu.memref_slice %run_scoped3A_6[%dma_wait3A_197, %dma_wait3A_198] : memref<352x128xf32, #tpu.memory_space<vmem>> -> memref<88x128xf32, #tpu.memory_space<vmem>>
            %dma_wait3A_200 = arith.constant 0 : i32
            %dma_wait3A_201 = tpu.memref_slice %run_scoped3A[%dma_wait3A_195, %dma_wait3A_196, %dma_wait3A_200] : memref<4x2x88xi32, #tpu.memory_space<vmem>> -> memref<1x1x88xi32, #tpu.memory_space<vmem>>
            %dma_wait3A_202 = tpu.memref_squeeze %dma_wait3A_201 : memref<1x1x88xi32, #tpu.memory_space<vmem>> -> memref<88xi32, #tpu.memory_space<vmem>>
            %dma_wait3A_203 = arith.constant 0 : i32
            %dma_wait3A_204 = arith.constant 0 : i32
            %dma_wait3A_205 = tpu.memref_slice %arg6[%dma_wait3A_203, %dma_wait3A_204] : memref<10240x128xf32, #tpu.memory_space<vmem_shared>> -> memref<10240x128xf32, #tpu.memory_space<vmem_shared>>
            tpu.wait_indirect_dma semaphore(%run_scoped3A_18 : memref<!tpu.dma_semaphore, #tpu.memory_space<semaphore_mem>>) src(%dma_wait3A_199 : memref<88x128xf32, #tpu.memory_space<vmem>>) dst(%dma_wait3A_205 : memref<10240x128xf32, #tpu.memory_space<vmem_shared>>)
          } else {
          }
          %add3A_178 = arith.addi %mul3A_4, %add3A_147 : i32
          %dma_start3A = arith.constant 3 : i32
          %dma_start3A_179 = arith.constant 0 : i32
          %dma_start3A_180 = arith.constant 0 : i32
          %dma_start3A_181 = tpu.memref_slice %run_scoped3A[%dma_start3A, %dma_start3A_179, %dma_start3A_180] : memref<4x2x88xi32, #tpu.memory_space<vmem>> -> memref<1x2x88xi32, #tpu.memory_space<vmem>>
          %dma_start3A_182 = tpu.memref_squeeze %dma_start3A_181 : memref<1x2x88xi32, #tpu.memory_space<vmem>> -> memref<2x88xi32, #tpu.memory_space<vmem>>
          %dma_start3A_183 = arith.constant 0 : i32
          %dma_start3A_184 = arith.constant 0 : i32
          %dma_start3A_185 = tpu.memref_slice %arg3[%add3A_178, %dma_start3A_183, %dma_start3A_184] : memref<3648x2x88xi32, #tpu.memory_space<hbm>> -> memref<1x2x88xi32, #tpu.memory_space<hbm>>
          %dma_start3A_186 = tpu.memref_squeeze %dma_start3A_185 : memref<1x2x88xi32, #tpu.memory_space<hbm>> -> memref<2x88xi32, #tpu.memory_space<hbm>>
          %dma_start3A_187 = arith.constant 0 : i32
          %dma_start3A_188 = arith.constant 0 : i32
          %dma_start3A_189 = tpu.memref_slice %run_scoped3A[%dma_start3A, %dma_start3A_187, %dma_start3A_188] : memref<4x2x88xi32, #tpu.memory_space<vmem>> -> memref<1x2x88xi32, #tpu.memory_space<vmem>>
          %dma_start3A_190 = tpu.memref_squeeze %dma_start3A_189 : memref<1x2x88xi32, #tpu.memory_space<vmem>> -> memref<2x88xi32, #tpu.memory_space<vmem>>
          %dma_start3A_191 = arith.constant 0 : i32
          %dma_start3A_192 = arith.constant 0 : i32
          %dma_start3A_193 = tpu.memref_slice %arg3[%add3A_178, %dma_start3A_191, %dma_start3A_192] : memref<3648x2x88xi32, #tpu.memory_space<hbm>> -> memref<1x2x88xi32, #tpu.memory_space<hbm>>
          %dma_start3A_194 = tpu.memref_squeeze %dma_start3A_193 : memref<1x2x88xi32, #tpu.memory_space<hbm>> -> memref<2x88xi32, #tpu.memory_space<hbm>>
          tpu.enqueue_dma source(%dma_start3A_194 : memref<2x88xi32, #tpu.memory_space<hbm>>) target(%dma_start3A_190 : memref<2x88xi32, #tpu.memory_space<vmem>>) target_semaphore(%run_scoped3A_10 : memref<!tpu.dma_semaphore, #tpu.memory_space<semaphore_mem>>)
        } else {
        }
        %sub3A_153 = arith.constant 1 : i32
        %sub3A_154 = arith.subi %add3A_147, %sub3A_153 : i32
        %ge3A_155 = arith.constant 0 : i32
        %ge3A_156 = arith.cmpi sge, %sub3A_154, %ge3A_155 : i32
        %lt3A_157 = arith.constant 114 : i32
        %lt3A_158 = arith.cmpi slt, %sub3A_154, %lt3A_157 : i32
        %and3A_159 = arith.andi %ge3A_156, %lt3A_158 : i1
        %convert_element_type3A_160 = arith.extui %and3A_159 : i1 to i32
        %cond3A_161 = arith.constant 0 : i32
        %cond3A_162 = arith.cmpi ne, %convert_element_type3A_160, %cond3A_161 : i32
        scf.if %cond3A_162 {
          %add3A_173 = arith.addi %mul3A_4, %sub3A_154 : i32
          %dma_wait3A_174 = arith.constant 2 : i32
          %dma_wait3A_175 = arith.constant 0 : i32
          %dma_wait3A_176 = arith.constant 0 : i32
          %dma_wait3A_177 = tpu.memref_slice %run_scoped3A[%dma_wait3A_174, %dma_wait3A_175, %dma_wait3A_176] : memref<4x2x88xi32, #tpu.memory_space<vmem>> -> memref<1x2x88xi32, #tpu.memory_space<vmem>>
          %dma_wait3A_178 = tpu.memref_squeeze %dma_wait3A_177 : memref<1x2x88xi32, #tpu.memory_space<vmem>> -> memref<2x88xi32, #tpu.memory_space<vmem>>
          %dma_wait3A_179 = arith.constant 0 : i32
          %dma_wait3A_180 = arith.constant 0 : i32
          %dma_wait3A_181 = tpu.memref_slice %arg3[%add3A_173, %dma_wait3A_179, %dma_wait3A_180] : memref<3648x2x88xi32, #tpu.memory_space<hbm>> -> memref<1x2x88xi32, #tpu.memory_space<hbm>>
          %dma_wait3A_182 = tpu.memref_squeeze %dma_wait3A_181 : memref<1x2x88xi32, #tpu.memory_space<hbm>> -> memref<2x88xi32, #tpu.memory_space<hbm>>
          %dma_wait3A_183 = arith.constant 0 : i32
          %dma_wait3A_184 = arith.constant 0 : i32
          %dma_wait3A_185 = tpu.memref_slice %run_scoped3A[%dma_wait3A_174, %dma_wait3A_183, %dma_wait3A_184] : memref<4x2x88xi32, #tpu.memory_space<vmem>> -> memref<1x2x88xi32, #tpu.memory_space<vmem>>
          %dma_wait3A_186 = tpu.memref_squeeze %dma_wait3A_185 : memref<1x2x88xi32, #tpu.memory_space<vmem>> -> memref<2x88xi32, #tpu.memory_space<vmem>>
          %dma_wait3A_187 = arith.constant 0 : i32
          %dma_wait3A_188 = arith.constant 0 : i32
          %dma_wait3A_189 = tpu.memref_slice %arg3[%add3A_173, %dma_wait3A_187, %dma_wait3A_188] : memref<3648x2x88xi32, #tpu.memory_space<hbm>> -> memref<1x2x88xi32, #tpu.memory_space<hbm>>
          %dma_wait3A_190 = tpu.memref_squeeze %dma_wait3A_189 : memref<1x2x88xi32, #tpu.memory_space<hbm>> -> memref<2x88xi32, #tpu.memory_space<hbm>>
          tpu.wait_dma2 semaphore(%run_scoped3A_9 : memref<!tpu.dma_semaphore, #tpu.memory_space<semaphore_mem>>) src(%dma_wait3A_190 : memref<2x88xi32, #tpu.memory_space<hbm>>) dst(%dma_wait3A_186 : memref<2x88xi32, #tpu.memory_space<vmem>>)
          %dma_start3A = arith.constant 2 : i32
          %dma_start3A_191 = arith.constant 0 : i32
          %dma_start3A_192 = arith.constant 176 : i32
          %dma_start3A_193 = arith.constant 0 : i32
          %dma_start3A_194 = tpu.memref_slice %run_scoped3A_6[%dma_start3A_192, %dma_start3A_193] : memref<352x128xf32, #tpu.memory_space<vmem>> -> memref<88x128xf32, #tpu.memory_space<vmem>>
          %dma_start3A_195 = arith.constant 0 : i32
          %dma_start3A_196 = tpu.memref_slice %run_scoped3A[%dma_start3A, %dma_start3A_191, %dma_start3A_195] : memref<4x2x88xi32, #tpu.memory_space<vmem>> -> memref<1x1x88xi32, #tpu.memory_space<vmem>>
          %dma_start3A_197 = tpu.memref_squeeze %dma_start3A_196 : memref<1x1x88xi32, #tpu.memory_space<vmem>> -> memref<88xi32, #tpu.memory_space<vmem>>
          %dma_start3A_198 = arith.constant 0 : i32
          %dma_start3A_199 = arith.constant 0 : i32
          %dma_start3A_200 = tpu.memref_slice %arg2[%dma_start3A_198, %dma_start3A_199] : memref<10240x128xf32, #tpu.memory_space<hbm>> -> memref<10240x128xf32, #tpu.memory_space<hbm>>
          tpu.enqueue_indirect_dma source(%dma_start3A_200 : memref<10240x128xf32, #tpu.memory_space<hbm>>) target(%dma_start3A_194 : memref<88x128xf32, #tpu.memory_space<vmem>>) offsets(%dma_start3A_197 : memref<88xi32, #tpu.memory_space<vmem>>) semaphore(%run_scoped3A_13 : memref<!tpu.dma_semaphore, #tpu.memory_space<semaphore_mem>>)
        } else {
        }
        %sub3A_163 = arith.constant 3 : i32
        %sub3A_164 = arith.subi %add3A_147, %sub3A_163 : i32
        %ge3A_165 = arith.constant 0 : i32
        %ge3A_166 = arith.cmpi sge, %sub3A_164, %ge3A_165 : i32
        %lt3A_167 = arith.constant 114 : i32
        %lt3A_168 = arith.cmpi slt, %sub3A_164, %lt3A_167 : i32
        %and3A_169 = arith.andi %ge3A_166, %lt3A_168 : i1
        %convert_element_type3A_170 = arith.extui %and3A_169 : i1 to i32
        %cond3A_171 = arith.constant 0 : i32
        %cond3A_172 = arith.cmpi ne, %convert_element_type3A_170, %cond3A_171 : i32
        scf.if %cond3A_172 {
          %dma_wait3A_173 = arith.constant 0 : i32
          %dma_wait3A_174 = arith.constant 0 : i32
          %dma_wait3A_175 = arith.constant 0 : i32
          %dma_wait3A_176 = arith.constant 0 : i32
          %dma_wait3A_177 = tpu.memref_slice %run_scoped3A_6[%dma_wait3A_175, %dma_wait3A_176] : memref<352x128xf32, #tpu.memory_space<vmem>> -> memref<88x128xf32, #tpu.memory_space<vmem>>
          %dma_wait3A_178 = arith.constant 0 : i32
          %dma_wait3A_179 = tpu.memref_slice %run_scoped3A[%dma_wait3A_173, %dma_wait3A_174, %dma_wait3A_178] : memref<4x2x88xi32, #tpu.memory_space<vmem>> -> memref<1x1x88xi32, #tpu.memory_space<vmem>>
          %dma_wait3A_180 = tpu.memref_squeeze %dma_wait3A_179 : memref<1x1x88xi32, #tpu.memory_space<vmem>> -> memref<88xi32, #tpu.memory_space<vmem>>
          %dma_wait3A_181 = arith.constant 0 : i32
          %dma_wait3A_182 = arith.constant 0 : i32
          %dma_wait3A_183 = tpu.memref_slice %arg2[%dma_wait3A_181, %dma_wait3A_182] : memref<10240x128xf32, #tpu.memory_space<hbm>> -> memref<10240x128xf32, #tpu.memory_space<hbm>>
          tpu.wait_indirect_dma semaphore(%run_scoped3A_11 : memref<!tpu.dma_semaphore, #tpu.memory_space<semaphore_mem>>) src(%dma_wait3A_183 : memref<10240x128xf32, #tpu.memory_space<hbm>>) dst(%dma_wait3A_177 : memref<88x128xf32, #tpu.memory_space<vmem>>)
          %dma_start3A = arith.constant 0 : i32
          %dma_start3A_184 = arith.constant 1 : i32
          %dma_start3A_185 = arith.constant 0 : i32
          %dma_start3A_186 = arith.constant 0 : i32
          %dma_start3A_187 = tpu.memref_slice %run_scoped3A_6[%dma_start3A_185, %dma_start3A_186] : memref<352x128xf32, #tpu.memory_space<vmem>> -> memref<88x128xf32, #tpu.memory_space<vmem>>
          %dma_start3A_188 = arith.constant 0 : i32
          %dma_start3A_189 = tpu.memref_slice %run_scoped3A[%dma_start3A, %dma_start3A_184, %dma_start3A_188] : memref<4x2x88xi32, #tpu.memory_space<vmem>> -> memref<1x1x88xi32, #tpu.memory_space<vmem>>
          %dma_start3A_190 = tpu.memref_squeeze %dma_start3A_189 : memref<1x1x88xi32, #tpu.memory_space<vmem>> -> memref<88xi32, #tpu.memory_space<vmem>>
          %dma_start3A_191 = arith.constant 0 : i32
          %dma_start3A_192 = arith.constant 0 : i32
          %dma_start3A_193 = tpu.memref_slice %arg6[%dma_start3A_191, %dma_start3A_192] : memref<10240x128xf32, #tpu.memory_space<vmem_shared>> -> memref<10240x128xf32, #tpu.memory_space<vmem_shared>>
          tpu.enqueue_indirect_dma source(%dma_start3A_187 : memref<88x128xf32, #tpu.memory_space<vmem>>) target(%dma_start3A_193 : memref<10240x128xf32, #tpu.memory_space<vmem_shared>>) offsets(%dma_start3A_190 : memref<88xi32, #tpu.memory_space<vmem>>) semaphore(%run_scoped3A_15 : memref<!tpu.dma_semaphore, #tpu.memory_space<semaphore_mem>>) {add = true}
        } else {
        }
      }
      %scan3A_22 = arith.constant 30 : i32
      %dma_wait3A = arith.constant 0 : i32
      %dma_wait3A_23 = arith.constant 1 : i32
      %dma_wait3A_24 = arith.constant 0 : i32
      %dma_wait3A_25 = arith.constant 0 : i32
      %dma_wait3A_26 = tpu.memref_slice %run_scoped3A_6[%dma_wait3A_24, %dma_wait3A_25] : memref<352x128xf32, #tpu.memory_space<vmem>> -> memref<88x128xf32, #tpu.memory_space<vmem>>
      %dma_wait3A_27 = arith.constant 0 : i32
      %dma_wait3A_28 = tpu.memref_slice %run_scoped3A[%dma_wait3A, %dma_wait3A_23, %dma_wait3A_27] : memref<4x2x88xi32, #tpu.memory_space<vmem>> -> memref<1x1x88xi32, #tpu.memory_space<vmem>>
      %dma_wait3A_29 = tpu.memref_squeeze %dma_wait3A_28 : memref<1x1x88xi32, #tpu.memory_space<vmem>> -> memref<88xi32, #tpu.memory_space<vmem>>
      %dma_wait3A_30 = arith.constant 0 : i32
      %dma_wait3A_31 = arith.constant 0 : i32
      %dma_wait3A_32 = tpu.memref_slice %arg6[%dma_wait3A_30, %dma_wait3A_31] : memref<10240x128xf32, #tpu.memory_space<vmem_shared>> -> memref<10240x128xf32, #tpu.memory_space<vmem_shared>>
      tpu.wait_indirect_dma semaphore(%run_scoped3A_15 : memref<!tpu.dma_semaphore, #tpu.memory_space<semaphore_mem>>) src(%dma_wait3A_26 : memref<88x128xf32, #tpu.memory_space<vmem>>) dst(%dma_wait3A_32 : memref<10240x128xf32, #tpu.memory_space<vmem_shared>>)
      %dma_wait3A_33 = arith.constant 1 : i32
      %dma_wait3A_34 = arith.constant 1 : i32
      %dma_wait3A_35 = arith.constant 88 : i32
      %dma_wait3A_36 = arith.constant 0 : i32
      %dma_wait3A_37 = tpu.memref_slice %run_scoped3A_6[%dma_wait3A_35, %dma_wait3A_36] : memref<352x128xf32, #tpu.memory_space<vmem>> -> memref<88x128xf32, #tpu.memory_space<vmem>>
      %dma_wait3A_38 = arith.constant 0 : i32
      %dma_wait3A_39 = tpu.memref_slice %run_scoped3A[%dma_wait3A_33, %dma_wait3A_34, %dma_wait3A_38] : memref<4x2x88xi32, #tpu.memory_space<vmem>> -> memref<1x1x88xi32, #tpu.memory_space<vmem>>
      %dma_wait3A_40 = tpu.memref_squeeze %dma_wait3A_39 : memref<1x1x88xi32, #tpu.memory_space<vmem>> -> memref<88xi32, #tpu.memory_space<vmem>>
      %dma_wait3A_41 = arith.constant 0 : i32
      %dma_wait3A_42 = arith.constant 0 : i32
      %dma_wait3A_43 = tpu.memref_slice %arg6[%dma_wait3A_41, %dma_wait3A_42] : memref<10240x128xf32, #tpu.memory_space<vmem_shared>> -> memref<10240x128xf32, #tpu.memory_space<vmem_shared>>
      tpu.wait_indirect_dma semaphore(%run_scoped3A_16 : memref<!tpu.dma_semaphore, #tpu.memory_space<semaphore_mem>>) src(%dma_wait3A_37 : memref<88x128xf32, #tpu.memory_space<vmem>>) dst(%dma_wait3A_43 : memref<10240x128xf32, #tpu.memory_space<vmem_shared>>)
      %dma_wait3A_44 = arith.constant 2 : i32
      %dma_wait3A_45 = arith.constant 1 : i32
      %dma_wait3A_46 = arith.constant 176 : i32
      %dma_wait3A_47 = arith.constant 0 : i32
      %dma_wait3A_48 = tpu.memref_slice %run_scoped3A_6[%dma_wait3A_46, %dma_wait3A_47] : memref<352x128xf32, #tpu.memory_space<vmem>> -> memref<88x128xf32, #tpu.memory_space<vmem>>
      %dma_wait3A_49 = arith.constant 0 : i32
      %dma_wait3A_50 = tpu.memref_slice %run_scoped3A[%dma_wait3A_44, %dma_wait3A_45, %dma_wait3A_49] : memref<4x2x88xi32, #tpu.memory_space<vmem>> -> memref<1x1x88xi32, #tpu.memory_space<vmem>>
      %dma_wait3A_51 = tpu.memref_squeeze %dma_wait3A_50 : memref<1x1x88xi32, #tpu.memory_space<vmem>> -> memref<88xi32, #tpu.memory_space<vmem>>
      %dma_wait3A_52 = arith.constant 0 : i32
      %dma_wait3A_53 = arith.constant 0 : i32
      %dma_wait3A_54 = tpu.memref_slice %arg6[%dma_wait3A_52, %dma_wait3A_53] : memref<10240x128xf32, #tpu.memory_space<vmem_shared>> -> memref<10240x128xf32, #tpu.memory_space<vmem_shared>>
      tpu.wait_indirect_dma semaphore(%run_scoped3A_17 : memref<!tpu.dma_semaphore, #tpu.memory_space<semaphore_mem>>) src(%dma_wait3A_48 : memref<88x128xf32, #tpu.memory_space<vmem>>) dst(%dma_wait3A_54 : memref<10240x128xf32, #tpu.memory_space<vmem_shared>>)
      %dma_wait3A_55 = arith.constant 3 : i32
      %dma_wait3A_56 = arith.constant 1 : i32
      %dma_wait3A_57 = arith.constant 264 : i32
      %dma_wait3A_58 = arith.constant 0 : i32
      %dma_wait3A_59 = tpu.memref_slice %run_scoped3A_6[%dma_wait3A_57, %dma_wait3A_58] : memref<352x128xf32, #tpu.memory_space<vmem>> -> memref<88x128xf32, #tpu.memory_space<vmem>>
      %dma_wait3A_60 = arith.constant 0 : i32
      %dma_wait3A_61 = tpu.memref_slice %run_scoped3A[%dma_wait3A_55, %dma_wait3A_56, %dma_wait3A_60] : memref<4x2x88xi32, #tpu.memory_space<vmem>> -> memref<1x1x88xi32, #tpu.memory_space<vmem>>
      %dma_wait3A_62 = tpu.memref_squeeze %dma_wait3A_61 : memref<1x1x88xi32, #tpu.memory_space<vmem>> -> memref<88xi32, #tpu.memory_space<vmem>>
      %dma_wait3A_63 = arith.constant 0 : i32
      %dma_wait3A_64 = arith.constant 0 : i32
      %dma_wait3A_65 = tpu.memref_slice %arg6[%dma_wait3A_63, %dma_wait3A_64] : memref<10240x128xf32, #tpu.memory_space<vmem_shared>> -> memref<10240x128xf32, #tpu.memory_space<vmem_shared>>
      tpu.wait_indirect_dma semaphore(%run_scoped3A_18 : memref<!tpu.dma_semaphore, #tpu.memory_space<semaphore_mem>>) src(%dma_wait3A_59 : memref<88x128xf32, #tpu.memory_space<vmem>>) dst(%dma_wait3A_65 : memref<10240x128xf32, #tpu.memory_space<vmem_shared>>)
      tpu.yield
    }) : () -> ()
    %barrier3A_5 = arith.constant 0 : index
    tpu.barrier barrier_id(%barrier3A_5)
    "tpu.region"() ({
      %run_scoped3A = tpu.sem_alloc : memref<!tpu.dma_semaphore, #tpu.memory_space<semaphore_mem>>
      %dma_start3A = arith.constant 0 : i32
      %dma_start3A_6 = tpu.memref_slice %arg5[%arg0, %mul3A_0, %dma_start3A] : memref<2x10240x128xf32, #tpu.memory_space<hbm>> -> memref<1x640x128xf32, #tpu.memory_space<hbm>>
      %dma_start3A_7 = tpu.memref_squeeze %dma_start3A_6 : memref<1x640x128xf32, #tpu.memory_space<hbm>> -> memref<640x128xf32, #tpu.memory_space<hbm>>
      %dma_start3A_8 = arith.constant 0 : i32
      %dma_start3A_9 = tpu.memref_slice %arg6[%mul3A_0, %dma_start3A_8] : memref<10240x128xf32, #tpu.memory_space<vmem_shared>> -> memref<640x128xf32, #tpu.memory_space<vmem_shared>>
      tpu.enqueue_dma source(%dma_start3A_9 : memref<640x128xf32, #tpu.memory_space<vmem_shared>>) target(%dma_start3A_7 : memref<640x128xf32, #tpu.memory_space<hbm>>) target_semaphore(%run_scoped3A : memref<!tpu.dma_semaphore, #tpu.memory_space<semaphore_mem>>)
      %dma_wait3A = arith.constant 0 : i32
      %dma_wait3A_10 = tpu.memref_slice %arg5[%arg0, %mul3A_0, %dma_wait3A] : memref<2x10240x128xf32, #tpu.memory_space<hbm>> -> memref<1x640x128xf32, #tpu.memory_space<hbm>>
      %dma_wait3A_11 = tpu.memref_squeeze %dma_wait3A_10 : memref<1x640x128xf32, #tpu.memory_space<hbm>> -> memref<640x128xf32, #tpu.memory_space<hbm>>
      %dma_wait3A_12 = arith.constant 0 : i32
      %dma_wait3A_13 = tpu.memref_slice %arg6[%mul3A_0, %dma_wait3A_12] : memref<10240x128xf32, #tpu.memory_space<vmem_shared>> -> memref<640x128xf32, #tpu.memory_space<vmem_shared>>
      tpu.wait_dma2 semaphore(%run_scoped3A : memref<!tpu.dma_semaphore, #tpu.memory_space<semaphore_mem>>) src(%dma_wait3A_13 : memref<640x128xf32, #tpu.memory_space<vmem_shared>>) dst(%dma_wait3A_11 : memref<640x128xf32, #tpu.memory_space<hbm>>)
      tpu.yield
    }) : () -> ()
    return
  }
}

#map = affine_map<(d0, d1) -> (0, 0)>
#map1 = affine_map<(d0, d1) -> (0, 0, 0)>
module attributes {stable_mosaic.version = 14 : i64} {
  func.func @body(%arg0: i32, %arg1: i32, %arg2: memref<321024x128xf32, #tpu.memory_space<hbm>>, %arg3: memref<3648x2x88xi32, #tpu.memory_space<hbm>>, %arg4: memref<10240x128xf32, #tpu.memory_space<hbm>>, %arg5: memref<2x10240x128xf32, #tpu.memory_space<hbm>>, %arg6: memref<10240x128xf32, #tpu.memory_space<vmem_shared>>) attributes {dimension_semantics = [#tpu.dimension_semantics<core_parallel>, #tpu.dimension_semantics<subcore_parallel>], iteration_bounds = array<i64: 2, 16>, scalar_prefetch = 0 : i64, scratch_operands = 1 : i64, tpu.core_type = #tpu.core_type<sc_vector_subcore>, window_params = [{transform_indices = #map}, {transform_indices = #map1}, {transform_indices = #map}, {transform_indices = #map1}]} {
    %mul3A = arith.constant 640 : i32
    %mul3A_0 = arith.muli %arg1, %mul3A : i32
    "tpu.region"() ({
      %run_scoped3A = tpu.sem_alloc : memref<!tpu.dma_semaphore, #tpu.memory_space<semaphore_mem>>
      %dma_start3A = arith.constant 0 : i32
      %dma_start3A_6 = tpu.memref_slice %arg6[%mul3A_0, %dma_start3A] : memref<10240x128xf32, #tpu.memory_space<vmem_shared>> -> memref<640x128xf32, #tpu.memory_space<vmem_shared>>
      %dma_start3A_7 = arith.constant 0 : i32
      %dma_start3A_8 = tpu.memref_slice %arg4[%mul3A_0, %dma_start3A_7] : memref<10240x128xf32, #tpu.memory_space<hbm>> -> memref<640x128xf32, #tpu.memory_space<hbm>>
      tpu.enqueue_dma source(%dma_start3A_8 : memref<640x128xf32, #tpu.memory_space<hbm>>) target(%dma_start3A_6 : memref<640x128xf32, #tpu.memory_space<vmem_shared>>) target_semaphore(%run_scoped3A : memref<!tpu.dma_semaphore, #tpu.memory_space<semaphore_mem>>)
      %dma_wait3A = arith.constant 0 : i32
      %dma_wait3A_9 = tpu.memref_slice %arg6[%mul3A_0, %dma_wait3A] : memref<10240x128xf32, #tpu.memory_space<vmem_shared>> -> memref<640x128xf32, #tpu.memory_space<vmem_shared>>
      %dma_wait3A_10 = arith.constant 0 : i32
      %dma_wait3A_11 = tpu.memref_slice %arg4[%mul3A_0, %dma_wait3A_10] : memref<10240x128xf32, #tpu.memory_space<hbm>> -> memref<640x128xf32, #tpu.memory_space<hbm>>
      tpu.wait_dma2 semaphore(%run_scoped3A : memref<!tpu.dma_semaphore, #tpu.memory_space<semaphore_mem>>) src(%dma_wait3A_11 : memref<640x128xf32, #tpu.memory_space<hbm>>) dst(%dma_wait3A_9 : memref<640x128xf32, #tpu.memory_space<vmem_shared>>)
      tpu.yield
    }) : () -> ()
    %barrier3A = arith.constant 0 : index
    tpu.barrier barrier_id(%barrier3A)
    %mul3A_1 = arith.constant 16 : i32
    %mul3A_2 = arith.muli %arg0, %mul3A_1 : i32
    %add3A = arith.addi %mul3A_2, %arg1 : i32
    %mul3A_3 = arith.constant 114 : i32
    %mul3A_4 = arith.muli %add3A, %mul3A_3 : i32
    "tpu.region"() ({
      %run_scoped3A = memref.alloca() : memref<4x2x88xi32, #tpu.memory_space<vmem>>
      %run_scoped3A_6 = memref.alloca() : memref<352x128xf32, #tpu.memory_space<vmem>>
      %run_scoped3A_7 = tpu.sem_alloc : memref<!tpu.dma_semaphore, #tpu.memory_space<semaphore_mem>>
      %run_scoped3A_8 = tpu.sem_alloc : memref<!tpu.dma_semaphore, #tpu.memory_space<semaphore_mem>>
      %run_scoped3A_9 = tpu.sem_alloc : memref<!tpu.dma_semaphore, #tpu.memory_space<semaphore_mem>>
      %run_scoped3A_10 = tpu.sem_alloc : memref<!tpu.dma_semaphore, #tpu.memory_space<semaphore_mem>>
      %run_scoped3A_11 = tpu.sem_alloc : memref<!tpu.dma_semaphore, #tpu.memory_space<semaphore_mem>>
      %run_scoped3A_12 = tpu.sem_alloc : memref<!tpu.dma_semaphore, #tpu.memory_space<semaphore_mem>>
      %run_scoped3A_13 = tpu.sem_alloc : memref<!tpu.dma_semaphore, #tpu.memory_space<semaphore_mem>>
      %run_scoped3A_14 = tpu.sem_alloc : memref<!tpu.dma_semaphore, #tpu.memory_space<semaphore_mem>>
      %run_scoped3A_15 = tpu.sem_alloc : memref<!tpu.dma_semaphore, #tpu.memory_space<semaphore_mem>>
      %run_scoped3A_16 = tpu.sem_alloc : memref<!tpu.dma_semaphore, #tpu.memory_space<semaphore_mem>>
      %run_scoped3A_17 = tpu.sem_alloc : memref<!tpu.dma_semaphore, #tpu.memory_space<semaphore_mem>>
      %run_scoped3A_18 = tpu.sem_alloc : memref<!tpu.dma_semaphore, #tpu.memory_space<semaphore_mem>>
      %scan3A = arith.constant 0 : i32
      %scan3A_19 = arith.constant 30 : i32
      %scan3A_20 = arith.addi %scan3A, %scan3A_19 : i32
      %scan3A_21 = arith.constant 1 : i32
      scf.for %scan3A_66 = %scan3A to %scan3A_20 step %scan3A_21  : i32 {
        %mul3A_67 = arith.constant 4 : i32
        %mul3A_68 = arith.muli %scan3A_66, %mul3A_67 : i32
        %add3A_69 = arith.constant 0 : i32
        %add3A_70 = arith.addi %add3A_69, %mul3A_68 : i32
        %add3A_71 = arith.constant 0 : i32
        %add3A_72 = arith.addi %add3A_70, %add3A_71 : i32
        %lt3A = arith.constant 114 : i32
        %lt3A_73 = arith.cmpi slt, %add3A_72, %lt3A : i32
        %convert_element_type3A = arith.extui %lt3A_73 : i1 to i32
        %cond3A = arith.constant 0 : i32
        %cond3A_74 = arith.cmpi ne, %convert_element_type3A, %cond3A : i32
        scf.if %cond3A_74 {
          %ge3A_173 = arith.constant 4 : i32
          %ge3A_174 = arith.cmpi sge, %add3A_72, %ge3A_173 : i32
          %convert_element_type3A_175 = arith.extui %ge3A_174 : i1 to i32
          %cond3A_176 = arith.constant 0 : i32
          %cond3A_177 = arith.cmpi ne, %convert_element_type3A_175, %cond3A_176 : i32
          scf.if %cond3A_177 {
            %dma_wait3A_195 = arith.constant 0 : i32
            %dma_wait3A_196 = arith.constant 1 : i32
            %dma_wait3A_197 = arith.constant 0 : i32
            %dma_wait3A_198 = arith.constant 0 : i32
            %dma_wait3A_199 = tpu.memref_slice %run_scoped3A_6[%dma_wait3A_197, %dma_wait3A_198] : memref<352x128xf32, #tpu.memory_space<vmem>> -> memref<88x128xf32, #tpu.memory_space<vmem>>
            %dma_wait3A_200 = arith.constant 0 : i32
            %dma_wait3A_201 = tpu.memref_slice %run_scoped3A[%dma_wait3A_195, %dma_wait3A_196, %dma_wait3A_200] : memref<4x2x88xi32, #tpu.memory_space<vmem>> -> memref<1x1x88xi32, #tpu.memory_space<vmem>>
            %dma_wait3A_202 = tpu.memref_squeeze %dma_wait3A_201 : memref<1x1x88xi32, #tpu.memory_space<vmem>> -> memref<88xi32, #tpu.memory_space<vmem>>
            %dma_wait3A_203 = arith.constant 0 : i32
            %dma_wait3A_204 = arith.constant 0 : i32
            %dma_wait3A_205 = tpu.memref_slice %arg6[%dma_wait3A_203, %dma_wait3A_204] : memref<10240x128xf32, #tpu.memory_space<vmem_shared>> -> memref<10240x128xf32, #tpu.memory_space<vmem_shared>>
            tpu.wait_indirect_dma semaphore(%run_scoped3A_15 : memref<!tpu.dma_semaphore, #tpu.memory_space<semaphore_mem>>) src(%dma_wait3A_199 : memref<88x128xf32, #tpu.memory_space<vmem>>) dst(%dma_wait3A_205 : memref<10240x128xf32, #tpu.memory_space<vmem_shared>>)
          } else {
          }
          %add3A_178 = arith.addi %mul3A_4, %add3A_72 : i32
          %dma_start3A = arith.constant 0 : i32
          %dma_start3A_179 = arith.constant 0 : i32
          %dma_start3A_180 = arith.constant 0 : i32
          %dma_start3A_181 = tpu.memref_slice %run_scoped3A[%dma_start3A, %dma_start3A_179, %dma_start3A_180] : memref<4x2x88xi32, #tpu.memory_space<vmem>> -> memref<1x2x88xi32, #tpu.memory_space<vmem>>
          %dma_start3A_182 = tpu.memref_squeeze %dma_start3A_181 : memref<1x2x88xi32, #tpu.memory_space<vmem>> -> memref<2x88xi32, #tpu.memory_space<vmem>>
          %dma_start3A_183 = arith.constant 0 : i32
          %dma_start3A_184 = arith.constant 0 : i32
          %dma_start3A_185 = tpu.memref_slice %arg3[%add3A_178, %dma_start3A_183, %dma_start3A_184] : memref<3648x2x88xi32, #tpu.memory_space<hbm>> -> memref<1x2x88xi32, #tpu.memory_space<hbm>>
          %dma_start3A_186 = tpu.memref_squeeze %dma_start3A_185 : memref<1x2x88xi32, #tpu.memory_space<hbm>> -> memref<2x88xi32, #tpu.memory_space<hbm>>
          %dma_start3A_187 = arith.constant 0 : i32
          %dma_start3A_188 = arith.constant 0 : i32
          %dma_start3A_189 = tpu.memref_slice %run_scoped3A[%dma_start3A, %dma_start3A_187, %dma_start3A_188] : memref<4x2x88xi32, #tpu.memory_space<vmem>> -> memref<1x2x88xi32, #tpu.memory_space<vmem>>
          %dma_start3A_190 = tpu.memref_squeeze %dma_start3A_189 : memref<1x2x88xi32, #tpu.memory_space<vmem>> -> memref<2x88xi32, #tpu.memory_space<vmem>>
          %dma_start3A_191 = arith.constant 0 : i32
          %dma_start3A_192 = arith.constant 0 : i32
          %dma_start3A_193 = tpu.memref_slice %arg3[%add3A_178, %dma_start3A_191, %dma_start3A_192] : memref<3648x2x88xi32, #tpu.memory_space<hbm>> -> memref<1x2x88xi32, #tpu.memory_space<hbm>>
          %dma_start3A_194 = tpu.memref_squeeze %dma_start3A_193 : memref<1x2x88xi32, #tpu.memory_space<hbm>> -> memref<2x88xi32, #tpu.memory_space<hbm>>
          tpu.enqueue_dma source(%dma_start3A_194 : memref<2x88xi32, #tpu.memory_space<hbm>>) target(%dma_start3A_190 : memref<2x88xi32, #tpu.memory_space<vmem>>) target_semaphore(%run_scoped3A_7 : memref<!tpu.dma_semaphore, #tpu.memory_space<semaphore_mem>>)
        } else {
        }
        %sub3A = arith.constant 1 : i32
        %sub3A_75 = arith.subi %add3A_72, %sub3A : i32
        %ge3A = arith.constant 0 : i32
        %ge3A_76 = arith.cmpi sge, %sub3A_75, %ge3A : i32
        %lt3A_77 = arith.constant 114 : i32
        %lt3A_78 = arith.cmpi slt, %sub3A_75, %lt3A_77 : i32
        %and3A = arith.andi %ge3A_76, %lt3A_78 : i1
        %convert_element_type3A_79 = arith.extui %and3A : i1 to i32
        %cond3A_80 = arith.constant 0 : i32
        %cond3A_81 = arith.cmpi ne, %convert_element_type3A_79, %cond3A_80 : i32
        scf.if %cond3A_81 {
          %add3A_173 = arith.addi %mul3A_4, %sub3A_75 : i32
          %dma_wait3A_174 = arith.constant 3 : i32
          %dma_wait3A_175 = arith.constant 0 : i32
          %dma_wait3A_176 = arith.constant 0 : i32
          %dma_wait3A_177 = tpu.memref_slice %run_scoped3A[%dma_wait3A_174, %dma_wait3A_175, %dma_wait3A_176] : memref<4x2x88xi32, #tpu.memory_space<vmem>> -> memref<1x2x88xi32, #tpu.memory_space<vmem>>
          %dma_wait3A_178 = tpu.memref_squeeze %dma_wait3A_177 : memref<1x2x88xi32, #tpu.memory_space<vmem>> -> memref<2x88xi32, #tpu.memory_space<vmem>>
          %dma_wait3A_179 = arith.constant 0 : i32
          %dma_wait3A_180 = arith.constant 0 : i32
          %dma_wait3A_181 = tpu.memref_slice %arg3[%add3A_173, %dma_wait3A_179, %dma_wait3A_180] : memref<3648x2x88xi32, #tpu.memory_space<hbm>> -> memref<1x2x88xi32, #tpu.memory_space<hbm>>
          %dma_wait3A_182 = tpu.memref_squeeze %dma_wait3A_181 : memref<1x2x88xi32, #tpu.memory_space<hbm>> -> memref<2x88xi32, #tpu.memory_space<hbm>>
          %dma_wait3A_183 = arith.constant 0 : i32
          %dma_wait3A_184 = arith.constant 0 : i32
          %dma_wait3A_185 = tpu.memref_slice %run_scoped3A[%dma_wait3A_174, %dma_wait3A_183, %dma_wait3A_184] : memref<4x2x88xi32, #tpu.memory_space<vmem>> -> memref<1x2x88xi32, #tpu.memory_space<vmem>>
          %dma_wait3A_186 = tpu.memref_squeeze %dma_wait3A_185 : memref<1x2x88xi32, #tpu.memory_space<vmem>> -> memref<2x88xi32, #tpu.memory_space<vmem>>
          %dma_wait3A_187 = arith.constant 0 : i32
          %dma_wait3A_188 = arith.constant 0 : i32
          %dma_wait3A_189 = tpu.memref_slice %arg3[%add3A_173, %dma_wait3A_187, %dma_wait3A_188] : memref<3648x2x88xi32, #tpu.memory_space<hbm>> -> memref<1x2x88xi32, #tpu.memory_space<hbm>>
          %dma_wait3A_190 = tpu.memref_squeeze %dma_wait3A_189 : memref<1x2x88xi32, #tpu.memory_space<hbm>> -> memref<2x88xi32, #tpu.memory_space<hbm>>
          tpu.wait_dma2 semaphore(%run_scoped3A_10 : memref<!tpu.dma_semaphore, #tpu.memory_space<semaphore_mem>>) src(%dma_wait3A_190 : memref<2x88xi32, #tpu.memory_space<hbm>>) dst(%dma_wait3A_186 : memref<2x88xi32, #tpu.memory_space<vmem>>)
          %dma_start3A = arith.constant 3 : i32
          %dma_start3A_191 = arith.constant 0 : i32
          %dma_start3A_192 = arith.constant 264 : i32
          %dma_start3A_193 = arith.constant 0 : i32
          %dma_start3A_194 = tpu.memref_slice %run_scoped3A_6[%dma_start3A_192, %dma_start3A_193] : memref<352x128xf32, #tpu.memory_space<vmem>> -> memref<88x128xf32, #tpu.memory_space<vmem>>
          %dma_start3A_195 = arith.constant 0 : i32
          %dma_start3A_196 = tpu.memref_slice %run_scoped3A[%dma_start3A, %dma_start3A_191, %dma_start3A_195] : memref<4x2x88xi32, #tpu.memory_space<vmem>> -> memref<1x1x88xi32, #tpu.memory_space<vmem>>
          %dma_start3A_197 = tpu.memref_squeeze %dma_start3A_196 : memref<1x1x88xi32, #tpu.memory_space<vmem>> -> memref<88xi32, #tpu.memory_space<vmem>>
          %dma_start3A_198 = arith.constant 0 : i32
          %dma_start3A_199 = arith.constant 0 : i32
          %dma_start3A_200 = tpu.memref_slice %arg2[%dma_start3A_198, %dma_start3A_199] : memref<321024x128xf32, #tpu.memory_space<hbm>> -> memref<321024x128xf32, #tpu.memory_space<hbm>>
          tpu.enqueue_indirect_dma source(%dma_start3A_200 : memref<321024x128xf32, #tpu.memory_space<hbm>>) target(%dma_start3A_194 : memref<88x128xf32, #tpu.memory_space<vmem>>) offsets(%dma_start3A_197 : memref<88xi32, #tpu.memory_space<vmem>>) semaphore(%run_scoped3A_14 : memref<!tpu.dma_semaphore, #tpu.memory_space<semaphore_mem>>)
        } else {
        }
        %sub3A_82 = arith.constant 3 : i32
        %sub3A_83 = arith.subi %add3A_72, %sub3A_82 : i32
        %ge3A_84 = arith.constant 0 : i32
        %ge3A_85 = arith.cmpi sge, %sub3A_83, %ge3A_84 : i32
        %lt3A_86 = arith.constant 114 : i32
        %lt3A_87 = arith.cmpi slt, %sub3A_83, %lt3A_86 : i32
        %and3A_88 = arith.andi %ge3A_85, %lt3A_87 : i1
        %convert_element_type3A_89 = arith.extui %and3A_88 : i1 to i32
        %cond3A_90 = arith.constant 0 : i32
        %cond3A_91 = arith.cmpi ne, %convert_element_type3A_89, %cond3A_90 : i32
        scf.if %cond3A_91 {
          %dma_wait3A_173 = arith.constant 1 : i32
          %dma_wait3A_174 = arith.constant 0 : i32
          %dma_wait3A_175 = arith.constant 88 : i32
          %dma_wait3A_176 = arith.constant 0 : i32
          %dma_wait3A_177 = tpu.memref_slice %run_scoped3A_6[%dma_wait3A_175, %dma_wait3A_176] : memref<352x128xf32, #tpu.memory_space<vmem>> -> memref<88x128xf32, #tpu.memory_space<vmem>>
          %dma_wait3A_178 = arith.constant 0 : i32
          %dma_wait3A_179 = tpu.memref_slice %run_scoped3A[%dma_wait3A_173, %dma_wait3A_174, %dma_wait3A_178] : memref<4x2x88xi32, #tpu.memory_space<vmem>> -> memref<1x1x88xi32, #tpu.memory_space<vmem>>
          %dma_wait3A_180 = tpu.memref_squeeze %dma_wait3A_179 : memref<1x1x88xi32, #tpu.memory_space<vmem>> -> memref<88xi32, #tpu.memory_space<vmem>>
          %dma_wait3A_181 = arith.constant 0 : i32
          %dma_wait3A_182 = arith.constant 0 : i32
          %dma_wait3A_183 = tpu.memref_slice %arg2[%dma_wait3A_181, %dma_wait3A_182] : memref<321024x128xf32, #tpu.memory_space<hbm>> -> memref<321024x128xf32, #tpu.memory_space<hbm>>
          tpu.wait_indirect_dma semaphore(%run_scoped3A_12 : memref<!tpu.dma_semaphore, #tpu.memory_space<semaphore_mem>>) src(%dma_wait3A_183 : memref<321024x128xf32, #tpu.memory_space<hbm>>) dst(%dma_wait3A_177 : memref<88x128xf32, #tpu.memory_space<vmem>>)
          %dma_start3A = arith.constant 1 : i32
          %dma_start3A_184 = arith.constant 1 : i32
          %dma_start3A_185 = arith.constant 88 : i32
          %dma_start3A_186 = arith.constant 0 : i32
          %dma_start3A_187 = tpu.memref_slice %run_scoped3A_6[%dma_start3A_185, %dma_start3A_186] : memref<352x128xf32, #tpu.memory_space<vmem>> -> memref<88x128xf32, #tpu.memory_space<vmem>>
          %dma_start3A_188 = arith.constant 0 : i32
          %dma_start3A_189 = tpu.memref_slice %run_scoped3A[%dma_start3A, %dma_start3A_184, %dma_start3A_188] : memref<4x2x88xi32, #tpu.memory_space<vmem>> -> memref<1x1x88xi32, #tpu.memory_space<vmem>>
          %dma_start3A_190 = tpu.memref_squeeze %dma_start3A_189 : memref<1x1x88xi32, #tpu.memory_space<vmem>> -> memref<88xi32, #tpu.memory_space<vmem>>
          %dma_start3A_191 = arith.constant 0 : i32
          %dma_start3A_192 = arith.constant 0 : i32
          %dma_start3A_193 = tpu.memref_slice %arg6[%dma_start3A_191, %dma_start3A_192] : memref<10240x128xf32, #tpu.memory_space<vmem_shared>> -> memref<10240x128xf32, #tpu.memory_space<vmem_shared>>
          tpu.enqueue_indirect_dma source(%dma_start3A_187 : memref<88x128xf32, #tpu.memory_space<vmem>>) target(%dma_start3A_193 : memref<10240x128xf32, #tpu.memory_space<vmem_shared>>) offsets(%dma_start3A_190 : memref<88xi32, #tpu.memory_space<vmem>>) semaphore(%run_scoped3A_16 : memref<!tpu.dma_semaphore, #tpu.memory_space<semaphore_mem>>) {add = true}
        } else {
        }
        %add3A_92 = arith.constant 1 : i32
        %add3A_93 = arith.addi %add3A_70, %add3A_92 : i32
        %lt3A_94 = arith.constant 114 : i32
        %lt3A_95 = arith.cmpi slt, %add3A_93, %lt3A_94 : i32
        %convert_element_type3A_96 = arith.extui %lt3A_95 : i1 to i32
        %cond3A_97 = arith.constant 0 : i32
        %cond3A_98 = arith.cmpi ne, %convert_element_type3A_96, %cond3A_97 : i32
        scf.if %cond3A_98 {
          %ge3A_173 = arith.constant 4 : i32
          %ge3A_174 = arith.cmpi sge, %add3A_93, %ge3A_173 : i32
          %convert_element_type3A_175 = arith.extui %ge3A_174 : i1 to i32
          %cond3A_176 = arith.constant 0 : i32
          %cond3A_177 = arith.cmpi ne, %convert_element_type3A_175, %cond3A_176 : i32
          scf.if %cond3A_177 {
            %dma_wait3A_195 = arith.constant 1 : i32
            %dma_wait3A_196 = arith.constant 1 : i32
            %dma_wait3A_197 = arith.constant 88 : i32
            %dma_wait3A_198 = arith.constant 0 : i32
            %dma_wait3A_199 = tpu.memref_slice %run_scoped3A_6[%dma_wait3A_197, %dma_wait3A_198] : memref<352x128xf32, #tpu.memory_space<vmem>> -> memref<88x128xf32, #tpu.memory_space<vmem>>
            %dma_wait3A_200 = arith.constant 0 : i32
            %dma_wait3A_201 = tpu.memref_slice %run_scoped3A[%dma_wait3A_195, %dma_wait3A_196, %dma_wait3A_200] : memref<4x2x88xi32, #tpu.memory_space<vmem>> -> memref<1x1x88xi32, #tpu.memory_space<vmem>>
            %dma_wait3A_202 = tpu.memref_squeeze %dma_wait3A_201 : memref<1x1x88xi32, #tpu.memory_space<vmem>> -> memref<88xi32, #tpu.memory_space<vmem>>
            %dma_wait3A_203 = arith.constant 0 : i32
            %dma_wait3A_204 = arith.constant 0 : i32
            %dma_wait3A_205 = tpu.memref_slice %arg6[%dma_wait3A_203, %dma_wait3A_204] : memref<10240x128xf32, #tpu.memory_space<vmem_shared>> -> memref<10240x128xf32, #tpu.memory_space<vmem_shared>>
            tpu.wait_indirect_dma semaphore(%run_scoped3A_16 : memref<!tpu.dma_semaphore, #tpu.memory_space<semaphore_mem>>) src(%dma_wait3A_199 : memref<88x128xf32, #tpu.memory_space<vmem>>) dst(%dma_wait3A_205 : memref<10240x128xf32, #tpu.memory_space<vmem_shared>>)
          } else {
          }
          %add3A_178 = arith.addi %mul3A_4, %add3A_93 : i32
          %dma_start3A = arith.constant 1 : i32
          %dma_start3A_179 = arith.constant 0 : i32
          %dma_start3A_180 = arith.constant 0 : i32
          %dma_start3A_181 = tpu.memref_slice %run_scoped3A[%dma_start3A, %dma_start3A_179, %dma_start3A_180] : memref<4x2x88xi32, #tpu.memory_space<vmem>> -> memref<1x2x88xi32, #tpu.memory_space<vmem>>
          %dma_start3A_182 = tpu.memref_squeeze %dma_start3A_181 : memref<1x2x88xi32, #tpu.memory_space<vmem>> -> memref<2x88xi32, #tpu.memory_space<vmem>>
          %dma_start3A_183 = arith.constant 0 : i32
          %dma_start3A_184 = arith.constant 0 : i32
          %dma_start3A_185 = tpu.memref_slice %arg3[%add3A_178, %dma_start3A_183, %dma_start3A_184] : memref<3648x2x88xi32, #tpu.memory_space<hbm>> -> memref<1x2x88xi32, #tpu.memory_space<hbm>>
          %dma_start3A_186 = tpu.memref_squeeze %dma_start3A_185 : memref<1x2x88xi32, #tpu.memory_space<hbm>> -> memref<2x88xi32, #tpu.memory_space<hbm>>
          %dma_start3A_187 = arith.constant 0 : i32
          %dma_start3A_188 = arith.constant 0 : i32
          %dma_start3A_189 = tpu.memref_slice %run_scoped3A[%dma_start3A, %dma_start3A_187, %dma_start3A_188] : memref<4x2x88xi32, #tpu.memory_space<vmem>> -> memref<1x2x88xi32, #tpu.memory_space<vmem>>
          %dma_start3A_190 = tpu.memref_squeeze %dma_start3A_189 : memref<1x2x88xi32, #tpu.memory_space<vmem>> -> memref<2x88xi32, #tpu.memory_space<vmem>>
          %dma_start3A_191 = arith.constant 0 : i32
          %dma_start3A_192 = arith.constant 0 : i32
          %dma_start3A_193 = tpu.memref_slice %arg3[%add3A_178, %dma_start3A_191, %dma_start3A_192] : memref<3648x2x88xi32, #tpu.memory_space<hbm>> -> memref<1x2x88xi32, #tpu.memory_space<hbm>>
          %dma_start3A_194 = tpu.memref_squeeze %dma_start3A_193 : memref<1x2x88xi32, #tpu.memory_space<hbm>> -> memref<2x88xi32, #tpu.memory_space<hbm>>
          tpu.enqueue_dma source(%dma_start3A_194 : memref<2x88xi32, #tpu.memory_space<hbm>>) target(%dma_start3A_190 : memref<2x88xi32, #tpu.memory_space<vmem>>) target_semaphore(%run_scoped3A_8 : memref<!tpu.dma_semaphore, #tpu.memory_space<semaphore_mem>>)
        } else {
        }
        %sub3A_99 = arith.constant 1 : i32
        %sub3A_100 = arith.subi %add3A_93, %sub3A_99 : i32
        %ge3A_101 = arith.constant 0 : i32
        %ge3A_102 = arith.cmpi sge, %sub3A_100, %ge3A_101 : i32
        %lt3A_103 = arith.constant 114 : i32
        %lt3A_104 = arith.cmpi slt, %sub3A_100, %lt3A_103 : i32
        %and3A_105 = arith.andi %ge3A_102, %lt3A_104 : i1
        %convert_element_type3A_106 = arith.extui %and3A_105 : i1 to i32
        %cond3A_107 = arith.constant 0 : i32
        %cond3A_108 = arith.cmpi ne, %convert_element_type3A_106, %cond3A_107 : i32
        scf.if %cond3A_108 {
          %add3A_173 = arith.addi %mul3A_4, %sub3A_100 : i32
          %dma_wait3A_174 = arith.constant 0 : i32
          %dma_wait3A_175 = arith.constant 0 : i32
          %dma_wait3A_176 = arith.constant 0 : i32
          %dma_wait3A_177 = tpu.memref_slice %run_scoped3A[%dma_wait3A_174, %dma_wait3A_175, %dma_wait3A_176] : memref<4x2x88xi32, #tpu.memory_space<vmem>> -> memref<1x2x88xi32, #tpu.memory_space<vmem>>
          %dma_wait3A_178 = tpu.memref_squeeze %dma_wait3A_177 : memref<1x2x88xi32, #tpu.memory_space<vmem>> -> memref<2x88xi32, #tpu.memory_space<vmem>>
          %dma_wait3A_179 = arith.constant 0 : i32
          %dma_wait3A_180 = arith.constant 0 : i32
          %dma_wait3A_181 = tpu.memref_slice %arg3[%add3A_173, %dma_wait3A_179, %dma_wait3A_180] : memref<3648x2x88xi32, #tpu.memory_space<hbm>> -> memref<1x2x88xi32, #tpu.memory_space<hbm>>
          %dma_wait3A_182 = tpu.memref_squeeze %dma_wait3A_181 : memref<1x2x88xi32, #tpu.memory_space<hbm>> -> memref<2x88xi32, #tpu.memory_space<hbm>>
          %dma_wait3A_183 = arith.constant 0 : i32
          %dma_wait3A_184 = arith.constant 0 : i32
          %dma_wait3A_185 = tpu.memref_slice %run_scoped3A[%dma_wait3A_174, %dma_wait3A_183, %dma_wait3A_184] : memref<4x2x88xi32, #tpu.memory_space<vmem>> -> memref<1x2x88xi32, #tpu.memory_space<vmem>>
          %dma_wait3A_186 = tpu.memref_squeeze %dma_wait3A_185 : memref<1x2x88xi32, #tpu.memory_space<vmem>> -> memref<2x88xi32, #tpu.memory_space<vmem>>
          %dma_wait3A_187 = arith.constant 0 : i32
          %dma_wait3A_188 = arith.constant 0 : i32
          %dma_wait3A_189 = tpu.memref_slice %arg3[%add3A_173, %dma_wait3A_187, %dma_wait3A_188] : memref<3648x2x88xi32, #tpu.memory_space<hbm>> -> memref<1x2x88xi32, #tpu.memory_space<hbm>>
          %dma_wait3A_190 = tpu.memref_squeeze %dma_wait3A_189 : memref<1x2x88xi32, #tpu.memory_space<hbm>> -> memref<2x88xi32, #tpu.memory_space<hbm>>
          tpu.wait_dma2 semaphore(%run_scoped3A_7 : memref<!tpu.dma_semaphore, #tpu.memory_space<semaphore_mem>>) src(%dma_wait3A_190 : memref<2x88xi32, #tpu.memory_space<hbm>>) dst(%dma_wait3A_186 : memref<2x88xi32, #tpu.memory_space<vmem>>)
          %dma_start3A = arith.constant 0 : i32
          %dma_start3A_191 = arith.constant 0 : i32
          %dma_start3A_192 = arith.constant 0 : i32
          %dma_start3A_193 = arith.constant 0 : i32
          %dma_start3A_194 = tpu.memref_slice %run_scoped3A_6[%dma_start3A_192, %dma_start3A_193] : memref<352x128xf32, #tpu.memory_space<vmem>> -> memref<88x128xf32, #tpu.memory_space<vmem>>
          %dma_start3A_195 = arith.constant 0 : i32
          %dma_start3A_196 = tpu.memref_slice %run_scoped3A[%dma_start3A, %dma_start3A_191, %dma_start3A_195] : memref<4x2x88xi32, #tpu.memory_space<vmem>> -> memref<1x1x88xi32, #tpu.memory_space<vmem>>
          %dma_start3A_197 = tpu.memref_squeeze %dma_start3A_196 : memref<1x1x88xi32, #tpu.memory_space<vmem>> -> memref<88xi32, #tpu.memory_space<vmem>>
          %dma_start3A_198 = arith.constant 0 : i32
          %dma_start3A_199 = arith.constant 0 : i32
          %dma_start3A_200 = tpu.memref_slice %arg2[%dma_start3A_198, %dma_start3A_199] : memref<321024x128xf32, #tpu.memory_space<hbm>> -> memref<321024x128xf32, #tpu.memory_space<hbm>>
          tpu.enqueue_indirect_dma source(%dma_start3A_200 : memref<321024x128xf32, #tpu.memory_space<hbm>>) target(%dma_start3A_194 : memref<88x128xf32, #tpu.memory_space<vmem>>) offsets(%dma_start3A_197 : memref<88xi32, #tpu.memory_space<vmem>>) semaphore(%run_scoped3A_11 : memref<!tpu.dma_semaphore, #tpu.memory_space<semaphore_mem>>)
        } else {
        }
        %sub3A_109 = arith.constant 3 : i32
        %sub3A_110 = arith.subi %add3A_93, %sub3A_109 : i32
        %ge3A_111 = arith.constant 0 : i32
        %ge3A_112 = arith.cmpi sge, %sub3A_110, %ge3A_111 : i32
        %lt3A_113 = arith.constant 114 : i32
        %lt3A_114 = arith.cmpi slt, %sub3A_110, %lt3A_113 : i32
        %and3A_115 = arith.andi %ge3A_112, %lt3A_114 : i1
        %convert_element_type3A_116 = arith.extui %and3A_115 : i1 to i32
        %cond3A_117 = arith.constant 0 : i32
        %cond3A_118 = arith.cmpi ne, %convert_element_type3A_116, %cond3A_117 : i32
        scf.if %cond3A_118 {
          %dma_wait3A_173 = arith.constant 2 : i32
          %dma_wait3A_174 = arith.constant 0 : i32
          %dma_wait3A_175 = arith.constant 176 : i32
          %dma_wait3A_176 = arith.constant 0 : i32
          %dma_wait3A_177 = tpu.memref_slice %run_scoped3A_6[%dma_wait3A_175, %dma_wait3A_176] : memref<352x128xf32, #tpu.memory_space<vmem>> -> memref<88x128xf32, #tpu.memory_space<vmem>>
          %dma_wait3A_178 = arith.constant 0 : i32
          %dma_wait3A_179 = tpu.memref_slice %run_scoped3A[%dma_wait3A_173, %dma_wait3A_174, %dma_wait3A_178] : memref<4x2x88xi32, #tpu.memory_space<vmem>> -> memref<1x1x88xi32, #tpu.memory_space<vmem>>
          %dma_wait3A_180 = tpu.memref_squeeze %dma_wait3A_179 : memref<1x1x88xi32, #tpu.memory_space<vmem>> -> memref<88xi32, #tpu.memory_space<vmem>>
          %dma_wait3A_181 = arith.constant 0 : i32
          %dma_wait3A_182 = arith.constant 0 : i32
          %dma_wait3A_183 = tpu.memref_slice %arg2[%dma_wait3A_181, %dma_wait3A_182] : memref<321024x128xf32, #tpu.memory_space<hbm>> -> memref<321024x128xf32, #tpu.memory_space<hbm>>
          tpu.wait_indirect_dma semaphore(%run_scoped3A_13 : memref<!tpu.dma_semaphore, #tpu.memory_space<semaphore_mem>>) src(%dma_wait3A_183 : memref<321024x128xf32, #tpu.memory_space<hbm>>) dst(%dma_wait3A_177 : memref<88x128xf32, #tpu.memory_space<vmem>>)
          %dma_start3A = arith.constant 2 : i32
          %dma_start3A_184 = arith.constant 1 : i32
          %dma_start3A_185 = arith.constant 176 : i32
          %dma_start3A_186 = arith.constant 0 : i32
          %dma_start3A_187 = tpu.memref_slice %run_scoped3A_6[%dma_start3A_185, %dma_start3A_186] : memref<352x128xf32, #tpu.memory_space<vmem>> -> memref<88x128xf32, #tpu.memory_space<vmem>>
          %dma_start3A_188 = arith.constant 0 : i32
          %dma_start3A_189 = tpu.memref_slice %run_scoped3A[%dma_start3A, %dma_start3A_184, %dma_start3A_188] : memref<4x2x88xi32, #tpu.memory_space<vmem>> -> memref<1x1x88xi32, #tpu.memory_space<vmem>>
          %dma_start3A_190 = tpu.memref_squeeze %dma_start3A_189 : memref<1x1x88xi32, #tpu.memory_space<vmem>> -> memref<88xi32, #tpu.memory_space<vmem>>
          %dma_start3A_191 = arith.constant 0 : i32
          %dma_start3A_192 = arith.constant 0 : i32
          %dma_start3A_193 = tpu.memref_slice %arg6[%dma_start3A_191, %dma_start3A_192] : memref<10240x128xf32, #tpu.memory_space<vmem_shared>> -> memref<10240x128xf32, #tpu.memory_space<vmem_shared>>
          tpu.enqueue_indirect_dma source(%dma_start3A_187 : memref<88x128xf32, #tpu.memory_space<vmem>>) target(%dma_start3A_193 : memref<10240x128xf32, #tpu.memory_space<vmem_shared>>) offsets(%dma_start3A_190 : memref<88xi32, #tpu.memory_space<vmem>>) semaphore(%run_scoped3A_17 : memref<!tpu.dma_semaphore, #tpu.memory_space<semaphore_mem>>) {add = true}
        } else {
        }
        %add3A_119 = arith.constant 2 : i32
        %add3A_120 = arith.addi %add3A_70, %add3A_119 : i32
        %lt3A_121 = arith.constant 114 : i32
        %lt3A_122 = arith.cmpi slt, %add3A_120, %lt3A_121 : i32
        %convert_element_type3A_123 = arith.extui %lt3A_122 : i1 to i32
        %cond3A_124 = arith.constant 0 : i32
        %cond3A_125 = arith.cmpi ne, %convert_element_type3A_123, %cond3A_124 : i32
        scf.if %cond3A_125 {
          %ge3A_173 = arith.constant 4 : i32
          %ge3A_174 = arith.cmpi sge, %add3A_120, %ge3A_173 : i32
          %convert_element_type3A_175 = arith.extui %ge3A_174 : i1 to i32
          %cond3A_176 = arith.constant 0 : i32
          %cond3A_177 = arith.cmpi ne, %convert_element_type3A_175, %cond3A_176 : i32
          scf.if %cond3A_177 {
            %dma_wait3A_195 = arith.constant 2 : i32
            %dma_wait3A_196 = arith.constant 1 : i32
            %dma_wait3A_197 = arith.constant 176 : i32
            %dma_wait3A_198 = arith.constant 0 : i32
            %dma_wait3A_199 = tpu.memref_slice %run_scoped3A_6[%dma_wait3A_197, %dma_wait3A_198] : memref<352x128xf32, #tpu.memory_space<vmem>> -> memref<88x128xf32, #tpu.memory_space<vmem>>
            %dma_wait3A_200 = arith.constant 0 : i32
            %dma_wait3A_201 = tpu.memref_slice %run_scoped3A[%dma_wait3A_195, %dma_wait3A_196, %dma_wait3A_200] : memref<4x2x88xi32, #tpu.memory_space<vmem>> -> memref<1x1x88xi32, #tpu.memory_space<vmem>>
            %dma_wait3A_202 = tpu.memref_squeeze %dma_wait3A_201 : memref<1x1x88xi32, #tpu.memory_space<vmem>> -> memref<88xi32, #tpu.memory_space<vmem>>
            %dma_wait3A_203 = arith.constant 0 : i32
            %dma_wait3A_204 = arith.constant 0 : i32
            %dma_wait3A_205 = tpu.memref_slice %arg6[%dma_wait3A_203, %dma_wait3A_204] : memref<10240x128xf32, #tpu.memory_space<vmem_shared>> -> memref<10240x128xf32, #tpu.memory_space<vmem_shared>>
            tpu.wait_indirect_dma semaphore(%run_scoped3A_17 : memref<!tpu.dma_semaphore, #tpu.memory_space<semaphore_mem>>) src(%dma_wait3A_199 : memref<88x128xf32, #tpu.memory_space<vmem>>) dst(%dma_wait3A_205 : memref<10240x128xf32, #tpu.memory_space<vmem_shared>>)
          } else {
          }
          %add3A_178 = arith.addi %mul3A_4, %add3A_120 : i32
          %dma_start3A = arith.constant 2 : i32
          %dma_start3A_179 = arith.constant 0 : i32
          %dma_start3A_180 = arith.constant 0 : i32
          %dma_start3A_181 = tpu.memref_slice %run_scoped3A[%dma_start3A, %dma_start3A_179, %dma_start3A_180] : memref<4x2x88xi32, #tpu.memory_space<vmem>> -> memref<1x2x88xi32, #tpu.memory_space<vmem>>
          %dma_start3A_182 = tpu.memref_squeeze %dma_start3A_181 : memref<1x2x88xi32, #tpu.memory_space<vmem>> -> memref<2x88xi32, #tpu.memory_space<vmem>>
          %dma_start3A_183 = arith.constant 0 : i32
          %dma_start3A_184 = arith.constant 0 : i32
          %dma_start3A_185 = tpu.memref_slice %arg3[%add3A_178, %dma_start3A_183, %dma_start3A_184] : memref<3648x2x88xi32, #tpu.memory_space<hbm>> -> memref<1x2x88xi32, #tpu.memory_space<hbm>>
          %dma_start3A_186 = tpu.memref_squeeze %dma_start3A_185 : memref<1x2x88xi32, #tpu.memory_space<hbm>> -> memref<2x88xi32, #tpu.memory_space<hbm>>
          %dma_start3A_187 = arith.constant 0 : i32
          %dma_start3A_188 = arith.constant 0 : i32
          %dma_start3A_189 = tpu.memref_slice %run_scoped3A[%dma_start3A, %dma_start3A_187, %dma_start3A_188] : memref<4x2x88xi32, #tpu.memory_space<vmem>> -> memref<1x2x88xi32, #tpu.memory_space<vmem>>
          %dma_start3A_190 = tpu.memref_squeeze %dma_start3A_189 : memref<1x2x88xi32, #tpu.memory_space<vmem>> -> memref<2x88xi32, #tpu.memory_space<vmem>>
          %dma_start3A_191 = arith.constant 0 : i32
          %dma_start3A_192 = arith.constant 0 : i32
          %dma_start3A_193 = tpu.memref_slice %arg3[%add3A_178, %dma_start3A_191, %dma_start3A_192] : memref<3648x2x88xi32, #tpu.memory_space<hbm>> -> memref<1x2x88xi32, #tpu.memory_space<hbm>>
          %dma_start3A_194 = tpu.memref_squeeze %dma_start3A_193 : memref<1x2x88xi32, #tpu.memory_space<hbm>> -> memref<2x88xi32, #tpu.memory_space<hbm>>
          tpu.enqueue_dma source(%dma_start3A_194 : memref<2x88xi32, #tpu.memory_space<hbm>>) target(%dma_start3A_190 : memref<2x88xi32, #tpu.memory_space<vmem>>) target_semaphore(%run_scoped3A_9 : memref<!tpu.dma_semaphore, #tpu.memory_space<semaphore_mem>>)
        } else {
        }
        %sub3A_126 = arith.constant 1 : i32
        %sub3A_127 = arith.subi %add3A_120, %sub3A_126 : i32
        %ge3A_128 = arith.constant 0 : i32
        %ge3A_129 = arith.cmpi sge, %sub3A_127, %ge3A_128 : i32
        %lt3A_130 = arith.constant 114 : i32
        %lt3A_131 = arith.cmpi slt, %sub3A_127, %lt3A_130 : i32
        %and3A_132 = arith.andi %ge3A_129, %lt3A_131 : i1
        %convert_element_type3A_133 = arith.extui %and3A_132 : i1 to i32
        %cond3A_134 = arith.constant 0 : i32
        %cond3A_135 = arith.cmpi ne, %convert_element_type3A_133, %cond3A_134 : i32
        scf.if %cond3A_135 {
          %add3A_173 = arith.addi %mul3A_4, %sub3A_127 : i32
          %dma_wait3A_174 = arith.constant 1 : i32
          %dma_wait3A_175 = arith.constant 0 : i32
          %dma_wait3A_176 = arith.constant 0 : i32
          %dma_wait3A_177 = tpu.memref_slice %run_scoped3A[%dma_wait3A_174, %dma_wait3A_175, %dma_wait3A_176] : memref<4x2x88xi32, #tpu.memory_space<vmem>> -> memref<1x2x88xi32, #tpu.memory_space<vmem>>
          %dma_wait3A_178 = tpu.memref_squeeze %dma_wait3A_177 : memref<1x2x88xi32, #tpu.memory_space<vmem>> -> memref<2x88xi32, #tpu.memory_space<vmem>>
          %dma_wait3A_179 = arith.constant 0 : i32
          %dma_wait3A_180 = arith.constant 0 : i32
          %dma_wait3A_181 = tpu.memref_slice %arg3[%add3A_173, %dma_wait3A_179, %dma_wait3A_180] : memref<3648x2x88xi32, #tpu.memory_space<hbm>> -> memref<1x2x88xi32, #tpu.memory_space<hbm>>
          %dma_wait3A_182 = tpu.memref_squeeze %dma_wait3A_181 : memref<1x2x88xi32, #tpu.memory_space<hbm>> -> memref<2x88xi32, #tpu.memory_space<hbm>>
          %dma_wait3A_183 = arith.constant 0 : i32
          %dma_wait3A_184 = arith.constant 0 : i32
          %dma_wait3A_185 = tpu.memref_slice %run_scoped3A[%dma_wait3A_174, %dma_wait3A_183, %dma_wait3A_184] : memref<4x2x88xi32, #tpu.memory_space<vmem>> -> memref<1x2x88xi32, #tpu.memory_space<vmem>>
          %dma_wait3A_186 = tpu.memref_squeeze %dma_wait3A_185 : memref<1x2x88xi32, #tpu.memory_space<vmem>> -> memref<2x88xi32, #tpu.memory_space<vmem>>
          %dma_wait3A_187 = arith.constant 0 : i32
          %dma_wait3A_188 = arith.constant 0 : i32
          %dma_wait3A_189 = tpu.memref_slice %arg3[%add3A_173, %dma_wait3A_187, %dma_wait3A_188] : memref<3648x2x88xi32, #tpu.memory_space<hbm>> -> memref<1x2x88xi32, #tpu.memory_space<hbm>>
          %dma_wait3A_190 = tpu.memref_squeeze %dma_wait3A_189 : memref<1x2x88xi32, #tpu.memory_space<hbm>> -> memref<2x88xi32, #tpu.memory_space<hbm>>
          tpu.wait_dma2 semaphore(%run_scoped3A_8 : memref<!tpu.dma_semaphore, #tpu.memory_space<semaphore_mem>>) src(%dma_wait3A_190 : memref<2x88xi32, #tpu.memory_space<hbm>>) dst(%dma_wait3A_186 : memref<2x88xi32, #tpu.memory_space<vmem>>)
          %dma_start3A = arith.constant 1 : i32
          %dma_start3A_191 = arith.constant 0 : i32
          %dma_start3A_192 = arith.constant 88 : i32
          %dma_start3A_193 = arith.constant 0 : i32
          %dma_start3A_194 = tpu.memref_slice %run_scoped3A_6[%dma_start3A_192, %dma_start3A_193] : memref<352x128xf32, #tpu.memory_space<vmem>> -> memref<88x128xf32, #tpu.memory_space<vmem>>
          %dma_start3A_195 = arith.constant 0 : i32
          %dma_start3A_196 = tpu.memref_slice %run_scoped3A[%dma_start3A, %dma_start3A_191, %dma_start3A_195] : memref<4x2x88xi32, #tpu.memory_space<vmem>> -> memref<1x1x88xi32, #tpu.memory_space<vmem>>
          %dma_start3A_197 = tpu.memref_squeeze %dma_start3A_196 : memref<1x1x88xi32, #tpu.memory_space<vmem>> -> memref<88xi32, #tpu.memory_space<vmem>>
          %dma_start3A_198 = arith.constant 0 : i32
          %dma_start3A_199 = arith.constant 0 : i32
          %dma_start3A_200 = tpu.memref_slice %arg2[%dma_start3A_198, %dma_start3A_199] : memref<321024x128xf32, #tpu.memory_space<hbm>> -> memref<321024x128xf32, #tpu.memory_space<hbm>>
          tpu.enqueue_indirect_dma source(%dma_start3A_200 : memref<321024x128xf32, #tpu.memory_space<hbm>>) target(%dma_start3A_194 : memref<88x128xf32, #tpu.memory_space<vmem>>) offsets(%dma_start3A_197 : memref<88xi32, #tpu.memory_space<vmem>>) semaphore(%run_scoped3A_12 : memref<!tpu.dma_semaphore, #tpu.memory_space<semaphore_mem>>)
        } else {
        }
        %sub3A_136 = arith.constant 3 : i32
        %sub3A_137 = arith.subi %add3A_120, %sub3A_136 : i32
        %ge3A_138 = arith.constant 0 : i32
        %ge3A_139 = arith.cmpi sge, %sub3A_137, %ge3A_138 : i32
        %lt3A_140 = arith.constant 114 : i32
        %lt3A_141 = arith.cmpi slt, %sub3A_137, %lt3A_140 : i32
        %and3A_142 = arith.andi %ge3A_139, %lt3A_141 : i1
        %convert_element_type3A_143 = arith.extui %and3A_142 : i1 to i32
        %cond3A_144 = arith.constant 0 : i32
        %cond3A_145 = arith.cmpi ne, %convert_element_type3A_143, %cond3A_144 : i32
        scf.if %cond3A_145 {
          %dma_wait3A_173 = arith.constant 3 : i32
          %dma_wait3A_174 = arith.constant 0 : i32
          %dma_wait3A_175 = arith.constant 264 : i32
          %dma_wait3A_176 = arith.constant 0 : i32
          %dma_wait3A_177 = tpu.memref_slice %run_scoped3A_6[%dma_wait3A_175, %dma_wait3A_176] : memref<352x128xf32, #tpu.memory_space<vmem>> -> memref<88x128xf32, #tpu.memory_space<vmem>>
          %dma_wait3A_178 = arith.constant 0 : i32
          %dma_wait3A_179 = tpu.memref_slice %run_scoped3A[%dma_wait3A_173, %dma_wait3A_174, %dma_wait3A_178] : memref<4x2x88xi32, #tpu.memory_space<vmem>> -> memref<1x1x88xi32, #tpu.memory_space<vmem>>
          %dma_wait3A_180 = tpu.memref_squeeze %dma_wait3A_179 : memref<1x1x88xi32, #tpu.memory_space<vmem>> -> memref<88xi32, #tpu.memory_space<vmem>>
          %dma_wait3A_181 = arith.constant 0 : i32
          %dma_wait3A_182 = arith.constant 0 : i32
          %dma_wait3A_183 = tpu.memref_slice %arg2[%dma_wait3A_181, %dma_wait3A_182] : memref<321024x128xf32, #tpu.memory_space<hbm>> -> memref<321024x128xf32, #tpu.memory_space<hbm>>
          tpu.wait_indirect_dma semaphore(%run_scoped3A_14 : memref<!tpu.dma_semaphore, #tpu.memory_space<semaphore_mem>>) src(%dma_wait3A_183 : memref<321024x128xf32, #tpu.memory_space<hbm>>) dst(%dma_wait3A_177 : memref<88x128xf32, #tpu.memory_space<vmem>>)
          %dma_start3A = arith.constant 3 : i32
          %dma_start3A_184 = arith.constant 1 : i32
          %dma_start3A_185 = arith.constant 264 : i32
          %dma_start3A_186 = arith.constant 0 : i32
          %dma_start3A_187 = tpu.memref_slice %run_scoped3A_6[%dma_start3A_185, %dma_start3A_186] : memref<352x128xf32, #tpu.memory_space<vmem>> -> memref<88x128xf32, #tpu.memory_space<vmem>>
          %dma_start3A_188 = arith.constant 0 : i32
          %dma_start3A_189 = tpu.memref_slice %run_scoped3A[%dma_start3A, %dma_start3A_184, %dma_start3A_188] : memref<4x2x88xi32, #tpu.memory_space<vmem>> -> memref<1x1x88xi32, #tpu.memory_space<vmem>>
          %dma_start3A_190 = tpu.memref_squeeze %dma_start3A_189 : memref<1x1x88xi32, #tpu.memory_space<vmem>> -> memref<88xi32, #tpu.memory_space<vmem>>
          %dma_start3A_191 = arith.constant 0 : i32
          %dma_start3A_192 = arith.constant 0 : i32
          %dma_start3A_193 = tpu.memref_slice %arg6[%dma_start3A_191, %dma_start3A_192] : memref<10240x128xf32, #tpu.memory_space<vmem_shared>> -> memref<10240x128xf32, #tpu.memory_space<vmem_shared>>
          tpu.enqueue_indirect_dma source(%dma_start3A_187 : memref<88x128xf32, #tpu.memory_space<vmem>>) target(%dma_start3A_193 : memref<10240x128xf32, #tpu.memory_space<vmem_shared>>) offsets(%dma_start3A_190 : memref<88xi32, #tpu.memory_space<vmem>>) semaphore(%run_scoped3A_18 : memref<!tpu.dma_semaphore, #tpu.memory_space<semaphore_mem>>) {add = true}
        } else {
        }
        %add3A_146 = arith.constant 3 : i32
        %add3A_147 = arith.addi %add3A_70, %add3A_146 : i32
        %lt3A_148 = arith.constant 114 : i32
        %lt3A_149 = arith.cmpi slt, %add3A_147, %lt3A_148 : i32
        %convert_element_type3A_150 = arith.extui %lt3A_149 : i1 to i32
        %cond3A_151 = arith.constant 0 : i32
        %cond3A_152 = arith.cmpi ne, %convert_element_type3A_150, %cond3A_151 : i32
        scf.if %cond3A_152 {
          %ge3A_173 = arith.constant 4 : i32
          %ge3A_174 = arith.cmpi sge, %add3A_147, %ge3A_173 : i32
          %convert_element_type3A_175 = arith.extui %ge3A_174 : i1 to i32
          %cond3A_176 = arith.constant 0 : i32
          %cond3A_177 = arith.cmpi ne, %convert_element_type3A_175, %cond3A_176 : i32
          scf.if %cond3A_177 {
            %dma_wait3A_195 = arith.constant 3 : i32
            %dma_wait3A_196 = arith.constant 1 : i32
            %dma_wait3A_197 = arith.constant 264 : i32
            %dma_wait3A_198 = arith.constant 0 : i32
            %dma_wait3A_199 = tpu.memref_slice %run_scoped3A_6[%dma_wait3A_197, %dma_wait3A_198] : memref<352x128xf32, #tpu.memory_space<vmem>> -> memref<88x128xf32, #tpu.memory_space<vmem>>
            %dma_wait3A_200 = arith.constant 0 : i32
            %dma_wait3A_201 = tpu.memref_slice %run_scoped3A[%dma_wait3A_195, %dma_wait3A_196, %dma_wait3A_200] : memref<4x2x88xi32, #tpu.memory_space<vmem>> -> memref<1x1x88xi32, #tpu.memory_space<vmem>>
            %dma_wait3A_202 = tpu.memref_squeeze %dma_wait3A_201 : memref<1x1x88xi32, #tpu.memory_space<vmem>> -> memref<88xi32, #tpu.memory_space<vmem>>
            %dma_wait3A_203 = arith.constant 0 : i32
            %dma_wait3A_204 = arith.constant 0 : i32
            %dma_wait3A_205 = tpu.memref_slice %arg6[%dma_wait3A_203, %dma_wait3A_204] : memref<10240x128xf32, #tpu.memory_space<vmem_shared>> -> memref<10240x128xf32, #tpu.memory_space<vmem_shared>>
            tpu.wait_indirect_dma semaphore(%run_scoped3A_18 : memref<!tpu.dma_semaphore, #tpu.memory_space<semaphore_mem>>) src(%dma_wait3A_199 : memref<88x128xf32, #tpu.memory_space<vmem>>) dst(%dma_wait3A_205 : memref<10240x128xf32, #tpu.memory_space<vmem_shared>>)
          } else {
          }
          %add3A_178 = arith.addi %mul3A_4, %add3A_147 : i32
          %dma_start3A = arith.constant 3 : i32
          %dma_start3A_179 = arith.constant 0 : i32
          %dma_start3A_180 = arith.constant 0 : i32
          %dma_start3A_181 = tpu.memref_slice %run_scoped3A[%dma_start3A, %dma_start3A_179, %dma_start3A_180] : memref<4x2x88xi32, #tpu.memory_space<vmem>> -> memref<1x2x88xi32, #tpu.memory_space<vmem>>
          %dma_start3A_182 = tpu.memref_squeeze %dma_start3A_181 : memref<1x2x88xi32, #tpu.memory_space<vmem>> -> memref<2x88xi32, #tpu.memory_space<vmem>>
          %dma_start3A_183 = arith.constant 0 : i32
          %dma_start3A_184 = arith.constant 0 : i32
          %dma_start3A_185 = tpu.memref_slice %arg3[%add3A_178, %dma_start3A_183, %dma_start3A_184] : memref<3648x2x88xi32, #tpu.memory_space<hbm>> -> memref<1x2x88xi32, #tpu.memory_space<hbm>>
          %dma_start3A_186 = tpu.memref_squeeze %dma_start3A_185 : memref<1x2x88xi32, #tpu.memory_space<hbm>> -> memref<2x88xi32, #tpu.memory_space<hbm>>
          %dma_start3A_187 = arith.constant 0 : i32
          %dma_start3A_188 = arith.constant 0 : i32
          %dma_start3A_189 = tpu.memref_slice %run_scoped3A[%dma_start3A, %dma_start3A_187, %dma_start3A_188] : memref<4x2x88xi32, #tpu.memory_space<vmem>> -> memref<1x2x88xi32, #tpu.memory_space<vmem>>
          %dma_start3A_190 = tpu.memref_squeeze %dma_start3A_189 : memref<1x2x88xi32, #tpu.memory_space<vmem>> -> memref<2x88xi32, #tpu.memory_space<vmem>>
          %dma_start3A_191 = arith.constant 0 : i32
          %dma_start3A_192 = arith.constant 0 : i32
          %dma_start3A_193 = tpu.memref_slice %arg3[%add3A_178, %dma_start3A_191, %dma_start3A_192] : memref<3648x2x88xi32, #tpu.memory_space<hbm>> -> memref<1x2x88xi32, #tpu.memory_space<hbm>>
          %dma_start3A_194 = tpu.memref_squeeze %dma_start3A_193 : memref<1x2x88xi32, #tpu.memory_space<hbm>> -> memref<2x88xi32, #tpu.memory_space<hbm>>
          tpu.enqueue_dma source(%dma_start3A_194 : memref<2x88xi32, #tpu.memory_space<hbm>>) target(%dma_start3A_190 : memref<2x88xi32, #tpu.memory_space<vmem>>) target_semaphore(%run_scoped3A_10 : memref<!tpu.dma_semaphore, #tpu.memory_space<semaphore_mem>>)
        } else {
        }
        %sub3A_153 = arith.constant 1 : i32
        %sub3A_154 = arith.subi %add3A_147, %sub3A_153 : i32
        %ge3A_155 = arith.constant 0 : i32
        %ge3A_156 = arith.cmpi sge, %sub3A_154, %ge3A_155 : i32
        %lt3A_157 = arith.constant 114 : i32
        %lt3A_158 = arith.cmpi slt, %sub3A_154, %lt3A_157 : i32
        %and3A_159 = arith.andi %ge3A_156, %lt3A_158 : i1
        %convert_element_type3A_160 = arith.extui %and3A_159 : i1 to i32
        %cond3A_161 = arith.constant 0 : i32
        %cond3A_162 = arith.cmpi ne, %convert_element_type3A_160, %cond3A_161 : i32
        scf.if %cond3A_162 {
          %add3A_173 = arith.addi %mul3A_4, %sub3A_154 : i32
          %dma_wait3A_174 = arith.constant 2 : i32
          %dma_wait3A_175 = arith.constant 0 : i32
          %dma_wait3A_176 = arith.constant 0 : i32
          %dma_wait3A_177 = tpu.memref_slice %run_scoped3A[%dma_wait3A_174, %dma_wait3A_175, %dma_wait3A_176] : memref<4x2x88xi32, #tpu.memory_space<vmem>> -> memref<1x2x88xi32, #tpu.memory_space<vmem>>
          %dma_wait3A_178 = tpu.memref_squeeze %dma_wait3A_177 : memref<1x2x88xi32, #tpu.memory_space<vmem>> -> memref<2x88xi32, #tpu.memory_space<vmem>>
          %dma_wait3A_179 = arith.constant 0 : i32
          %dma_wait3A_180 = arith.constant 0 : i32
          %dma_wait3A_181 = tpu.memref_slice %arg3[%add3A_173, %dma_wait3A_179, %dma_wait3A_180] : memref<3648x2x88xi32, #tpu.memory_space<hbm>> -> memref<1x2x88xi32, #tpu.memory_space<hbm>>
          %dma_wait3A_182 = tpu.memref_squeeze %dma_wait3A_181 : memref<1x2x88xi32, #tpu.memory_space<hbm>> -> memref<2x88xi32, #tpu.memory_space<hbm>>
          %dma_wait3A_183 = arith.constant 0 : i32
          %dma_wait3A_184 = arith.constant 0 : i32
          %dma_wait3A_185 = tpu.memref_slice %run_scoped3A[%dma_wait3A_174, %dma_wait3A_183, %dma_wait3A_184] : memref<4x2x88xi32, #tpu.memory_space<vmem>> -> memref<1x2x88xi32, #tpu.memory_space<vmem>>
          %dma_wait3A_186 = tpu.memref_squeeze %dma_wait3A_185 : memref<1x2x88xi32, #tpu.memory_space<vmem>> -> memref<2x88xi32, #tpu.memory_space<vmem>>
          %dma_wait3A_187 = arith.constant 0 : i32
          %dma_wait3A_188 = arith.constant 0 : i32
          %dma_wait3A_189 = tpu.memref_slice %arg3[%add3A_173, %dma_wait3A_187, %dma_wait3A_188] : memref<3648x2x88xi32, #tpu.memory_space<hbm>> -> memref<1x2x88xi32, #tpu.memory_space<hbm>>
          %dma_wait3A_190 = tpu.memref_squeeze %dma_wait3A_189 : memref<1x2x88xi32, #tpu.memory_space<hbm>> -> memref<2x88xi32, #tpu.memory_space<hbm>>
          tpu.wait_dma2 semaphore(%run_scoped3A_9 : memref<!tpu.dma_semaphore, #tpu.memory_space<semaphore_mem>>) src(%dma_wait3A_190 : memref<2x88xi32, #tpu.memory_space<hbm>>) dst(%dma_wait3A_186 : memref<2x88xi32, #tpu.memory_space<vmem>>)
          %dma_start3A = arith.constant 2 : i32
          %dma_start3A_191 = arith.constant 0 : i32
          %dma_start3A_192 = arith.constant 176 : i32
          %dma_start3A_193 = arith.constant 0 : i32
          %dma_start3A_194 = tpu.memref_slice %run_scoped3A_6[%dma_start3A_192, %dma_start3A_193] : memref<352x128xf32, #tpu.memory_space<vmem>> -> memref<88x128xf32, #tpu.memory_space<vmem>>
          %dma_start3A_195 = arith.constant 0 : i32
          %dma_start3A_196 = tpu.memref_slice %run_scoped3A[%dma_start3A, %dma_start3A_191, %dma_start3A_195] : memref<4x2x88xi32, #tpu.memory_space<vmem>> -> memref<1x1x88xi32, #tpu.memory_space<vmem>>
          %dma_start3A_197 = tpu.memref_squeeze %dma_start3A_196 : memref<1x1x88xi32, #tpu.memory_space<vmem>> -> memref<88xi32, #tpu.memory_space<vmem>>
          %dma_start3A_198 = arith.constant 0 : i32
          %dma_start3A_199 = arith.constant 0 : i32
          %dma_start3A_200 = tpu.memref_slice %arg2[%dma_start3A_198, %dma_start3A_199] : memref<321024x128xf32, #tpu.memory_space<hbm>> -> memref<321024x128xf32, #tpu.memory_space<hbm>>
          tpu.enqueue_indirect_dma source(%dma_start3A_200 : memref<321024x128xf32, #tpu.memory_space<hbm>>) target(%dma_start3A_194 : memref<88x128xf32, #tpu.memory_space<vmem>>) offsets(%dma_start3A_197 : memref<88xi32, #tpu.memory_space<vmem>>) semaphore(%run_scoped3A_13 : memref<!tpu.dma_semaphore, #tpu.memory_space<semaphore_mem>>)
        } else {
        }
        %sub3A_163 = arith.constant 3 : i32
        %sub3A_164 = arith.subi %add3A_147, %sub3A_163 : i32
        %ge3A_165 = arith.constant 0 : i32
        %ge3A_166 = arith.cmpi sge, %sub3A_164, %ge3A_165 : i32
        %lt3A_167 = arith.constant 114 : i32
        %lt3A_168 = arith.cmpi slt, %sub3A_164, %lt3A_167 : i32
        %and3A_169 = arith.andi %ge3A_166, %lt3A_168 : i1
        %convert_element_type3A_170 = arith.extui %and3A_169 : i1 to i32
        %cond3A_171 = arith.constant 0 : i32
        %cond3A_172 = arith.cmpi ne, %convert_element_type3A_170, %cond3A_171 : i32
        scf.if %cond3A_172 {
          %dma_wait3A_173 = arith.constant 0 : i32
          %dma_wait3A_174 = arith.constant 0 : i32
          %dma_wait3A_175 = arith.constant 0 : i32
          %dma_wait3A_176 = arith.constant 0 : i32
          %dma_wait3A_177 = tpu.memref_slice %run_scoped3A_6[%dma_wait3A_175, %dma_wait3A_176] : memref<352x128xf32, #tpu.memory_space<vmem>> -> memref<88x128xf32, #tpu.memory_space<vmem>>
          %dma_wait3A_178 = arith.constant 0 : i32
          %dma_wait3A_179 = tpu.memref_slice %run_scoped3A[%dma_wait3A_173, %dma_wait3A_174, %dma_wait3A_178] : memref<4x2x88xi32, #tpu.memory_space<vmem>> -> memref<1x1x88xi32, #tpu.memory_space<vmem>>
          %dma_wait3A_180 = tpu.memref_squeeze %dma_wait3A_179 : memref<1x1x88xi32, #tpu.memory_space<vmem>> -> memref<88xi32, #tpu.memory_space<vmem>>
          %dma_wait3A_181 = arith.constant 0 : i32
          %dma_wait3A_182 = arith.constant 0 : i32
          %dma_wait3A_183 = tpu.memref_slice %arg2[%dma_wait3A_181, %dma_wait3A_182] : memref<321024x128xf32, #tpu.memory_space<hbm>> -> memref<321024x128xf32, #tpu.memory_space<hbm>>
          tpu.wait_indirect_dma semaphore(%run_scoped3A_11 : memref<!tpu.dma_semaphore, #tpu.memory_space<semaphore_mem>>) src(%dma_wait3A_183 : memref<321024x128xf32, #tpu.memory_space<hbm>>) dst(%dma_wait3A_177 : memref<88x128xf32, #tpu.memory_space<vmem>>)
          %dma_start3A = arith.constant 0 : i32
          %dma_start3A_184 = arith.constant 1 : i32
          %dma_start3A_185 = arith.constant 0 : i32
          %dma_start3A_186 = arith.constant 0 : i32
          %dma_start3A_187 = tpu.memref_slice %run_scoped3A_6[%dma_start3A_185, %dma_start3A_186] : memref<352x128xf32, #tpu.memory_space<vmem>> -> memref<88x128xf32, #tpu.memory_space<vmem>>
          %dma_start3A_188 = arith.constant 0 : i32
          %dma_start3A_189 = tpu.memref_slice %run_scoped3A[%dma_start3A, %dma_start3A_184, %dma_start3A_188] : memref<4x2x88xi32, #tpu.memory_space<vmem>> -> memref<1x1x88xi32, #tpu.memory_space<vmem>>
          %dma_start3A_190 = tpu.memref_squeeze %dma_start3A_189 : memref<1x1x88xi32, #tpu.memory_space<vmem>> -> memref<88xi32, #tpu.memory_space<vmem>>
          %dma_start3A_191 = arith.constant 0 : i32
          %dma_start3A_192 = arith.constant 0 : i32
          %dma_start3A_193 = tpu.memref_slice %arg6[%dma_start3A_191, %dma_start3A_192] : memref<10240x128xf32, #tpu.memory_space<vmem_shared>> -> memref<10240x128xf32, #tpu.memory_space<vmem_shared>>
          tpu.enqueue_indirect_dma source(%dma_start3A_187 : memref<88x128xf32, #tpu.memory_space<vmem>>) target(%dma_start3A_193 : memref<10240x128xf32, #tpu.memory_space<vmem_shared>>) offsets(%dma_start3A_190 : memref<88xi32, #tpu.memory_space<vmem>>) semaphore(%run_scoped3A_15 : memref<!tpu.dma_semaphore, #tpu.memory_space<semaphore_mem>>) {add = true}
        } else {
        }
      }
      %scan3A_22 = arith.constant 30 : i32
      %dma_wait3A = arith.constant 0 : i32
      %dma_wait3A_23 = arith.constant 1 : i32
      %dma_wait3A_24 = arith.constant 0 : i32
      %dma_wait3A_25 = arith.constant 0 : i32
      %dma_wait3A_26 = tpu.memref_slice %run_scoped3A_6[%dma_wait3A_24, %dma_wait3A_25] : memref<352x128xf32, #tpu.memory_space<vmem>> -> memref<88x128xf32, #tpu.memory_space<vmem>>
      %dma_wait3A_27 = arith.constant 0 : i32
      %dma_wait3A_28 = tpu.memref_slice %run_scoped3A[%dma_wait3A, %dma_wait3A_23, %dma_wait3A_27] : memref<4x2x88xi32, #tpu.memory_space<vmem>> -> memref<1x1x88xi32, #tpu.memory_space<vmem>>
      %dma_wait3A_29 = tpu.memref_squeeze %dma_wait3A_28 : memref<1x1x88xi32, #tpu.memory_space<vmem>> -> memref<88xi32, #tpu.memory_space<vmem>>
      %dma_wait3A_30 = arith.constant 0 : i32
      %dma_wait3A_31 = arith.constant 0 : i32
      %dma_wait3A_32 = tpu.memref_slice %arg6[%dma_wait3A_30, %dma_wait3A_31] : memref<10240x128xf32, #tpu.memory_space<vmem_shared>> -> memref<10240x128xf32, #tpu.memory_space<vmem_shared>>
      tpu.wait_indirect_dma semaphore(%run_scoped3A_15 : memref<!tpu.dma_semaphore, #tpu.memory_space<semaphore_mem>>) src(%dma_wait3A_26 : memref<88x128xf32, #tpu.memory_space<vmem>>) dst(%dma_wait3A_32 : memref<10240x128xf32, #tpu.memory_space<vmem_shared>>)
      %dma_wait3A_33 = arith.constant 1 : i32
      %dma_wait3A_34 = arith.constant 1 : i32
      %dma_wait3A_35 = arith.constant 88 : i32
      %dma_wait3A_36 = arith.constant 0 : i32
      %dma_wait3A_37 = tpu.memref_slice %run_scoped3A_6[%dma_wait3A_35, %dma_wait3A_36] : memref<352x128xf32, #tpu.memory_space<vmem>> -> memref<88x128xf32, #tpu.memory_space<vmem>>
      %dma_wait3A_38 = arith.constant 0 : i32
      %dma_wait3A_39 = tpu.memref_slice %run_scoped3A[%dma_wait3A_33, %dma_wait3A_34, %dma_wait3A_38] : memref<4x2x88xi32, #tpu.memory_space<vmem>> -> memref<1x1x88xi32, #tpu.memory_space<vmem>>
      %dma_wait3A_40 = tpu.memref_squeeze %dma_wait3A_39 : memref<1x1x88xi32, #tpu.memory_space<vmem>> -> memref<88xi32, #tpu.memory_space<vmem>>
      %dma_wait3A_41 = arith.constant 0 : i32
      %dma_wait3A_42 = arith.constant 0 : i32
      %dma_wait3A_43 = tpu.memref_slice %arg6[%dma_wait3A_41, %dma_wait3A_42] : memref<10240x128xf32, #tpu.memory_space<vmem_shared>> -> memref<10240x128xf32, #tpu.memory_space<vmem_shared>>
      tpu.wait_indirect_dma semaphore(%run_scoped3A_16 : memref<!tpu.dma_semaphore, #tpu.memory_space<semaphore_mem>>) src(%dma_wait3A_37 : memref<88x128xf32, #tpu.memory_space<vmem>>) dst(%dma_wait3A_43 : memref<10240x128xf32, #tpu.memory_space<vmem_shared>>)
      %dma_wait3A_44 = arith.constant 2 : i32
      %dma_wait3A_45 = arith.constant 1 : i32
      %dma_wait3A_46 = arith.constant 176 : i32
      %dma_wait3A_47 = arith.constant 0 : i32
      %dma_wait3A_48 = tpu.memref_slice %run_scoped3A_6[%dma_wait3A_46, %dma_wait3A_47] : memref<352x128xf32, #tpu.memory_space<vmem>> -> memref<88x128xf32, #tpu.memory_space<vmem>>
      %dma_wait3A_49 = arith.constant 0 : i32
      %dma_wait3A_50 = tpu.memref_slice %run_scoped3A[%dma_wait3A_44, %dma_wait3A_45, %dma_wait3A_49] : memref<4x2x88xi32, #tpu.memory_space<vmem>> -> memref<1x1x88xi32, #tpu.memory_space<vmem>>
      %dma_wait3A_51 = tpu.memref_squeeze %dma_wait3A_50 : memref<1x1x88xi32, #tpu.memory_space<vmem>> -> memref<88xi32, #tpu.memory_space<vmem>>
      %dma_wait3A_52 = arith.constant 0 : i32
      %dma_wait3A_53 = arith.constant 0 : i32
      %dma_wait3A_54 = tpu.memref_slice %arg6[%dma_wait3A_52, %dma_wait3A_53] : memref<10240x128xf32, #tpu.memory_space<vmem_shared>> -> memref<10240x128xf32, #tpu.memory_space<vmem_shared>>
      tpu.wait_indirect_dma semaphore(%run_scoped3A_17 : memref<!tpu.dma_semaphore, #tpu.memory_space<semaphore_mem>>) src(%dma_wait3A_48 : memref<88x128xf32, #tpu.memory_space<vmem>>) dst(%dma_wait3A_54 : memref<10240x128xf32, #tpu.memory_space<vmem_shared>>)
      %dma_wait3A_55 = arith.constant 3 : i32
      %dma_wait3A_56 = arith.constant 1 : i32
      %dma_wait3A_57 = arith.constant 264 : i32
      %dma_wait3A_58 = arith.constant 0 : i32
      %dma_wait3A_59 = tpu.memref_slice %run_scoped3A_6[%dma_wait3A_57, %dma_wait3A_58] : memref<352x128xf32, #tpu.memory_space<vmem>> -> memref<88x128xf32, #tpu.memory_space<vmem>>
      %dma_wait3A_60 = arith.constant 0 : i32
      %dma_wait3A_61 = tpu.memref_slice %run_scoped3A[%dma_wait3A_55, %dma_wait3A_56, %dma_wait3A_60] : memref<4x2x88xi32, #tpu.memory_space<vmem>> -> memref<1x1x88xi32, #tpu.memory_space<vmem>>
      %dma_wait3A_62 = tpu.memref_squeeze %dma_wait3A_61 : memref<1x1x88xi32, #tpu.memory_space<vmem>> -> memref<88xi32, #tpu.memory_space<vmem>>
      %dma_wait3A_63 = arith.constant 0 : i32
      %dma_wait3A_64 = arith.constant 0 : i32
      %dma_wait3A_65 = tpu.memref_slice %arg6[%dma_wait3A_63, %dma_wait3A_64] : memref<10240x128xf32, #tpu.memory_space<vmem_shared>> -> memref<10240x128xf32, #tpu.memory_space<vmem_shared>>
      tpu.wait_indirect_dma semaphore(%run_scoped3A_18 : memref<!tpu.dma_semaphore, #tpu.memory_space<semaphore_mem>>) src(%dma_wait3A_59 : memref<88x128xf32, #tpu.memory_space<vmem>>) dst(%dma_wait3A_65 : memref<10240x128xf32, #tpu.memory_space<vmem_shared>>)
      tpu.yield
    }) : () -> ()
    %barrier3A_5 = arith.constant 0 : index
    tpu.barrier barrier_id(%barrier3A_5)
    "tpu.region"() ({
      %run_scoped3A = tpu.sem_alloc : memref<!tpu.dma_semaphore, #tpu.memory_space<semaphore_mem>>
      %dma_start3A = arith.constant 0 : i32
      %dma_start3A_6 = tpu.memref_slice %arg5[%arg0, %mul3A_0, %dma_start3A] : memref<2x10240x128xf32, #tpu.memory_space<hbm>> -> memref<1x640x128xf32, #tpu.memory_space<hbm>>
      %dma_start3A_7 = tpu.memref_squeeze %dma_start3A_6 : memref<1x640x128xf32, #tpu.memory_space<hbm>> -> memref<640x128xf32, #tpu.memory_space<hbm>>
      %dma_start3A_8 = arith.constant 0 : i32
      %dma_start3A_9 = tpu.memref_slice %arg6[%mul3A_0, %dma_start3A_8] : memref<10240x128xf32, #tpu.memory_space<vmem_shared>> -> memref<640x128xf32, #tpu.memory_space<vmem_shared>>
      tpu.enqueue_dma source(%dma_start3A_9 : memref<640x128xf32, #tpu.memory_space<vmem_shared>>) target(%dma_start3A_7 : memref<640x128xf32, #tpu.memory_space<hbm>>) target_semaphore(%run_scoped3A : memref<!tpu.dma_semaphore, #tpu.memory_space<semaphore_mem>>)
      %dma_wait3A = arith.constant 0 : i32
      %dma_wait3A_10 = tpu.memref_slice %arg5[%arg0, %mul3A_0, %dma_wait3A] : memref<2x10240x128xf32, #tpu.memory_space<hbm>> -> memref<1x640x128xf32, #tpu.memory_space<hbm>>
      %dma_wait3A_11 = tpu.memref_squeeze %dma_wait3A_10 : memref<1x640x128xf32, #tpu.memory_space<hbm>> -> memref<640x128xf32, #tpu.memory_space<hbm>>
      %dma_wait3A_12 = arith.constant 0 : i32
      %dma_wait3A_13 = tpu.memref_slice %arg6[%mul3A_0, %dma_wait3A_12] : memref<10240x128xf32, #tpu.memory_space<vmem_shared>> -> memref<640x128xf32, #tpu.memory_space<vmem_shared>>
      tpu.wait_dma2 semaphore(%run_scoped3A : memref<!tpu.dma_semaphore, #tpu.memory_space<semaphore_mem>>) src(%dma_wait3A_13 : memref<640x128xf32, #tpu.memory_space<vmem_shared>>) dst(%dma_wait3A_11 : memref<640x128xf32, #tpu.memory_space<hbm>>)
      tpu.yield
    }) : () -> ()
    return
  }
}

#map = affine_map<(d0, d1) -> (0, 0)>
#map1 = affine_map<(d0, d1) -> (0, 0, 0)>
module attributes {stable_mosaic.version = 14 : i64} {
  func.func @body(%arg0: i32, %arg1: i32, %arg2: memref<10000x128xf32, #tpu.memory_space<hbm>>, %arg3: memref<3648x2x88xi32, #tpu.memory_space<hbm>>, %arg4: memref<10240x128xf32, #tpu.memory_space<hbm>>, %arg5: memref<2x10240x128xf32, #tpu.memory_space<hbm>>, %arg6: memref<10240x128xf32, #tpu.memory_space<vmem_shared>>) attributes {dimension_semantics = [#tpu.dimension_semantics<core_parallel>, #tpu.dimension_semantics<subcore_parallel>], iteration_bounds = array<i64: 2, 16>, scalar_prefetch = 0 : i64, scratch_operands = 1 : i64, tpu.core_type = #tpu.core_type<sc_vector_subcore>, window_params = [{transform_indices = #map}, {transform_indices = #map1}, {transform_indices = #map}, {transform_indices = #map1}]} {
    %mul3A = arith.constant 640 : i32
    %mul3A_0 = arith.muli %arg1, %mul3A : i32
    "tpu.region"() ({
      %run_scoped3A = tpu.sem_alloc : memref<!tpu.dma_semaphore, #tpu.memory_space<semaphore_mem>>
      %dma_start3A = arith.constant 0 : i32
      %dma_start3A_6 = tpu.memref_slice %arg6[%mul3A_0, %dma_start3A] : memref<10240x128xf32, #tpu.memory_space<vmem_shared>> -> memref<640x128xf32, #tpu.memory_space<vmem_shared>>
      %dma_start3A_7 = arith.constant 0 : i32
      %dma_start3A_8 = tpu.memref_slice %arg4[%mul3A_0, %dma_start3A_7] : memref<10240x128xf32, #tpu.memory_space<hbm>> -> memref<640x128xf32, #tpu.memory_space<hbm>>
      tpu.enqueue_dma source(%dma_start3A_8 : memref<640x128xf32, #tpu.memory_space<hbm>>) target(%dma_start3A_6 : memref<640x128xf32, #tpu.memory_space<vmem_shared>>) target_semaphore(%run_scoped3A : memref<!tpu.dma_semaphore, #tpu.memory_space<semaphore_mem>>)
      %dma_wait3A = arith.constant 0 : i32
      %dma_wait3A_9 = tpu.memref_slice %arg6[%mul3A_0, %dma_wait3A] : memref<10240x128xf32, #tpu.memory_space<vmem_shared>> -> memref<640x128xf32, #tpu.memory_space<vmem_shared>>
      %dma_wait3A_10 = arith.constant 0 : i32
      %dma_wait3A_11 = tpu.memref_slice %arg4[%mul3A_0, %dma_wait3A_10] : memref<10240x128xf32, #tpu.memory_space<hbm>> -> memref<640x128xf32, #tpu.memory_space<hbm>>
      tpu.wait_dma2 semaphore(%run_scoped3A : memref<!tpu.dma_semaphore, #tpu.memory_space<semaphore_mem>>) src(%dma_wait3A_11 : memref<640x128xf32, #tpu.memory_space<hbm>>) dst(%dma_wait3A_9 : memref<640x128xf32, #tpu.memory_space<vmem_shared>>)
      tpu.yield
    }) : () -> ()
    %barrier3A = arith.constant 0 : index
    tpu.barrier barrier_id(%barrier3A)
    %mul3A_1 = arith.constant 16 : i32
    %mul3A_2 = arith.muli %arg0, %mul3A_1 : i32
    %add3A = arith.addi %mul3A_2, %arg1 : i32
    %mul3A_3 = arith.constant 114 : i32
    %mul3A_4 = arith.muli %add3A, %mul3A_3 : i32
    "tpu.region"() ({
      %run_scoped3A = memref.alloca() : memref<4x2x88xi32, #tpu.memory_space<vmem>>
      %run_scoped3A_6 = memref.alloca() : memref<352x128xf32, #tpu.memory_space<vmem>>
      %run_scoped3A_7 = tpu.sem_alloc : memref<!tpu.dma_semaphore, #tpu.memory_space<semaphore_mem>>
      %run_scoped3A_8 = tpu.sem_alloc : memref<!tpu.dma_semaphore, #tpu.memory_space<semaphore_mem>>
      %run_scoped3A_9 = tpu.sem_alloc : memref<!tpu.dma_semaphore, #tpu.memory_space<semaphore_mem>>
      %run_scoped3A_10 = tpu.sem_alloc : memref<!tpu.dma_semaphore, #tpu.memory_space<semaphore_mem>>
      %run_scoped3A_11 = tpu.sem_alloc : memref<!tpu.dma_semaphore, #tpu.memory_space<semaphore_mem>>
      %run_scoped3A_12 = tpu.sem_alloc : memref<!tpu.dma_semaphore, #tpu.memory_space<semaphore_mem>>
      %run_scoped3A_13 = tpu.sem_alloc : memref<!tpu.dma_semaphore, #tpu.memory_space<semaphore_mem>>
      %run_scoped3A_14 = tpu.sem_alloc : memref<!tpu.dma_semaphore, #tpu.memory_space<semaphore_mem>>
      %run_scoped3A_15 = tpu.sem_alloc : memref<!tpu.dma_semaphore, #tpu.memory_space<semaphore_mem>>
      %run_scoped3A_16 = tpu.sem_alloc : memref<!tpu.dma_semaphore, #tpu.memory_space<semaphore_mem>>
      %run_scoped3A_17 = tpu.sem_alloc : memref<!tpu.dma_semaphore, #tpu.memory_space<semaphore_mem>>
      %run_scoped3A_18 = tpu.sem_alloc : memref<!tpu.dma_semaphore, #tpu.memory_space<semaphore_mem>>
      %scan3A = arith.constant 0 : i32
      %scan3A_19 = arith.constant 30 : i32
      %scan3A_20 = arith.addi %scan3A, %scan3A_19 : i32
      %scan3A_21 = arith.constant 1 : i32
      scf.for %scan3A_66 = %scan3A to %scan3A_20 step %scan3A_21  : i32 {
        %mul3A_67 = arith.constant 4 : i32
        %mul3A_68 = arith.muli %scan3A_66, %mul3A_67 : i32
        %add3A_69 = arith.constant 0 : i32
        %add3A_70 = arith.addi %add3A_69, %mul3A_68 : i32
        %add3A_71 = arith.constant 0 : i32
        %add3A_72 = arith.addi %add3A_70, %add3A_71 : i32
        %lt3A = arith.constant 114 : i32
        %lt3A_73 = arith.cmpi slt, %add3A_72, %lt3A : i32
        %convert_element_type3A = arith.extui %lt3A_73 : i1 to i32
        %cond3A = arith.constant 0 : i32
        %cond3A_74 = arith.cmpi ne, %convert_element_type3A, %cond3A : i32
        scf.if %cond3A_74 {
          %ge3A_173 = arith.constant 4 : i32
          %ge3A_174 = arith.cmpi sge, %add3A_72, %ge3A_173 : i32
          %convert_element_type3A_175 = arith.extui %ge3A_174 : i1 to i32
          %cond3A_176 = arith.constant 0 : i32
          %cond3A_177 = arith.cmpi ne, %convert_element_type3A_175, %cond3A_176 : i32
          scf.if %cond3A_177 {
            %dma_wait3A_195 = arith.constant 0 : i32
            %dma_wait3A_196 = arith.constant 1 : i32
            %dma_wait3A_197 = arith.constant 0 : i32
            %dma_wait3A_198 = arith.constant 0 : i32
            %dma_wait3A_199 = tpu.memref_slice %run_scoped3A_6[%dma_wait3A_197, %dma_wait3A_198] : memref<352x128xf32, #tpu.memory_space<vmem>> -> memref<88x128xf32, #tpu.memory_space<vmem>>
            %dma_wait3A_200 = arith.constant 0 : i32
            %dma_wait3A_201 = tpu.memref_slice %run_scoped3A[%dma_wait3A_195, %dma_wait3A_196, %dma_wait3A_200] : memref<4x2x88xi32, #tpu.memory_space<vmem>> -> memref<1x1x88xi32, #tpu.memory_space<vmem>>
            %dma_wait3A_202 = tpu.memref_squeeze %dma_wait3A_201 : memref<1x1x88xi32, #tpu.memory_space<vmem>> -> memref<88xi32, #tpu.memory_space<vmem>>
            %dma_wait3A_203 = arith.constant 0 : i32
            %dma_wait3A_204 = arith.constant 0 : i32
            %dma_wait3A_205 = tpu.memref_slice %arg6[%dma_wait3A_203, %dma_wait3A_204] : memref<10240x128xf32, #tpu.memory_space<vmem_shared>> -> memref<10240x128xf32, #tpu.memory_space<vmem_shared>>
            tpu.wait_indirect_dma semaphore(%run_scoped3A_15 : memref<!tpu.dma_semaphore, #tpu.memory_space<semaphore_mem>>) src(%dma_wait3A_199 : memref<88x128xf32, #tpu.memory_space<vmem>>) dst(%dma_wait3A_205 : memref<10240x128xf32, #tpu.memory_space<vmem_shared>>)
          } else {
          }
          %add3A_178 = arith.addi %mul3A_4, %add3A_72 : i32
          %dma_start3A = arith.constant 0 : i32
          %dma_start3A_179 = arith.constant 0 : i32
          %dma_start3A_180 = arith.constant 0 : i32
          %dma_start3A_181 = tpu.memref_slice %run_scoped3A[%dma_start3A, %dma_start3A_179, %dma_start3A_180] : memref<4x2x88xi32, #tpu.memory_space<vmem>> -> memref<1x2x88xi32, #tpu.memory_space<vmem>>
          %dma_start3A_182 = tpu.memref_squeeze %dma_start3A_181 : memref<1x2x88xi32, #tpu.memory_space<vmem>> -> memref<2x88xi32, #tpu.memory_space<vmem>>
          %dma_start3A_183 = arith.constant 0 : i32
          %dma_start3A_184 = arith.constant 0 : i32
          %dma_start3A_185 = tpu.memref_slice %arg3[%add3A_178, %dma_start3A_183, %dma_start3A_184] : memref<3648x2x88xi32, #tpu.memory_space<hbm>> -> memref<1x2x88xi32, #tpu.memory_space<hbm>>
          %dma_start3A_186 = tpu.memref_squeeze %dma_start3A_185 : memref<1x2x88xi32, #tpu.memory_space<hbm>> -> memref<2x88xi32, #tpu.memory_space<hbm>>
          %dma_start3A_187 = arith.constant 0 : i32
          %dma_start3A_188 = arith.constant 0 : i32
          %dma_start3A_189 = tpu.memref_slice %run_scoped3A[%dma_start3A, %dma_start3A_187, %dma_start3A_188] : memref<4x2x88xi32, #tpu.memory_space<vmem>> -> memref<1x2x88xi32, #tpu.memory_space<vmem>>
          %dma_start3A_190 = tpu.memref_squeeze %dma_start3A_189 : memref<1x2x88xi32, #tpu.memory_space<vmem>> -> memref<2x88xi32, #tpu.memory_space<vmem>>
          %dma_start3A_191 = arith.constant 0 : i32
          %dma_start3A_192 = arith.constant 0 : i32
          %dma_start3A_193 = tpu.memref_slice %arg3[%add3A_178, %dma_start3A_191, %dma_start3A_192] : memref<3648x2x88xi32, #tpu.memory_space<hbm>> -> memref<1x2x88xi32, #tpu.memory_space<hbm>>
          %dma_start3A_194 = tpu.memref_squeeze %dma_start3A_193 : memref<1x2x88xi32, #tpu.memory_space<hbm>> -> memref<2x88xi32, #tpu.memory_space<hbm>>
          tpu.enqueue_dma source(%dma_start3A_194 : memref<2x88xi32, #tpu.memory_space<hbm>>) target(%dma_start3A_190 : memref<2x88xi32, #tpu.memory_space<vmem>>) target_semaphore(%run_scoped3A_7 : memref<!tpu.dma_semaphore, #tpu.memory_space<semaphore_mem>>)
        } else {
        }
        %sub3A = arith.constant 1 : i32
        %sub3A_75 = arith.subi %add3A_72, %sub3A : i32
        %ge3A = arith.constant 0 : i32
        %ge3A_76 = arith.cmpi sge, %sub3A_75, %ge3A : i32
        %lt3A_77 = arith.constant 114 : i32
        %lt3A_78 = arith.cmpi slt, %sub3A_75, %lt3A_77 : i32
        %and3A = arith.andi %ge3A_76, %lt3A_78 : i1
        %convert_element_type3A_79 = arith.extui %and3A : i1 to i32
        %cond3A_80 = arith.constant 0 : i32
        %cond3A_81 = arith.cmpi ne, %convert_element_type3A_79, %cond3A_80 : i32
        scf.if %cond3A_81 {
          %add3A_173 = arith.addi %mul3A_4, %sub3A_75 : i32
          %dma_wait3A_174 = arith.constant 3 : i32
          %dma_wait3A_175 = arith.constant 0 : i32
          %dma_wait3A_176 = arith.constant 0 : i32
          %dma_wait3A_177 = tpu.memref_slice %run_scoped3A[%dma_wait3A_174, %dma_wait3A_175, %dma_wait3A_176] : memref<4x2x88xi32, #tpu.memory_space<vmem>> -> memref<1x2x88xi32, #tpu.memory_space<vmem>>
          %dma_wait3A_178 = tpu.memref_squeeze %dma_wait3A_177 : memref<1x2x88xi32, #tpu.memory_space<vmem>> -> memref<2x88xi32, #tpu.memory_space<vmem>>
          %dma_wait3A_179 = arith.constant 0 : i32
          %dma_wait3A_180 = arith.constant 0 : i32
          %dma_wait3A_181 = tpu.memref_slice %arg3[%add3A_173, %dma_wait3A_179, %dma_wait3A_180] : memref<3648x2x88xi32, #tpu.memory_space<hbm>> -> memref<1x2x88xi32, #tpu.memory_space<hbm>>
          %dma_wait3A_182 = tpu.memref_squeeze %dma_wait3A_181 : memref<1x2x88xi32, #tpu.memory_space<hbm>> -> memref<2x88xi32, #tpu.memory_space<hbm>>
          %dma_wait3A_183 = arith.constant 0 : i32
          %dma_wait3A_184 = arith.constant 0 : i32
          %dma_wait3A_185 = tpu.memref_slice %run_scoped3A[%dma_wait3A_174, %dma_wait3A_183, %dma_wait3A_184] : memref<4x2x88xi32, #tpu.memory_space<vmem>> -> memref<1x2x88xi32, #tpu.memory_space<vmem>>
          %dma_wait3A_186 = tpu.memref_squeeze %dma_wait3A_185 : memref<1x2x88xi32, #tpu.memory_space<vmem>> -> memref<2x88xi32, #tpu.memory_space<vmem>>
          %dma_wait3A_187 = arith.constant 0 : i32
          %dma_wait3A_188 = arith.constant 0 : i32
          %dma_wait3A_189 = tpu.memref_slice %arg3[%add3A_173, %dma_wait3A_187, %dma_wait3A_188] : memref<3648x2x88xi32, #tpu.memory_space<hbm>> -> memref<1x2x88xi32, #tpu.memory_space<hbm>>
          %dma_wait3A_190 = tpu.memref_squeeze %dma_wait3A_189 : memref<1x2x88xi32, #tpu.memory_space<hbm>> -> memref<2x88xi32, #tpu.memory_space<hbm>>
          tpu.wait_dma2 semaphore(%run_scoped3A_10 : memref<!tpu.dma_semaphore, #tpu.memory_space<semaphore_mem>>) src(%dma_wait3A_190 : memref<2x88xi32, #tpu.memory_space<hbm>>) dst(%dma_wait3A_186 : memref<2x88xi32, #tpu.memory_space<vmem>>)
          %dma_start3A = arith.constant 3 : i32
          %dma_start3A_191 = arith.constant 0 : i32
          %dma_start3A_192 = arith.constant 264 : i32
          %dma_start3A_193 = arith.constant 0 : i32
          %dma_start3A_194 = tpu.memref_slice %run_scoped3A_6[%dma_start3A_192, %dma_start3A_193] : memref<352x128xf32, #tpu.memory_space<vmem>> -> memref<88x128xf32, #tpu.memory_space<vmem>>
          %dma_start3A_195 = arith.constant 0 : i32
          %dma_start3A_196 = tpu.memref_slice %run_scoped3A[%dma_start3A, %dma_start3A_191, %dma_start3A_195] : memref<4x2x88xi32, #tpu.memory_space<vmem>> -> memref<1x1x88xi32, #tpu.memory_space<vmem>>
          %dma_start3A_197 = tpu.memref_squeeze %dma_start3A_196 : memref<1x1x88xi32, #tpu.memory_space<vmem>> -> memref<88xi32, #tpu.memory_space<vmem>>
          %dma_start3A_198 = arith.constant 0 : i32
          %dma_start3A_199 = arith.constant 0 : i32
          %dma_start3A_200 = tpu.memref_slice %arg2[%dma_start3A_198, %dma_start3A_199] : memref<10000x128xf32, #tpu.memory_space<hbm>> -> memref<10000x128xf32, #tpu.memory_space<hbm>>
          tpu.enqueue_indirect_dma source(%dma_start3A_200 : memref<10000x128xf32, #tpu.memory_space<hbm>>) target(%dma_start3A_194 : memref<88x128xf32, #tpu.memory_space<vmem>>) offsets(%dma_start3A_197 : memref<88xi32, #tpu.memory_space<vmem>>) semaphore(%run_scoped3A_14 : memref<!tpu.dma_semaphore, #tpu.memory_space<semaphore_mem>>)
        } else {
        }
        %sub3A_82 = arith.constant 3 : i32
        %sub3A_83 = arith.subi %add3A_72, %sub3A_82 : i32
        %ge3A_84 = arith.constant 0 : i32
        %ge3A_85 = arith.cmpi sge, %sub3A_83, %ge3A_84 : i32
        %lt3A_86 = arith.constant 114 : i32
        %lt3A_87 = arith.cmpi slt, %sub3A_83, %lt3A_86 : i32
        %and3A_88 = arith.andi %ge3A_85, %lt3A_87 : i1
        %convert_element_type3A_89 = arith.extui %and3A_88 : i1 to i32
        %cond3A_90 = arith.constant 0 : i32
        %cond3A_91 = arith.cmpi ne, %convert_element_type3A_89, %cond3A_90 : i32
        scf.if %cond3A_91 {
          %dma_wait3A_173 = arith.constant 1 : i32
          %dma_wait3A_174 = arith.constant 0 : i32
          %dma_wait3A_175 = arith.constant 88 : i32
          %dma_wait3A_176 = arith.constant 0 : i32
          %dma_wait3A_177 = tpu.memref_slice %run_scoped3A_6[%dma_wait3A_175, %dma_wait3A_176] : memref<352x128xf32, #tpu.memory_space<vmem>> -> memref<88x128xf32, #tpu.memory_space<vmem>>
          %dma_wait3A_178 = arith.constant 0 : i32
          %dma_wait3A_179 = tpu.memref_slice %run_scoped3A[%dma_wait3A_173, %dma_wait3A_174, %dma_wait3A_178] : memref<4x2x88xi32, #tpu.memory_space<vmem>> -> memref<1x1x88xi32, #tpu.memory_space<vmem>>
          %dma_wait3A_180 = tpu.memref_squeeze %dma_wait3A_179 : memref<1x1x88xi32, #tpu.memory_space<vmem>> -> memref<88xi32, #tpu.memory_space<vmem>>
          %dma_wait3A_181 = arith.constant 0 : i32
          %dma_wait3A_182 = arith.constant 0 : i32
          %dma_wait3A_183 = tpu.memref_slice %arg2[%dma_wait3A_181, %dma_wait3A_182] : memref<10000x128xf32, #tpu.memory_space<hbm>> -> memref<10000x128xf32, #tpu.memory_space<hbm>>
          tpu.wait_indirect_dma semaphore(%run_scoped3A_12 : memref<!tpu.dma_semaphore, #tpu.memory_space<semaphore_mem>>) src(%dma_wait3A_183 : memref<10000x128xf32, #tpu.memory_space<hbm>>) dst(%dma_wait3A_177 : memref<88x128xf32, #tpu.memory_space<vmem>>)
          %dma_start3A = arith.constant 1 : i32
          %dma_start3A_184 = arith.constant 1 : i32
          %dma_start3A_185 = arith.constant 88 : i32
          %dma_start3A_186 = arith.constant 0 : i32
          %dma_start3A_187 = tpu.memref_slice %run_scoped3A_6[%dma_start3A_185, %dma_start3A_186] : memref<352x128xf32, #tpu.memory_space<vmem>> -> memref<88x128xf32, #tpu.memory_space<vmem>>
          %dma_start3A_188 = arith.constant 0 : i32
          %dma_start3A_189 = tpu.memref_slice %run_scoped3A[%dma_start3A, %dma_start3A_184, %dma_start3A_188] : memref<4x2x88xi32, #tpu.memory_space<vmem>> -> memref<1x1x88xi32, #tpu.memory_space<vmem>>
          %dma_start3A_190 = tpu.memref_squeeze %dma_start3A_189 : memref<1x1x88xi32, #tpu.memory_space<vmem>> -> memref<88xi32, #tpu.memory_space<vmem>>
          %dma_start3A_191 = arith.constant 0 : i32
          %dma_start3A_192 = arith.constant 0 : i32
          %dma_start3A_193 = tpu.memref_slice %arg6[%dma_start3A_191, %dma_start3A_192] : memref<10240x128xf32, #tpu.memory_space<vmem_shared>> -> memref<10240x128xf32, #tpu.memory_space<vmem_shared>>
          tpu.enqueue_indirect_dma source(%dma_start3A_187 : memref<88x128xf32, #tpu.memory_space<vmem>>) target(%dma_start3A_193 : memref<10240x128xf32, #tpu.memory_space<vmem_shared>>) offsets(%dma_start3A_190 : memref<88xi32, #tpu.memory_space<vmem>>) semaphore(%run_scoped3A_16 : memref<!tpu.dma_semaphore, #tpu.memory_space<semaphore_mem>>) {add = true}
        } else {
        }
        %add3A_92 = arith.constant 1 : i32
        %add3A_93 = arith.addi %add3A_70, %add3A_92 : i32
        %lt3A_94 = arith.constant 114 : i32
        %lt3A_95 = arith.cmpi slt, %add3A_93, %lt3A_94 : i32
        %convert_element_type3A_96 = arith.extui %lt3A_95 : i1 to i32
        %cond3A_97 = arith.constant 0 : i32
        %cond3A_98 = arith.cmpi ne, %convert_element_type3A_96, %cond3A_97 : i32
        scf.if %cond3A_98 {
          %ge3A_173 = arith.constant 4 : i32
          %ge3A_174 = arith.cmpi sge, %add3A_93, %ge3A_173 : i32
          %convert_element_type3A_175 = arith.extui %ge3A_174 : i1 to i32
          %cond3A_176 = arith.constant 0 : i32
          %cond3A_177 = arith.cmpi ne, %convert_element_type3A_175, %cond3A_176 : i32
          scf.if %cond3A_177 {
            %dma_wait3A_195 = arith.constant 1 : i32
            %dma_wait3A_196 = arith.constant 1 : i32
            %dma_wait3A_197 = arith.constant 88 : i32
            %dma_wait3A_198 = arith.constant 0 : i32
            %dma_wait3A_199 = tpu.memref_slice %run_scoped3A_6[%dma_wait3A_197, %dma_wait3A_198] : memref<352x128xf32, #tpu.memory_space<vmem>> -> memref<88x128xf32, #tpu.memory_space<vmem>>
            %dma_wait3A_200 = arith.constant 0 : i32
            %dma_wait3A_201 = tpu.memref_slice %run_scoped3A[%dma_wait3A_195, %dma_wait3A_196, %dma_wait3A_200] : memref<4x2x88xi32, #tpu.memory_space<vmem>> -> memref<1x1x88xi32, #tpu.memory_space<vmem>>
            %dma_wait3A_202 = tpu.memref_squeeze %dma_wait3A_201 : memref<1x1x88xi32, #tpu.memory_space<vmem>> -> memref<88xi32, #tpu.memory_space<vmem>>
            %dma_wait3A_203 = arith.constant 0 : i32
            %dma_wait3A_204 = arith.constant 0 : i32
            %dma_wait3A_205 = tpu.memref_slice %arg6[%dma_wait3A_203, %dma_wait3A_204] : memref<10240x128xf32, #tpu.memory_space<vmem_shared>> -> memref<10240x128xf32, #tpu.memory_space<vmem_shared>>
            tpu.wait_indirect_dma semaphore(%run_scoped3A_16 : memref<!tpu.dma_semaphore, #tpu.memory_space<semaphore_mem>>) src(%dma_wait3A_199 : memref<88x128xf32, #tpu.memory_space<vmem>>) dst(%dma_wait3A_205 : memref<10240x128xf32, #tpu.memory_space<vmem_shared>>)
          } else {
          }
          %add3A_178 = arith.addi %mul3A_4, %add3A_93 : i32
          %dma_start3A = arith.constant 1 : i32
          %dma_start3A_179 = arith.constant 0 : i32
          %dma_start3A_180 = arith.constant 0 : i32
          %dma_start3A_181 = tpu.memref_slice %run_scoped3A[%dma_start3A, %dma_start3A_179, %dma_start3A_180] : memref<4x2x88xi32, #tpu.memory_space<vmem>> -> memref<1x2x88xi32, #tpu.memory_space<vmem>>
          %dma_start3A_182 = tpu.memref_squeeze %dma_start3A_181 : memref<1x2x88xi32, #tpu.memory_space<vmem>> -> memref<2x88xi32, #tpu.memory_space<vmem>>
          %dma_start3A_183 = arith.constant 0 : i32
          %dma_start3A_184 = arith.constant 0 : i32
          %dma_start3A_185 = tpu.memref_slice %arg3[%add3A_178, %dma_start3A_183, %dma_start3A_184] : memref<3648x2x88xi32, #tpu.memory_space<hbm>> -> memref<1x2x88xi32, #tpu.memory_space<hbm>>
          %dma_start3A_186 = tpu.memref_squeeze %dma_start3A_185 : memref<1x2x88xi32, #tpu.memory_space<hbm>> -> memref<2x88xi32, #tpu.memory_space<hbm>>
          %dma_start3A_187 = arith.constant 0 : i32
          %dma_start3A_188 = arith.constant 0 : i32
          %dma_start3A_189 = tpu.memref_slice %run_scoped3A[%dma_start3A, %dma_start3A_187, %dma_start3A_188] : memref<4x2x88xi32, #tpu.memory_space<vmem>> -> memref<1x2x88xi32, #tpu.memory_space<vmem>>
          %dma_start3A_190 = tpu.memref_squeeze %dma_start3A_189 : memref<1x2x88xi32, #tpu.memory_space<vmem>> -> memref<2x88xi32, #tpu.memory_space<vmem>>
          %dma_start3A_191 = arith.constant 0 : i32
          %dma_start3A_192 = arith.constant 0 : i32
          %dma_start3A_193 = tpu.memref_slice %arg3[%add3A_178, %dma_start3A_191, %dma_start3A_192] : memref<3648x2x88xi32, #tpu.memory_space<hbm>> -> memref<1x2x88xi32, #tpu.memory_space<hbm>>
          %dma_start3A_194 = tpu.memref_squeeze %dma_start3A_193 : memref<1x2x88xi32, #tpu.memory_space<hbm>> -> memref<2x88xi32, #tpu.memory_space<hbm>>
          tpu.enqueue_dma source(%dma_start3A_194 : memref<2x88xi32, #tpu.memory_space<hbm>>) target(%dma_start3A_190 : memref<2x88xi32, #tpu.memory_space<vmem>>) target_semaphore(%run_scoped3A_8 : memref<!tpu.dma_semaphore, #tpu.memory_space<semaphore_mem>>)
        } else {
        }
        %sub3A_99 = arith.constant 1 : i32
        %sub3A_100 = arith.subi %add3A_93, %sub3A_99 : i32
        %ge3A_101 = arith.constant 0 : i32
        %ge3A_102 = arith.cmpi sge, %sub3A_100, %ge3A_101 : i32
        %lt3A_103 = arith.constant 114 : i32
        %lt3A_104 = arith.cmpi slt, %sub3A_100, %lt3A_103 : i32
        %and3A_105 = arith.andi %ge3A_102, %lt3A_104 : i1
        %convert_element_type3A_106 = arith.extui %and3A_105 : i1 to i32
        %cond3A_107 = arith.constant 0 : i32
        %cond3A_108 = arith.cmpi ne, %convert_element_type3A_106, %cond3A_107 : i32
        scf.if %cond3A_108 {
          %add3A_173 = arith.addi %mul3A_4, %sub3A_100 : i32
          %dma_wait3A_174 = arith.constant 0 : i32
          %dma_wait3A_175 = arith.constant 0 : i32
          %dma_wait3A_176 = arith.constant 0 : i32
          %dma_wait3A_177 = tpu.memref_slice %run_scoped3A[%dma_wait3A_174, %dma_wait3A_175, %dma_wait3A_176] : memref<4x2x88xi32, #tpu.memory_space<vmem>> -> memref<1x2x88xi32, #tpu.memory_space<vmem>>
          %dma_wait3A_178 = tpu.memref_squeeze %dma_wait3A_177 : memref<1x2x88xi32, #tpu.memory_space<vmem>> -> memref<2x88xi32, #tpu.memory_space<vmem>>
          %dma_wait3A_179 = arith.constant 0 : i32
          %dma_wait3A_180 = arith.constant 0 : i32
          %dma_wait3A_181 = tpu.memref_slice %arg3[%add3A_173, %dma_wait3A_179, %dma_wait3A_180] : memref<3648x2x88xi32, #tpu.memory_space<hbm>> -> memref<1x2x88xi32, #tpu.memory_space<hbm>>
          %dma_wait3A_182 = tpu.memref_squeeze %dma_wait3A_181 : memref<1x2x88xi32, #tpu.memory_space<hbm>> -> memref<2x88xi32, #tpu.memory_space<hbm>>
          %dma_wait3A_183 = arith.constant 0 : i32
          %dma_wait3A_184 = arith.constant 0 : i32
          %dma_wait3A_185 = tpu.memref_slice %run_scoped3A[%dma_wait3A_174, %dma_wait3A_183, %dma_wait3A_184] : memref<4x2x88xi32, #tpu.memory_space<vmem>> -> memref<1x2x88xi32, #tpu.memory_space<vmem>>
          %dma_wait3A_186 = tpu.memref_squeeze %dma_wait3A_185 : memref<1x2x88xi32, #tpu.memory_space<vmem>> -> memref<2x88xi32, #tpu.memory_space<vmem>>
          %dma_wait3A_187 = arith.constant 0 : i32
          %dma_wait3A_188 = arith.constant 0 : i32
          %dma_wait3A_189 = tpu.memref_slice %arg3[%add3A_173, %dma_wait3A_187, %dma_wait3A_188] : memref<3648x2x88xi32, #tpu.memory_space<hbm>> -> memref<1x2x88xi32, #tpu.memory_space<hbm>>
          %dma_wait3A_190 = tpu.memref_squeeze %dma_wait3A_189 : memref<1x2x88xi32, #tpu.memory_space<hbm>> -> memref<2x88xi32, #tpu.memory_space<hbm>>
          tpu.wait_dma2 semaphore(%run_scoped3A_7 : memref<!tpu.dma_semaphore, #tpu.memory_space<semaphore_mem>>) src(%dma_wait3A_190 : memref<2x88xi32, #tpu.memory_space<hbm>>) dst(%dma_wait3A_186 : memref<2x88xi32, #tpu.memory_space<vmem>>)
          %dma_start3A = arith.constant 0 : i32
          %dma_start3A_191 = arith.constant 0 : i32
          %dma_start3A_192 = arith.constant 0 : i32
          %dma_start3A_193 = arith.constant 0 : i32
          %dma_start3A_194 = tpu.memref_slice %run_scoped3A_6[%dma_start3A_192, %dma_start3A_193] : memref<352x128xf32, #tpu.memory_space<vmem>> -> memref<88x128xf32, #tpu.memory_space<vmem>>
          %dma_start3A_195 = arith.constant 0 : i32
          %dma_start3A_196 = tpu.memref_slice %run_scoped3A[%dma_start3A, %dma_start3A_191, %dma_start3A_195] : memref<4x2x88xi32, #tpu.memory_space<vmem>> -> memref<1x1x88xi32, #tpu.memory_space<vmem>>
          %dma_start3A_197 = tpu.memref_squeeze %dma_start3A_196 : memref<1x1x88xi32, #tpu.memory_space<vmem>> -> memref<88xi32, #tpu.memory_space<vmem>>
          %dma_start3A_198 = arith.constant 0 : i32
          %dma_start3A_199 = arith.constant 0 : i32
          %dma_start3A_200 = tpu.memref_slice %arg2[%dma_start3A_198, %dma_start3A_199] : memref<10000x128xf32, #tpu.memory_space<hbm>> -> memref<10000x128xf32, #tpu.memory_space<hbm>>
          tpu.enqueue_indirect_dma source(%dma_start3A_200 : memref<10000x128xf32, #tpu.memory_space<hbm>>) target(%dma_start3A_194 : memref<88x128xf32, #tpu.memory_space<vmem>>) offsets(%dma_start3A_197 : memref<88xi32, #tpu.memory_space<vmem>>) semaphore(%run_scoped3A_11 : memref<!tpu.dma_semaphore, #tpu.memory_space<semaphore_mem>>)
        } else {
        }
        %sub3A_109 = arith.constant 3 : i32
        %sub3A_110 = arith.subi %add3A_93, %sub3A_109 : i32
        %ge3A_111 = arith.constant 0 : i32
        %ge3A_112 = arith.cmpi sge, %sub3A_110, %ge3A_111 : i32
        %lt3A_113 = arith.constant 114 : i32
        %lt3A_114 = arith.cmpi slt, %sub3A_110, %lt3A_113 : i32
        %and3A_115 = arith.andi %ge3A_112, %lt3A_114 : i1
        %convert_element_type3A_116 = arith.extui %and3A_115 : i1 to i32
        %cond3A_117 = arith.constant 0 : i32
        %cond3A_118 = arith.cmpi ne, %convert_element_type3A_116, %cond3A_117 : i32
        scf.if %cond3A_118 {
          %dma_wait3A_173 = arith.constant 2 : i32
          %dma_wait3A_174 = arith.constant 0 : i32
          %dma_wait3A_175 = arith.constant 176 : i32
          %dma_wait3A_176 = arith.constant 0 : i32
          %dma_wait3A_177 = tpu.memref_slice %run_scoped3A_6[%dma_wait3A_175, %dma_wait3A_176] : memref<352x128xf32, #tpu.memory_space<vmem>> -> memref<88x128xf32, #tpu.memory_space<vmem>>
          %dma_wait3A_178 = arith.constant 0 : i32
          %dma_wait3A_179 = tpu.memref_slice %run_scoped3A[%dma_wait3A_173, %dma_wait3A_174, %dma_wait3A_178] : memref<4x2x88xi32, #tpu.memory_space<vmem>> -> memref<1x1x88xi32, #tpu.memory_space<vmem>>
          %dma_wait3A_180 = tpu.memref_squeeze %dma_wait3A_179 : memref<1x1x88xi32, #tpu.memory_space<vmem>> -> memref<88xi32, #tpu.memory_space<vmem>>
          %dma_wait3A_181 = arith.constant 0 : i32
          %dma_wait3A_182 = arith.constant 0 : i32
          %dma_wait3A_183 = tpu.memref_slice %arg2[%dma_wait3A_181, %dma_wait3A_182] : memref<10000x128xf32, #tpu.memory_space<hbm>> -> memref<10000x128xf32, #tpu.memory_space<hbm>>
          tpu.wait_indirect_dma semaphore(%run_scoped3A_13 : memref<!tpu.dma_semaphore, #tpu.memory_space<semaphore_mem>>) src(%dma_wait3A_183 : memref<10000x128xf32, #tpu.memory_space<hbm>>) dst(%dma_wait3A_177 : memref<88x128xf32, #tpu.memory_space<vmem>>)
          %dma_start3A = arith.constant 2 : i32
          %dma_start3A_184 = arith.constant 1 : i32
          %dma_start3A_185 = arith.constant 176 : i32
          %dma_start3A_186 = arith.constant 0 : i32
          %dma_start3A_187 = tpu.memref_slice %run_scoped3A_6[%dma_start3A_185, %dma_start3A_186] : memref<352x128xf32, #tpu.memory_space<vmem>> -> memref<88x128xf32, #tpu.memory_space<vmem>>
          %dma_start3A_188 = arith.constant 0 : i32
          %dma_start3A_189 = tpu.memref_slice %run_scoped3A[%dma_start3A, %dma_start3A_184, %dma_start3A_188] : memref<4x2x88xi32, #tpu.memory_space<vmem>> -> memref<1x1x88xi32, #tpu.memory_space<vmem>>
          %dma_start3A_190 = tpu.memref_squeeze %dma_start3A_189 : memref<1x1x88xi32, #tpu.memory_space<vmem>> -> memref<88xi32, #tpu.memory_space<vmem>>
          %dma_start3A_191 = arith.constant 0 : i32
          %dma_start3A_192 = arith.constant 0 : i32
          %dma_start3A_193 = tpu.memref_slice %arg6[%dma_start3A_191, %dma_start3A_192] : memref<10240x128xf32, #tpu.memory_space<vmem_shared>> -> memref<10240x128xf32, #tpu.memory_space<vmem_shared>>
          tpu.enqueue_indirect_dma source(%dma_start3A_187 : memref<88x128xf32, #tpu.memory_space<vmem>>) target(%dma_start3A_193 : memref<10240x128xf32, #tpu.memory_space<vmem_shared>>) offsets(%dma_start3A_190 : memref<88xi32, #tpu.memory_space<vmem>>) semaphore(%run_scoped3A_17 : memref<!tpu.dma_semaphore, #tpu.memory_space<semaphore_mem>>) {add = true}
        } else {
        }
        %add3A_119 = arith.constant 2 : i32
        %add3A_120 = arith.addi %add3A_70, %add3A_119 : i32
        %lt3A_121 = arith.constant 114 : i32
        %lt3A_122 = arith.cmpi slt, %add3A_120, %lt3A_121 : i32
        %convert_element_type3A_123 = arith.extui %lt3A_122 : i1 to i32
        %cond3A_124 = arith.constant 0 : i32
        %cond3A_125 = arith.cmpi ne, %convert_element_type3A_123, %cond3A_124 : i32
        scf.if %cond3A_125 {
          %ge3A_173 = arith.constant 4 : i32
          %ge3A_174 = arith.cmpi sge, %add3A_120, %ge3A_173 : i32
          %convert_element_type3A_175 = arith.extui %ge3A_174 : i1 to i32
          %cond3A_176 = arith.constant 0 : i32
          %cond3A_177 = arith.cmpi ne, %convert_element_type3A_175, %cond3A_176 : i32
          scf.if %cond3A_177 {
            %dma_wait3A_195 = arith.constant 2 : i32
            %dma_wait3A_196 = arith.constant 1 : i32
            %dma_wait3A_197 = arith.constant 176 : i32
            %dma_wait3A_198 = arith.constant 0 : i32
            %dma_wait3A_199 = tpu.memref_slice %run_scoped3A_6[%dma_wait3A_197, %dma_wait3A_198] : memref<352x128xf32, #tpu.memory_space<vmem>> -> memref<88x128xf32, #tpu.memory_space<vmem>>
            %dma_wait3A_200 = arith.constant 0 : i32
            %dma_wait3A_201 = tpu.memref_slice %run_scoped3A[%dma_wait3A_195, %dma_wait3A_196, %dma_wait3A_200] : memref<4x2x88xi32, #tpu.memory_space<vmem>> -> memref<1x1x88xi32, #tpu.memory_space<vmem>>
            %dma_wait3A_202 = tpu.memref_squeeze %dma_wait3A_201 : memref<1x1x88xi32, #tpu.memory_space<vmem>> -> memref<88xi32, #tpu.memory_space<vmem>>
            %dma_wait3A_203 = arith.constant 0 : i32
            %dma_wait3A_204 = arith.constant 0 : i32
            %dma_wait3A_205 = tpu.memref_slice %arg6[%dma_wait3A_203, %dma_wait3A_204] : memref<10240x128xf32, #tpu.memory_space<vmem_shared>> -> memref<10240x128xf32, #tpu.memory_space<vmem_shared>>
            tpu.wait_indirect_dma semaphore(%run_scoped3A_17 : memref<!tpu.dma_semaphore, #tpu.memory_space<semaphore_mem>>) src(%dma_wait3A_199 : memref<88x128xf32, #tpu.memory_space<vmem>>) dst(%dma_wait3A_205 : memref<10240x128xf32, #tpu.memory_space<vmem_shared>>)
          } else {
          }
          %add3A_178 = arith.addi %mul3A_4, %add3A_120 : i32
          %dma_start3A = arith.constant 2 : i32
          %dma_start3A_179 = arith.constant 0 : i32
          %dma_start3A_180 = arith.constant 0 : i32
          %dma_start3A_181 = tpu.memref_slice %run_scoped3A[%dma_start3A, %dma_start3A_179, %dma_start3A_180] : memref<4x2x88xi32, #tpu.memory_space<vmem>> -> memref<1x2x88xi32, #tpu.memory_space<vmem>>
          %dma_start3A_182 = tpu.memref_squeeze %dma_start3A_181 : memref<1x2x88xi32, #tpu.memory_space<vmem>> -> memref<2x88xi32, #tpu.memory_space<vmem>>
          %dma_start3A_183 = arith.constant 0 : i32
          %dma_start3A_184 = arith.constant 0 : i32
          %dma_start3A_185 = tpu.memref_slice %arg3[%add3A_178, %dma_start3A_183, %dma_start3A_184] : memref<3648x2x88xi32, #tpu.memory_space<hbm>> -> memref<1x2x88xi32, #tpu.memory_space<hbm>>
          %dma_start3A_186 = tpu.memref_squeeze %dma_start3A_185 : memref<1x2x88xi32, #tpu.memory_space<hbm>> -> memref<2x88xi32, #tpu.memory_space<hbm>>
          %dma_start3A_187 = arith.constant 0 : i32
          %dma_start3A_188 = arith.constant 0 : i32
          %dma_start3A_189 = tpu.memref_slice %run_scoped3A[%dma_start3A, %dma_start3A_187, %dma_start3A_188] : memref<4x2x88xi32, #tpu.memory_space<vmem>> -> memref<1x2x88xi32, #tpu.memory_space<vmem>>
          %dma_start3A_190 = tpu.memref_squeeze %dma_start3A_189 : memref<1x2x88xi32, #tpu.memory_space<vmem>> -> memref<2x88xi32, #tpu.memory_space<vmem>>
          %dma_start3A_191 = arith.constant 0 : i32
          %dma_start3A_192 = arith.constant 0 : i32
          %dma_start3A_193 = tpu.memref_slice %arg3[%add3A_178, %dma_start3A_191, %dma_start3A_192] : memref<3648x2x88xi32, #tpu.memory_space<hbm>> -> memref<1x2x88xi32, #tpu.memory_space<hbm>>
          %dma_start3A_194 = tpu.memref_squeeze %dma_start3A_193 : memref<1x2x88xi32, #tpu.memory_space<hbm>> -> memref<2x88xi32, #tpu.memory_space<hbm>>
          tpu.enqueue_dma source(%dma_start3A_194 : memref<2x88xi32, #tpu.memory_space<hbm>>) target(%dma_start3A_190 : memref<2x88xi32, #tpu.memory_space<vmem>>) target_semaphore(%run_scoped3A_9 : memref<!tpu.dma_semaphore, #tpu.memory_space<semaphore_mem>>)
        } else {
        }
        %sub3A_126 = arith.constant 1 : i32
        %sub3A_127 = arith.subi %add3A_120, %sub3A_126 : i32
        %ge3A_128 = arith.constant 0 : i32
        %ge3A_129 = arith.cmpi sge, %sub3A_127, %ge3A_128 : i32
        %lt3A_130 = arith.constant 114 : i32
        %lt3A_131 = arith.cmpi slt, %sub3A_127, %lt3A_130 : i32
        %and3A_132 = arith.andi %ge3A_129, %lt3A_131 : i1
        %convert_element_type3A_133 = arith.extui %and3A_132 : i1 to i32
        %cond3A_134 = arith.constant 0 : i32
        %cond3A_135 = arith.cmpi ne, %convert_element_type3A_133, %cond3A_134 : i32
        scf.if %cond3A_135 {
          %add3A_173 = arith.addi %mul3A_4, %sub3A_127 : i32
          %dma_wait3A_174 = arith.constant 1 : i32
          %dma_wait3A_175 = arith.constant 0 : i32
          %dma_wait3A_176 = arith.constant 0 : i32
          %dma_wait3A_177 = tpu.memref_slice %run_scoped3A[%dma_wait3A_174, %dma_wait3A_175, %dma_wait3A_176] : memref<4x2x88xi32, #tpu.memory_space<vmem>> -> memref<1x2x88xi32, #tpu.memory_space<vmem>>
          %dma_wait3A_178 = tpu.memref_squeeze %dma_wait3A_177 : memref<1x2x88xi32, #tpu.memory_space<vmem>> -> memref<2x88xi32, #tpu.memory_space<vmem>>
          %dma_wait3A_179 = arith.constant 0 : i32
          %dma_wait3A_180 = arith.constant 0 : i32
          %dma_wait3A_181 = tpu.memref_slice %arg3[%add3A_173, %dma_wait3A_179, %dma_wait3A_180] : memref<3648x2x88xi32, #tpu.memory_space<hbm>> -> memref<1x2x88xi32, #tpu.memory_space<hbm>>
          %dma_wait3A_182 = tpu.memref_squeeze %dma_wait3A_181 : memref<1x2x88xi32, #tpu.memory_space<hbm>> -> memref<2x88xi32, #tpu.memory_space<hbm>>
          %dma_wait3A_183 = arith.constant 0 : i32
          %dma_wait3A_184 = arith.constant 0 : i32
          %dma_wait3A_185 = tpu.memref_slice %run_scoped3A[%dma_wait3A_174, %dma_wait3A_183, %dma_wait3A_184] : memref<4x2x88xi32, #tpu.memory_space<vmem>> -> memref<1x2x88xi32, #tpu.memory_space<vmem>>
          %dma_wait3A_186 = tpu.memref_squeeze %dma_wait3A_185 : memref<1x2x88xi32, #tpu.memory_space<vmem>> -> memref<2x88xi32, #tpu.memory_space<vmem>>
          %dma_wait3A_187 = arith.constant 0 : i32
          %dma_wait3A_188 = arith.constant 0 : i32
          %dma_wait3A_189 = tpu.memref_slice %arg3[%add3A_173, %dma_wait3A_187, %dma_wait3A_188] : memref<3648x2x88xi32, #tpu.memory_space<hbm>> -> memref<1x2x88xi32, #tpu.memory_space<hbm>>
          %dma_wait3A_190 = tpu.memref_squeeze %dma_wait3A_189 : memref<1x2x88xi32, #tpu.memory_space<hbm>> -> memref<2x88xi32, #tpu.memory_space<hbm>>
          tpu.wait_dma2 semaphore(%run_scoped3A_8 : memref<!tpu.dma_semaphore, #tpu.memory_space<semaphore_mem>>) src(%dma_wait3A_190 : memref<2x88xi32, #tpu.memory_space<hbm>>) dst(%dma_wait3A_186 : memref<2x88xi32, #tpu.memory_space<vmem>>)
          %dma_start3A = arith.constant 1 : i32
          %dma_start3A_191 = arith.constant 0 : i32
          %dma_start3A_192 = arith.constant 88 : i32
          %dma_start3A_193 = arith.constant 0 : i32
          %dma_start3A_194 = tpu.memref_slice %run_scoped3A_6[%dma_start3A_192, %dma_start3A_193] : memref<352x128xf32, #tpu.memory_space<vmem>> -> memref<88x128xf32, #tpu.memory_space<vmem>>
          %dma_start3A_195 = arith.constant 0 : i32
          %dma_start3A_196 = tpu.memref_slice %run_scoped3A[%dma_start3A, %dma_start3A_191, %dma_start3A_195] : memref<4x2x88xi32, #tpu.memory_space<vmem>> -> memref<1x1x88xi32, #tpu.memory_space<vmem>>
          %dma_start3A_197 = tpu.memref_squeeze %dma_start3A_196 : memref<1x1x88xi32, #tpu.memory_space<vmem>> -> memref<88xi32, #tpu.memory_space<vmem>>
          %dma_start3A_198 = arith.constant 0 : i32
          %dma_start3A_199 = arith.constant 0 : i32
          %dma_start3A_200 = tpu.memref_slice %arg2[%dma_start3A_198, %dma_start3A_199] : memref<10000x128xf32, #tpu.memory_space<hbm>> -> memref<10000x128xf32, #tpu.memory_space<hbm>>
          tpu.enqueue_indirect_dma source(%dma_start3A_200 : memref<10000x128xf32, #tpu.memory_space<hbm>>) target(%dma_start3A_194 : memref<88x128xf32, #tpu.memory_space<vmem>>) offsets(%dma_start3A_197 : memref<88xi32, #tpu.memory_space<vmem>>) semaphore(%run_scoped3A_12 : memref<!tpu.dma_semaphore, #tpu.memory_space<semaphore_mem>>)
        } else {
        }
        %sub3A_136 = arith.constant 3 : i32
        %sub3A_137 = arith.subi %add3A_120, %sub3A_136 : i32
        %ge3A_138 = arith.constant 0 : i32
        %ge3A_139 = arith.cmpi sge, %sub3A_137, %ge3A_138 : i32
        %lt3A_140 = arith.constant 114 : i32
        %lt3A_141 = arith.cmpi slt, %sub3A_137, %lt3A_140 : i32
        %and3A_142 = arith.andi %ge3A_139, %lt3A_141 : i1
        %convert_element_type3A_143 = arith.extui %and3A_142 : i1 to i32
        %cond3A_144 = arith.constant 0 : i32
        %cond3A_145 = arith.cmpi ne, %convert_element_type3A_143, %cond3A_144 : i32
        scf.if %cond3A_145 {
          %dma_wait3A_173 = arith.constant 3 : i32
          %dma_wait3A_174 = arith.constant 0 : i32
          %dma_wait3A_175 = arith.constant 264 : i32
          %dma_wait3A_176 = arith.constant 0 : i32
          %dma_wait3A_177 = tpu.memref_slice %run_scoped3A_6[%dma_wait3A_175, %dma_wait3A_176] : memref<352x128xf32, #tpu.memory_space<vmem>> -> memref<88x128xf32, #tpu.memory_space<vmem>>
          %dma_wait3A_178 = arith.constant 0 : i32
          %dma_wait3A_179 = tpu.memref_slice %run_scoped3A[%dma_wait3A_173, %dma_wait3A_174, %dma_wait3A_178] : memref<4x2x88xi32, #tpu.memory_space<vmem>> -> memref<1x1x88xi32, #tpu.memory_space<vmem>>
          %dma_wait3A_180 = tpu.memref_squeeze %dma_wait3A_179 : memref<1x1x88xi32, #tpu.memory_space<vmem>> -> memref<88xi32, #tpu.memory_space<vmem>>
          %dma_wait3A_181 = arith.constant 0 : i32
          %dma_wait3A_182 = arith.constant 0 : i32
          %dma_wait3A_183 = tpu.memref_slice %arg2[%dma_wait3A_181, %dma_wait3A_182] : memref<10000x128xf32, #tpu.memory_space<hbm>> -> memref<10000x128xf32, #tpu.memory_space<hbm>>
          tpu.wait_indirect_dma semaphore(%run_scoped3A_14 : memref<!tpu.dma_semaphore, #tpu.memory_space<semaphore_mem>>) src(%dma_wait3A_183 : memref<10000x128xf32, #tpu.memory_space<hbm>>) dst(%dma_wait3A_177 : memref<88x128xf32, #tpu.memory_space<vmem>>)
          %dma_start3A = arith.constant 3 : i32
          %dma_start3A_184 = arith.constant 1 : i32
          %dma_start3A_185 = arith.constant 264 : i32
          %dma_start3A_186 = arith.constant 0 : i32
          %dma_start3A_187 = tpu.memref_slice %run_scoped3A_6[%dma_start3A_185, %dma_start3A_186] : memref<352x128xf32, #tpu.memory_space<vmem>> -> memref<88x128xf32, #tpu.memory_space<vmem>>
          %dma_start3A_188 = arith.constant 0 : i32
          %dma_start3A_189 = tpu.memref_slice %run_scoped3A[%dma_start3A, %dma_start3A_184, %dma_start3A_188] : memref<4x2x88xi32, #tpu.memory_space<vmem>> -> memref<1x1x88xi32, #tpu.memory_space<vmem>>
          %dma_start3A_190 = tpu.memref_squeeze %dma_start3A_189 : memref<1x1x88xi32, #tpu.memory_space<vmem>> -> memref<88xi32, #tpu.memory_space<vmem>>
          %dma_start3A_191 = arith.constant 0 : i32
          %dma_start3A_192 = arith.constant 0 : i32
          %dma_start3A_193 = tpu.memref_slice %arg6[%dma_start3A_191, %dma_start3A_192] : memref<10240x128xf32, #tpu.memory_space<vmem_shared>> -> memref<10240x128xf32, #tpu.memory_space<vmem_shared>>
          tpu.enqueue_indirect_dma source(%dma_start3A_187 : memref<88x128xf32, #tpu.memory_space<vmem>>) target(%dma_start3A_193 : memref<10240x128xf32, #tpu.memory_space<vmem_shared>>) offsets(%dma_start3A_190 : memref<88xi32, #tpu.memory_space<vmem>>) semaphore(%run_scoped3A_18 : memref<!tpu.dma_semaphore, #tpu.memory_space<semaphore_mem>>) {add = true}
        } else {
        }
        %add3A_146 = arith.constant 3 : i32
        %add3A_147 = arith.addi %add3A_70, %add3A_146 : i32
        %lt3A_148 = arith.constant 114 : i32
        %lt3A_149 = arith.cmpi slt, %add3A_147, %lt3A_148 : i32
        %convert_element_type3A_150 = arith.extui %lt3A_149 : i1 to i32
        %cond3A_151 = arith.constant 0 : i32
        %cond3A_152 = arith.cmpi ne, %convert_element_type3A_150, %cond3A_151 : i32
        scf.if %cond3A_152 {
          %ge3A_173 = arith.constant 4 : i32
          %ge3A_174 = arith.cmpi sge, %add3A_147, %ge3A_173 : i32
          %convert_element_type3A_175 = arith.extui %ge3A_174 : i1 to i32
          %cond3A_176 = arith.constant 0 : i32
          %cond3A_177 = arith.cmpi ne, %convert_element_type3A_175, %cond3A_176 : i32
          scf.if %cond3A_177 {
            %dma_wait3A_195 = arith.constant 3 : i32
            %dma_wait3A_196 = arith.constant 1 : i32
            %dma_wait3A_197 = arith.constant 264 : i32
            %dma_wait3A_198 = arith.constant 0 : i32
            %dma_wait3A_199 = tpu.memref_slice %run_scoped3A_6[%dma_wait3A_197, %dma_wait3A_198] : memref<352x128xf32, #tpu.memory_space<vmem>> -> memref<88x128xf32, #tpu.memory_space<vmem>>
            %dma_wait3A_200 = arith.constant 0 : i32
            %dma_wait3A_201 = tpu.memref_slice %run_scoped3A[%dma_wait3A_195, %dma_wait3A_196, %dma_wait3A_200] : memref<4x2x88xi32, #tpu.memory_space<vmem>> -> memref<1x1x88xi32, #tpu.memory_space<vmem>>
            %dma_wait3A_202 = tpu.memref_squeeze %dma_wait3A_201 : memref<1x1x88xi32, #tpu.memory_space<vmem>> -> memref<88xi32, #tpu.memory_space<vmem>>
            %dma_wait3A_203 = arith.constant 0 : i32
            %dma_wait3A_204 = arith.constant 0 : i32
            %dma_wait3A_205 = tpu.memref_slice %arg6[%dma_wait3A_203, %dma_wait3A_204] : memref<10240x128xf32, #tpu.memory_space<vmem_shared>> -> memref<10240x128xf32, #tpu.memory_space<vmem_shared>>
            tpu.wait_indirect_dma semaphore(%run_scoped3A_18 : memref<!tpu.dma_semaphore, #tpu.memory_space<semaphore_mem>>) src(%dma_wait3A_199 : memref<88x128xf32, #tpu.memory_space<vmem>>) dst(%dma_wait3A_205 : memref<10240x128xf32, #tpu.memory_space<vmem_shared>>)
          } else {
          }
          %add3A_178 = arith.addi %mul3A_4, %add3A_147 : i32
          %dma_start3A = arith.constant 3 : i32
          %dma_start3A_179 = arith.constant 0 : i32
          %dma_start3A_180 = arith.constant 0 : i32
          %dma_start3A_181 = tpu.memref_slice %run_scoped3A[%dma_start3A, %dma_start3A_179, %dma_start3A_180] : memref<4x2x88xi32, #tpu.memory_space<vmem>> -> memref<1x2x88xi32, #tpu.memory_space<vmem>>
          %dma_start3A_182 = tpu.memref_squeeze %dma_start3A_181 : memref<1x2x88xi32, #tpu.memory_space<vmem>> -> memref<2x88xi32, #tpu.memory_space<vmem>>
          %dma_start3A_183 = arith.constant 0 : i32
          %dma_start3A_184 = arith.constant 0 : i32
          %dma_start3A_185 = tpu.memref_slice %arg3[%add3A_178, %dma_start3A_183, %dma_start3A_184] : memref<3648x2x88xi32, #tpu.memory_space<hbm>> -> memref<1x2x88xi32, #tpu.memory_space<hbm>>
          %dma_start3A_186 = tpu.memref_squeeze %dma_start3A_185 : memref<1x2x88xi32, #tpu.memory_space<hbm>> -> memref<2x88xi32, #tpu.memory_space<hbm>>
          %dma_start3A_187 = arith.constant 0 : i32
          %dma_start3A_188 = arith.constant 0 : i32
          %dma_start3A_189 = tpu.memref_slice %run_scoped3A[%dma_start3A, %dma_start3A_187, %dma_start3A_188] : memref<4x2x88xi32, #tpu.memory_space<vmem>> -> memref<1x2x88xi32, #tpu.memory_space<vmem>>
          %dma_start3A_190 = tpu.memref_squeeze %dma_start3A_189 : memref<1x2x88xi32, #tpu.memory_space<vmem>> -> memref<2x88xi32, #tpu.memory_space<vmem>>
          %dma_start3A_191 = arith.constant 0 : i32
          %dma_start3A_192 = arith.constant 0 : i32
          %dma_start3A_193 = tpu.memref_slice %arg3[%add3A_178, %dma_start3A_191, %dma_start3A_192] : memref<3648x2x88xi32, #tpu.memory_space<hbm>> -> memref<1x2x88xi32, #tpu.memory_space<hbm>>
          %dma_start3A_194 = tpu.memref_squeeze %dma_start3A_193 : memref<1x2x88xi32, #tpu.memory_space<hbm>> -> memref<2x88xi32, #tpu.memory_space<hbm>>
          tpu.enqueue_dma source(%dma_start3A_194 : memref<2x88xi32, #tpu.memory_space<hbm>>) target(%dma_start3A_190 : memref<2x88xi32, #tpu.memory_space<vmem>>) target_semaphore(%run_scoped3A_10 : memref<!tpu.dma_semaphore, #tpu.memory_space<semaphore_mem>>)
        } else {
        }
        %sub3A_153 = arith.constant 1 : i32
        %sub3A_154 = arith.subi %add3A_147, %sub3A_153 : i32
        %ge3A_155 = arith.constant 0 : i32
        %ge3A_156 = arith.cmpi sge, %sub3A_154, %ge3A_155 : i32
        %lt3A_157 = arith.constant 114 : i32
        %lt3A_158 = arith.cmpi slt, %sub3A_154, %lt3A_157 : i32
        %and3A_159 = arith.andi %ge3A_156, %lt3A_158 : i1
        %convert_element_type3A_160 = arith.extui %and3A_159 : i1 to i32
        %cond3A_161 = arith.constant 0 : i32
        %cond3A_162 = arith.cmpi ne, %convert_element_type3A_160, %cond3A_161 : i32
        scf.if %cond3A_162 {
          %add3A_173 = arith.addi %mul3A_4, %sub3A_154 : i32
          %dma_wait3A_174 = arith.constant 2 : i32
          %dma_wait3A_175 = arith.constant 0 : i32
          %dma_wait3A_176 = arith.constant 0 : i32
          %dma_wait3A_177 = tpu.memref_slice %run_scoped3A[%dma_wait3A_174, %dma_wait3A_175, %dma_wait3A_176] : memref<4x2x88xi32, #tpu.memory_space<vmem>> -> memref<1x2x88xi32, #tpu.memory_space<vmem>>
          %dma_wait3A_178 = tpu.memref_squeeze %dma_wait3A_177 : memref<1x2x88xi32, #tpu.memory_space<vmem>> -> memref<2x88xi32, #tpu.memory_space<vmem>>
          %dma_wait3A_179 = arith.constant 0 : i32
          %dma_wait3A_180 = arith.constant 0 : i32
          %dma_wait3A_181 = tpu.memref_slice %arg3[%add3A_173, %dma_wait3A_179, %dma_wait3A_180] : memref<3648x2x88xi32, #tpu.memory_space<hbm>> -> memref<1x2x88xi32, #tpu.memory_space<hbm>>
          %dma_wait3A_182 = tpu.memref_squeeze %dma_wait3A_181 : memref<1x2x88xi32, #tpu.memory_space<hbm>> -> memref<2x88xi32, #tpu.memory_space<hbm>>
          %dma_wait3A_183 = arith.constant 0 : i32
          %dma_wait3A_184 = arith.constant 0 : i32
          %dma_wait3A_185 = tpu.memref_slice %run_scoped3A[%dma_wait3A_174, %dma_wait3A_183, %dma_wait3A_184] : memref<4x2x88xi32, #tpu.memory_space<vmem>> -> memref<1x2x88xi32, #tpu.memory_space<vmem>>
          %dma_wait3A_186 = tpu.memref_squeeze %dma_wait3A_185 : memref<1x2x88xi32, #tpu.memory_space<vmem>> -> memref<2x88xi32, #tpu.memory_space<vmem>>
          %dma_wait3A_187 = arith.constant 0 : i32
          %dma_wait3A_188 = arith.constant 0 : i32
          %dma_wait3A_189 = tpu.memref_slice %arg3[%add3A_173, %dma_wait3A_187, %dma_wait3A_188] : memref<3648x2x88xi32, #tpu.memory_space<hbm>> -> memref<1x2x88xi32, #tpu.memory_space<hbm>>
          %dma_wait3A_190 = tpu.memref_squeeze %dma_wait3A_189 : memref<1x2x88xi32, #tpu.memory_space<hbm>> -> memref<2x88xi32, #tpu.memory_space<hbm>>
          tpu.wait_dma2 semaphore(%run_scoped3A_9 : memref<!tpu.dma_semaphore, #tpu.memory_space<semaphore_mem>>) src(%dma_wait3A_190 : memref<2x88xi32, #tpu.memory_space<hbm>>) dst(%dma_wait3A_186 : memref<2x88xi32, #tpu.memory_space<vmem>>)
          %dma_start3A = arith.constant 2 : i32
          %dma_start3A_191 = arith.constant 0 : i32
          %dma_start3A_192 = arith.constant 176 : i32
          %dma_start3A_193 = arith.constant 0 : i32
          %dma_start3A_194 = tpu.memref_slice %run_scoped3A_6[%dma_start3A_192, %dma_start3A_193] : memref<352x128xf32, #tpu.memory_space<vmem>> -> memref<88x128xf32, #tpu.memory_space<vmem>>
          %dma_start3A_195 = arith.constant 0 : i32
          %dma_start3A_196 = tpu.memref_slice %run_scoped3A[%dma_start3A, %dma_start3A_191, %dma_start3A_195] : memref<4x2x88xi32, #tpu.memory_space<vmem>> -> memref<1x1x88xi32, #tpu.memory_space<vmem>>
          %dma_start3A_197 = tpu.memref_squeeze %dma_start3A_196 : memref<1x1x88xi32, #tpu.memory_space<vmem>> -> memref<88xi32, #tpu.memory_space<vmem>>
          %dma_start3A_198 = arith.constant 0 : i32
          %dma_start3A_199 = arith.constant 0 : i32
          %dma_start3A_200 = tpu.memref_slice %arg2[%dma_start3A_198, %dma_start3A_199] : memref<10000x128xf32, #tpu.memory_space<hbm>> -> memref<10000x128xf32, #tpu.memory_space<hbm>>
          tpu.enqueue_indirect_dma source(%dma_start3A_200 : memref<10000x128xf32, #tpu.memory_space<hbm>>) target(%dma_start3A_194 : memref<88x128xf32, #tpu.memory_space<vmem>>) offsets(%dma_start3A_197 : memref<88xi32, #tpu.memory_space<vmem>>) semaphore(%run_scoped3A_13 : memref<!tpu.dma_semaphore, #tpu.memory_space<semaphore_mem>>)
        } else {
        }
        %sub3A_163 = arith.constant 3 : i32
        %sub3A_164 = arith.subi %add3A_147, %sub3A_163 : i32
        %ge3A_165 = arith.constant 0 : i32
        %ge3A_166 = arith.cmpi sge, %sub3A_164, %ge3A_165 : i32
        %lt3A_167 = arith.constant 114 : i32
        %lt3A_168 = arith.cmpi slt, %sub3A_164, %lt3A_167 : i32
        %and3A_169 = arith.andi %ge3A_166, %lt3A_168 : i1
        %convert_element_type3A_170 = arith.extui %and3A_169 : i1 to i32
        %cond3A_171 = arith.constant 0 : i32
        %cond3A_172 = arith.cmpi ne, %convert_element_type3A_170, %cond3A_171 : i32
        scf.if %cond3A_172 {
          %dma_wait3A_173 = arith.constant 0 : i32
          %dma_wait3A_174 = arith.constant 0 : i32
          %dma_wait3A_175 = arith.constant 0 : i32
          %dma_wait3A_176 = arith.constant 0 : i32
          %dma_wait3A_177 = tpu.memref_slice %run_scoped3A_6[%dma_wait3A_175, %dma_wait3A_176] : memref<352x128xf32, #tpu.memory_space<vmem>> -> memref<88x128xf32, #tpu.memory_space<vmem>>
          %dma_wait3A_178 = arith.constant 0 : i32
          %dma_wait3A_179 = tpu.memref_slice %run_scoped3A[%dma_wait3A_173, %dma_wait3A_174, %dma_wait3A_178] : memref<4x2x88xi32, #tpu.memory_space<vmem>> -> memref<1x1x88xi32, #tpu.memory_space<vmem>>
          %dma_wait3A_180 = tpu.memref_squeeze %dma_wait3A_179 : memref<1x1x88xi32, #tpu.memory_space<vmem>> -> memref<88xi32, #tpu.memory_space<vmem>>
          %dma_wait3A_181 = arith.constant 0 : i32
          %dma_wait3A_182 = arith.constant 0 : i32
          %dma_wait3A_183 = tpu.memref_slice %arg2[%dma_wait3A_181, %dma_wait3A_182] : memref<10000x128xf32, #tpu.memory_space<hbm>> -> memref<10000x128xf32, #tpu.memory_space<hbm>>
          tpu.wait_indirect_dma semaphore(%run_scoped3A_11 : memref<!tpu.dma_semaphore, #tpu.memory_space<semaphore_mem>>) src(%dma_wait3A_183 : memref<10000x128xf32, #tpu.memory_space<hbm>>) dst(%dma_wait3A_177 : memref<88x128xf32, #tpu.memory_space<vmem>>)
          %dma_start3A = arith.constant 0 : i32
          %dma_start3A_184 = arith.constant 1 : i32
          %dma_start3A_185 = arith.constant 0 : i32
          %dma_start3A_186 = arith.constant 0 : i32
          %dma_start3A_187 = tpu.memref_slice %run_scoped3A_6[%dma_start3A_185, %dma_start3A_186] : memref<352x128xf32, #tpu.memory_space<vmem>> -> memref<88x128xf32, #tpu.memory_space<vmem>>
          %dma_start3A_188 = arith.constant 0 : i32
          %dma_start3A_189 = tpu.memref_slice %run_scoped3A[%dma_start3A, %dma_start3A_184, %dma_start3A_188] : memref<4x2x88xi32, #tpu.memory_space<vmem>> -> memref<1x1x88xi32, #tpu.memory_space<vmem>>
          %dma_start3A_190 = tpu.memref_squeeze %dma_start3A_189 : memref<1x1x88xi32, #tpu.memory_space<vmem>> -> memref<88xi32, #tpu.memory_space<vmem>>
          %dma_start3A_191 = arith.constant 0 : i32
          %dma_start3A_192 = arith.constant 0 : i32
          %dma_start3A_193 = tpu.memref_slice %arg6[%dma_start3A_191, %dma_start3A_192] : memref<10240x128xf32, #tpu.memory_space<vmem_shared>> -> memref<10240x128xf32, #tpu.memory_space<vmem_shared>>
          tpu.enqueue_indirect_dma source(%dma_start3A_187 : memref<88x128xf32, #tpu.memory_space<vmem>>) target(%dma_start3A_193 : memref<10240x128xf32, #tpu.memory_space<vmem_shared>>) offsets(%dma_start3A_190 : memref<88xi32, #tpu.memory_space<vmem>>) semaphore(%run_scoped3A_15 : memref<!tpu.dma_semaphore, #tpu.memory_space<semaphore_mem>>) {add = true}
        } else {
        }
      }
      %scan3A_22 = arith.constant 30 : i32
      %dma_wait3A = arith.constant 0 : i32
      %dma_wait3A_23 = arith.constant 1 : i32
      %dma_wait3A_24 = arith.constant 0 : i32
      %dma_wait3A_25 = arith.constant 0 : i32
      %dma_wait3A_26 = tpu.memref_slice %run_scoped3A_6[%dma_wait3A_24, %dma_wait3A_25] : memref<352x128xf32, #tpu.memory_space<vmem>> -> memref<88x128xf32, #tpu.memory_space<vmem>>
      %dma_wait3A_27 = arith.constant 0 : i32
      %dma_wait3A_28 = tpu.memref_slice %run_scoped3A[%dma_wait3A, %dma_wait3A_23, %dma_wait3A_27] : memref<4x2x88xi32, #tpu.memory_space<vmem>> -> memref<1x1x88xi32, #tpu.memory_space<vmem>>
      %dma_wait3A_29 = tpu.memref_squeeze %dma_wait3A_28 : memref<1x1x88xi32, #tpu.memory_space<vmem>> -> memref<88xi32, #tpu.memory_space<vmem>>
      %dma_wait3A_30 = arith.constant 0 : i32
      %dma_wait3A_31 = arith.constant 0 : i32
      %dma_wait3A_32 = tpu.memref_slice %arg6[%dma_wait3A_30, %dma_wait3A_31] : memref<10240x128xf32, #tpu.memory_space<vmem_shared>> -> memref<10240x128xf32, #tpu.memory_space<vmem_shared>>
      tpu.wait_indirect_dma semaphore(%run_scoped3A_15 : memref<!tpu.dma_semaphore, #tpu.memory_space<semaphore_mem>>) src(%dma_wait3A_26 : memref<88x128xf32, #tpu.memory_space<vmem>>) dst(%dma_wait3A_32 : memref<10240x128xf32, #tpu.memory_space<vmem_shared>>)
      %dma_wait3A_33 = arith.constant 1 : i32
      %dma_wait3A_34 = arith.constant 1 : i32
      %dma_wait3A_35 = arith.constant 88 : i32
      %dma_wait3A_36 = arith.constant 0 : i32
      %dma_wait3A_37 = tpu.memref_slice %run_scoped3A_6[%dma_wait3A_35, %dma_wait3A_36] : memref<352x128xf32, #tpu.memory_space<vmem>> -> memref<88x128xf32, #tpu.memory_space<vmem>>
      %dma_wait3A_38 = arith.constant 0 : i32
      %dma_wait3A_39 = tpu.memref_slice %run_scoped3A[%dma_wait3A_33, %dma_wait3A_34, %dma_wait3A_38] : memref<4x2x88xi32, #tpu.memory_space<vmem>> -> memref<1x1x88xi32, #tpu.memory_space<vmem>>
      %dma_wait3A_40 = tpu.memref_squeeze %dma_wait3A_39 : memref<1x1x88xi32, #tpu.memory_space<vmem>> -> memref<88xi32, #tpu.memory_space<vmem>>
      %dma_wait3A_41 = arith.constant 0 : i32
      %dma_wait3A_42 = arith.constant 0 : i32
      %dma_wait3A_43 = tpu.memref_slice %arg6[%dma_wait3A_41, %dma_wait3A_42] : memref<10240x128xf32, #tpu.memory_space<vmem_shared>> -> memref<10240x128xf32, #tpu.memory_space<vmem_shared>>
      tpu.wait_indirect_dma semaphore(%run_scoped3A_16 : memref<!tpu.dma_semaphore, #tpu.memory_space<semaphore_mem>>) src(%dma_wait3A_37 : memref<88x128xf32, #tpu.memory_space<vmem>>) dst(%dma_wait3A_43 : memref<10240x128xf32, #tpu.memory_space<vmem_shared>>)
      %dma_wait3A_44 = arith.constant 2 : i32
      %dma_wait3A_45 = arith.constant 1 : i32
      %dma_wait3A_46 = arith.constant 176 : i32
      %dma_wait3A_47 = arith.constant 0 : i32
      %dma_wait3A_48 = tpu.memref_slice %run_scoped3A_6[%dma_wait3A_46, %dma_wait3A_47] : memref<352x128xf32, #tpu.memory_space<vmem>> -> memref<88x128xf32, #tpu.memory_space<vmem>>
      %dma_wait3A_49 = arith.constant 0 : i32
      %dma_wait3A_50 = tpu.memref_slice %run_scoped3A[%dma_wait3A_44, %dma_wait3A_45, %dma_wait3A_49] : memref<4x2x88xi32, #tpu.memory_space<vmem>> -> memref<1x1x88xi32, #tpu.memory_space<vmem>>
      %dma_wait3A_51 = tpu.memref_squeeze %dma_wait3A_50 : memref<1x1x88xi32, #tpu.memory_space<vmem>> -> memref<88xi32, #tpu.memory_space<vmem>>
      %dma_wait3A_52 = arith.constant 0 : i32
      %dma_wait3A_53 = arith.constant 0 : i32
      %dma_wait3A_54 = tpu.memref_slice %arg6[%dma_wait3A_52, %dma_wait3A_53] : memref<10240x128xf32, #tpu.memory_space<vmem_shared>> -> memref<10240x128xf32, #tpu.memory_space<vmem_shared>>
      tpu.wait_indirect_dma semaphore(%run_scoped3A_17 : memref<!tpu.dma_semaphore, #tpu.memory_space<semaphore_mem>>) src(%dma_wait3A_48 : memref<88x128xf32, #tpu.memory_space<vmem>>) dst(%dma_wait3A_54 : memref<10240x128xf32, #tpu.memory_space<vmem_shared>>)
      %dma_wait3A_55 = arith.constant 3 : i32
      %dma_wait3A_56 = arith.constant 1 : i32
      %dma_wait3A_57 = arith.constant 264 : i32
      %dma_wait3A_58 = arith.constant 0 : i32
      %dma_wait3A_59 = tpu.memref_slice %run_scoped3A_6[%dma_wait3A_57, %dma_wait3A_58] : memref<352x128xf32, #tpu.memory_space<vmem>> -> memref<88x128xf32, #tpu.memory_space<vmem>>
      %dma_wait3A_60 = arith.constant 0 : i32
      %dma_wait3A_61 = tpu.memref_slice %run_scoped3A[%dma_wait3A_55, %dma_wait3A_56, %dma_wait3A_60] : memref<4x2x88xi32, #tpu.memory_space<vmem>> -> memref<1x1x88xi32, #tpu.memory_space<vmem>>
      %dma_wait3A_62 = tpu.memref_squeeze %dma_wait3A_61 : memref<1x1x88xi32, #tpu.memory_space<vmem>> -> memref<88xi32, #tpu.memory_space<vmem>>
      %dma_wait3A_63 = arith.constant 0 : i32
      %dma_wait3A_64 = arith.constant 0 : i32
      %dma_wait3A_65 = tpu.memref_slice %arg6[%dma_wait3A_63, %dma_wait3A_64] : memref<10240x128xf32, #tpu.memory_space<vmem_shared>> -> memref<10240x128xf32, #tpu.memory_space<vmem_shared>>
      tpu.wait_indirect_dma semaphore(%run_scoped3A_18 : memref<!tpu.dma_semaphore, #tpu.memory_space<semaphore_mem>>) src(%dma_wait3A_59 : memref<88x128xf32, #tpu.memory_space<vmem>>) dst(%dma_wait3A_65 : memref<10240x128xf32, #tpu.memory_space<vmem_shared>>)
      tpu.yield
    }) : () -> ()
    %barrier3A_5 = arith.constant 0 : index
    tpu.barrier barrier_id(%barrier3A_5)
    "tpu.region"() ({
      %run_scoped3A = tpu.sem_alloc : memref<!tpu.dma_semaphore, #tpu.memory_space<semaphore_mem>>
      %dma_start3A = arith.constant 0 : i32
      %dma_start3A_6 = tpu.memref_slice %arg5[%arg0, %mul3A_0, %dma_start3A] : memref<2x10240x128xf32, #tpu.memory_space<hbm>> -> memref<1x640x128xf32, #tpu.memory_space<hbm>>
      %dma_start3A_7 = tpu.memref_squeeze %dma_start3A_6 : memref<1x640x128xf32, #tpu.memory_space<hbm>> -> memref<640x128xf32, #tpu.memory_space<hbm>>
      %dma_start3A_8 = arith.constant 0 : i32
      %dma_start3A_9 = tpu.memref_slice %arg6[%mul3A_0, %dma_start3A_8] : memref<10240x128xf32, #tpu.memory_space<vmem_shared>> -> memref<640x128xf32, #tpu.memory_space<vmem_shared>>
      tpu.enqueue_dma source(%dma_start3A_9 : memref<640x128xf32, #tpu.memory_space<vmem_shared>>) target(%dma_start3A_7 : memref<640x128xf32, #tpu.memory_space<hbm>>) target_semaphore(%run_scoped3A : memref<!tpu.dma_semaphore, #tpu.memory_space<semaphore_mem>>)
      %dma_wait3A = arith.constant 0 : i32
      %dma_wait3A_10 = tpu.memref_slice %arg5[%arg0, %mul3A_0, %dma_wait3A] : memref<2x10240x128xf32, #tpu.memory_space<hbm>> -> memref<1x640x128xf32, #tpu.memory_space<hbm>>
      %dma_wait3A_11 = tpu.memref_squeeze %dma_wait3A_10 : memref<1x640x128xf32, #tpu.memory_space<hbm>> -> memref<640x128xf32, #tpu.memory_space<hbm>>
      %dma_wait3A_12 = arith.constant 0 : i32
      %dma_wait3A_13 = tpu.memref_slice %arg6[%mul3A_0, %dma_wait3A_12] : memref<10240x128xf32, #tpu.memory_space<vmem_shared>> -> memref<640x128xf32, #tpu.memory_space<vmem_shared>>
      tpu.wait_dma2 semaphore(%run_scoped3A : memref<!tpu.dma_semaphore, #tpu.memory_space<semaphore_mem>>) src(%dma_wait3A_13 : memref<640x128xf32, #tpu.memory_space<vmem_shared>>) dst(%dma_wait3A_11 : memref<640x128xf32, #tpu.memory_space<hbm>>)
      tpu.yield
    }) : () -> ()
    return
  }
}

module attributes {stable_mosaic.version = 14 : i64} {
  func.func @body(%arg0: i32, %arg1: memref<2x1024x128xf32, #tpu.memory_space<vmem>>, %arg2: memref<2x1024x128xf32, #tpu.memory_space<vmem>>, %arg3: memref<144x128xf32, #tpu.memory_space<vmem>>, %arg4: memref<1x128xf32, #tpu.memory_space<vmem>>, %arg5: memref<1024x128xf32, #tpu.memory_space<vmem>>) attributes {dimension_semantics = [#tpu.dimension_semantics<arbitrary>], iteration_bounds = array<i64: 10>, scalar_prefetch = 0 : i64, scratch_operands = 0 : i64, tpu.core_type = #tpu.core_type<tc>, window_params = [{transform_indices = @transform_0, window_bounds = array<i64: 2, 1024, 128>}, {transform_indices = @transform_1, window_bounds = array<i64: 2, 1024, 128>}, {pipeline_mode = #tpu.pipeline_mode<synchronous>, transform_indices = @transform_2, window_bounds = array<i64: 144, 128>}, {pipeline_mode = #tpu.pipeline_mode<synchronous>, transform_indices = @transform_3, window_bounds = array<i64: 1, 128>}, {transform_indices = @transform_4, window_bounds = array<i64: 1024, 128>}]} {
    %get3A = arith.constant 0 : index
    %get3A_0 = arith.constant 0 : index
    %get3A_1 = arith.constant 0 : index
    %get3A_2 = vector.load %arg1[%get3A, %get3A_0, %get3A_1] : memref<2x1024x128xf32, #tpu.memory_space<vmem>>, vector<1x1024x128xf32>
    %get3A_3 = vector.shape_cast %get3A_2 : vector<1x1024x128xf32> to vector<1024x128xf32>
    %get3A_4 = arith.constant 1 : index
    %get3A_5 = arith.constant 0 : index
    %get3A_6 = arith.constant 0 : index
    %get3A_7 = vector.load %arg1[%get3A_4, %get3A_5, %get3A_6] : memref<2x1024x128xf32, #tpu.memory_space<vmem>>, vector<1x1024x128xf32>
    %get3A_8 = vector.shape_cast %get3A_7 : vector<1x1024x128xf32> to vector<1024x128xf32>
    %add3A = arith.addf %get3A_3, %get3A_8 : vector<1024x128xf32>
    %get3A_9 = arith.constant 0 : index
    %get3A_10 = arith.constant 0 : index
    %get3A_11 = arith.constant 0 : index
    %get3A_12 = vector.load %arg2[%get3A_9, %get3A_10, %get3A_11] : memref<2x1024x128xf32, #tpu.memory_space<vmem>>, vector<1x1024x128xf32>
    %get3A_13 = vector.shape_cast %get3A_12 : vector<1x1024x128xf32> to vector<1024x128xf32>
    %get3A_14 = arith.constant 1 : index
    %get3A_15 = arith.constant 0 : index
    %get3A_16 = arith.constant 0 : index
    %get3A_17 = vector.load %arg2[%get3A_14, %get3A_15, %get3A_16] : memref<2x1024x128xf32, #tpu.memory_space<vmem>>, vector<1x1024x128xf32>
    %get3A_18 = vector.shape_cast %get3A_17 : vector<1x1024x128xf32> to vector<1024x128xf32>
    %add3A_19 = arith.addf %get3A_13, %get3A_18 : vector<1024x128xf32>
    %slice3A = vector.extract_strided_slice %add3A_19 {offsets = [0, 0], sizes = [1024, 16], strides = [1, 1]} : vector<1024x128xf32> to vector<1024x16xf32>
    %get3A_20 = arith.constant 0 : index
    %get3A_21 = arith.constant 0 : index
    %get3A_22 = vector.load %arg3[%get3A_20, %get3A_21] : memref<144x128xf32, #tpu.memory_space<vmem>>, vector<128x128xf32>
    %dot_general3A = arith.constant dense<0.000000e+00> : vector<1024x128xf32>
    %dot_general3A_23 = tpu.matmul %add3A, %get3A_22, %dot_general3A {dimension_numbers = #tpu.dot_dimension_numbers<[1], [0], [0], [1], [0, 0, 1, 1], [], []>, transpose_lhs_hint = false} : vector<1024x128xf32>, vector<128x128xf32>, vector<1024x128xf32> -> vector<1024x128xf32>
    %get3A_24 = arith.constant 128 : index
    %get3A_25 = arith.constant 0 : index
    %get3A_26 = vector.load %arg3[%get3A_24, %get3A_25] : memref<144x128xf32, #tpu.memory_space<vmem>>, vector<16x128xf32>
    %dot_general3A_27 = arith.constant dense<0.000000e+00> : vector<1024x128xf32>
    %dot_general3A_28 = tpu.matmul %slice3A, %get3A_26, %dot_general3A_27 {dimension_numbers = #tpu.dot_dimension_numbers<[1], [0], [0], [1], [0, 0, 1, 1], [], []>, transpose_lhs_hint = false} : vector<1024x16xf32>, vector<16x128xf32>, vector<1024x128xf32> -> vector<1024x128xf32>
    %add3A_29 = arith.addf %dot_general3A_23, %dot_general3A_28 : vector<1024x128xf32>
    %get3A_30 = arith.constant 0 : index
    %get3A_31 = arith.constant 0 : index
    %get3A_32 = vector.load %arg4[%get3A_30, %get3A_31] : memref<1x128xf32, #tpu.memory_space<vmem>>, vector<1x128xf32>
    %get3A_33 = vector.shape_cast %get3A_32 : vector<1x128xf32> to vector<128xf32>
    %broadcast_in_dim3A = vector.shape_cast %get3A_33 : vector<128xf32> to vector<1x128xf32>
    %add3A_34 = vector.broadcast %broadcast_in_dim3A : vector<1x128xf32> to vector<1024x128xf32>
    %add3A_35 = arith.addf %add3A_29, %add3A_34 : vector<1024x128xf32>
    %max3A = arith.constant 0.000000e+00 : f32
    %max3A_36 = vector.broadcast %max3A : f32 to vector<1024x128xf32>
    %max3A_37 = arith.maximumf %add3A_35, %max3A_36 : vector<1024x128xf32>
    %swap3A = arith.constant 0 : index
    %swap3A_38 = arith.constant 0 : index
    %swap3A_39 = vector.load %arg5[%swap3A, %swap3A_38] : memref<1024x128xf32, #tpu.memory_space<vmem>>, vector<1024x128xf32>
    tpu.vector_store %arg5[%swap3A, %swap3A_38], %max3A_37 {strides = array<i32>} : memref<1024x128xf32, #tpu.memory_space<vmem>>, vector<1024x128xf32>,
    return
  }
  func.func @transform_0(%arg0: i32) -> (i32, i32, i32) {
    %c0_i32 = arith.constant 0 : i32
    %c0_i32_0 = arith.constant 0 : i32
    %c0_i32_1 = arith.constant 0 : i32
    return %c0_i32, %arg0, %c0_i32_0 : i32, i32, i32
  }
  func.func @transform_1(%arg0: i32) -> (i32, i32, i32) {
    %c0_i32 = arith.constant 0 : i32
    %c0_i32_0 = arith.constant 0 : i32
    %c0_i32_1 = arith.constant 0 : i32
    return %c0_i32, %arg0, %c0_i32_0 : i32, i32, i32
  }
  func.func @transform_2(%arg0: i32) -> (i32, i32) {
    %c0_i32 = arith.constant 0 : i32
    %c0_i32_0 = arith.constant 0 : i32
    %c0_i32_1 = arith.constant 0 : i32
    return %c0_i32, %c0_i32_0 : i32, i32
  }
  func.func @transform_3(%arg0: i32) -> (i32, i32) {
    %c0_i32 = arith.constant 0 : i32
    %c0_i32_0 = arith.constant 0 : i32
    %c0_i32_1 = arith.constant 0 : i32
    return %c0_i32, %c0_i32_0 : i32, i32
  }
  func.func @transform_4(%arg0: i32) -> (i32, i32) {
    %c0_i32 = arith.constant 0 : i32
    %c0_i32_0 = arith.constant 0 : i32
    return %arg0, %c0_i32 : i32, i32
  }
}

module attributes {stable_mosaic.version = 14 : i64} {
  func.func @body(%arg0: i32, %arg1: memref<2x1024x128xf32, #tpu.memory_space<vmem>>, %arg2: memref<2x1024x128xf32, #tpu.memory_space<vmem>>, %arg3: memref<144x128xf32, #tpu.memory_space<vmem>>, %arg4: memref<1x128xf32, #tpu.memory_space<vmem>>, %arg5: memref<1024x128xf32, #tpu.memory_space<vmem>>) attributes {dimension_semantics = [#tpu.dimension_semantics<arbitrary>], iteration_bounds = array<i64: 10>, scalar_prefetch = 0 : i64, scratch_operands = 0 : i64, tpu.core_type = #tpu.core_type<tc>, window_params = [{transform_indices = @transform_0, window_bounds = array<i64: 2, 1024, 128>}, {transform_indices = @transform_1, window_bounds = array<i64: 2, 1024, 128>}, {pipeline_mode = #tpu.pipeline_mode<synchronous>, transform_indices = @transform_2, window_bounds = array<i64: 144, 128>}, {pipeline_mode = #tpu.pipeline_mode<synchronous>, transform_indices = @transform_3, window_bounds = array<i64: 1, 128>}, {transform_indices = @transform_4, window_bounds = array<i64: 1024, 128>}]} {
    %get3A = arith.constant 0 : index
    %get3A_0 = arith.constant 0 : index
    %get3A_1 = arith.constant 0 : index
    %get3A_2 = vector.load %arg1[%get3A, %get3A_0, %get3A_1] : memref<2x1024x128xf32, #tpu.memory_space<vmem>>, vector<1x1024x128xf32>
    %get3A_3 = vector.shape_cast %get3A_2 : vector<1x1024x128xf32> to vector<1024x128xf32>
    %get3A_4 = arith.constant 1 : index
    %get3A_5 = arith.constant 0 : index
    %get3A_6 = arith.constant 0 : index
    %get3A_7 = vector.load %arg1[%get3A_4, %get3A_5, %get3A_6] : memref<2x1024x128xf32, #tpu.memory_space<vmem>>, vector<1x1024x128xf32>
    %get3A_8 = vector.shape_cast %get3A_7 : vector<1x1024x128xf32> to vector<1024x128xf32>
    %add3A = arith.addf %get3A_3, %get3A_8 : vector<1024x128xf32>
    %get3A_9 = arith.constant 0 : index
    %get3A_10 = arith.constant 0 : index
    %get3A_11 = arith.constant 0 : index
    %get3A_12 = vector.load %arg2[%get3A_9, %get3A_10, %get3A_11] : memref<2x1024x128xf32, #tpu.memory_space<vmem>>, vector<1x1024x128xf32>
    %get3A_13 = vector.shape_cast %get3A_12 : vector<1x1024x128xf32> to vector<1024x128xf32>
    %get3A_14 = arith.constant 1 : index
    %get3A_15 = arith.constant 0 : index
    %get3A_16 = arith.constant 0 : index
    %get3A_17 = vector.load %arg2[%get3A_14, %get3A_15, %get3A_16] : memref<2x1024x128xf32, #tpu.memory_space<vmem>>, vector<1x1024x128xf32>
    %get3A_18 = vector.shape_cast %get3A_17 : vector<1x1024x128xf32> to vector<1024x128xf32>
    %add3A_19 = arith.addf %get3A_13, %get3A_18 : vector<1024x128xf32>
    %slice3A = vector.extract_strided_slice %add3A_19 {offsets = [0, 0], sizes = [1024, 16], strides = [1, 1]} : vector<1024x128xf32> to vector<1024x16xf32>
    %get3A_20 = arith.constant 0 : index
    %get3A_21 = arith.constant 0 : index
    %get3A_22 = vector.load %arg3[%get3A_20, %get3A_21] : memref<144x128xf32, #tpu.memory_space<vmem>>, vector<128x128xf32>
    %dot_general3A = arith.constant dense<0.000000e+00> : vector<1024x128xf32>
    %dot_general3A_23 = tpu.matmul %add3A, %get3A_22, %dot_general3A {dimension_numbers = #tpu.dot_dimension_numbers<[1], [0], [0], [1], [0, 0, 1, 1], [], []>, transpose_lhs_hint = false} : vector<1024x128xf32>, vector<128x128xf32>, vector<1024x128xf32> -> vector<1024x128xf32>
    %get3A_24 = arith.constant 128 : index
    %get3A_25 = arith.constant 0 : index
    %get3A_26 = vector.load %arg3[%get3A_24, %get3A_25] : memref<144x128xf32, #tpu.memory_space<vmem>>, vector<16x128xf32>
    %dot_general3A_27 = arith.constant dense<0.000000e+00> : vector<1024x128xf32>
    %dot_general3A_28 = tpu.matmul %slice3A, %get3A_26, %dot_general3A_27 {dimension_numbers = #tpu.dot_dimension_numbers<[1], [0], [0], [1], [0, 0, 1, 1], [], []>, transpose_lhs_hint = false} : vector<1024x16xf32>, vector<16x128xf32>, vector<1024x128xf32> -> vector<1024x128xf32>
    %add3A_29 = arith.addf %dot_general3A_23, %dot_general3A_28 : vector<1024x128xf32>
    %get3A_30 = arith.constant 0 : index
    %get3A_31 = arith.constant 0 : index
    %get3A_32 = vector.load %arg4[%get3A_30, %get3A_31] : memref<1x128xf32, #tpu.memory_space<vmem>>, vector<1x128xf32>
    %get3A_33 = vector.shape_cast %get3A_32 : vector<1x128xf32> to vector<128xf32>
    %broadcast_in_dim3A = vector.shape_cast %get3A_33 : vector<128xf32> to vector<1x128xf32>
    %add3A_34 = vector.broadcast %broadcast_in_dim3A : vector<1x128xf32> to vector<1024x128xf32>
    %add3A_35 = arith.addf %add3A_29, %add3A_34 : vector<1024x128xf32>
    %swap3A = arith.constant 0 : index
    %swap3A_36 = arith.constant 0 : index
    %swap3A_37 = vector.load %arg5[%swap3A, %swap3A_36] : memref<1024x128xf32, #tpu.memory_space<vmem>>, vector<1024x128xf32>
    tpu.vector_store %arg5[%swap3A, %swap3A_36], %add3A_35 {strides = array<i32>} : memref<1024x128xf32, #tpu.memory_space<vmem>>, vector<1024x128xf32>,
    return
  }
  func.func @transform_0(%arg0: i32) -> (i32, i32, i32) {
    %c0_i32 = arith.constant 0 : i32
    %c0_i32_0 = arith.constant 0 : i32
    %c0_i32_1 = arith.constant 0 : i32
    return %c0_i32, %arg0, %c0_i32_0 : i32, i32, i32
  }
  func.func @transform_1(%arg0: i32) -> (i32, i32, i32) {
    %c0_i32 = arith.constant 0 : i32
    %c0_i32_0 = arith.constant 0 : i32
    %c0_i32_1 = arith.constant 0 : i32
    return %c0_i32, %arg0, %c0_i32_0 : i32, i32, i32
  }
  func.func @transform_2(%arg0: i32) -> (i32, i32) {
    %c0_i32 = arith.constant 0 : i32
    %c0_i32_0 = arith.constant 0 : i32
    %c0_i32_1 = arith.constant 0 : i32
    return %c0_i32, %c0_i32_0 : i32, i32
  }
  func.func @transform_3(%arg0: i32) -> (i32, i32) {
    %c0_i32 = arith.constant 0 : i32
    %c0_i32_0 = arith.constant 0 : i32
    %c0_i32_1 = arith.constant 0 : i32
    return %c0_i32, %c0_i32_0 : i32, i32
  }
  func.func @transform_4(%arg0: i32) -> (i32, i32) {
    %c0_i32 = arith.constant 0 : i32
    %c0_i32_0 = arith.constant 0 : i32
    return %arg0, %c0_i32 : i32, i32
  }
}

</mosaic_0001>

<sc_bundles>
// kernel: kernel.10.cloned.1.call-start
scs
__scs_entry_jumppad:
0x0: {  	(pc) =	sbr.rel $0x88, $3  }
0x1: {  	(tag) =	ssettag $0x0;
	lr =	simm.s32 $0x1  }
0x2: {  	[smem:$0x3F9A] =	sst lr;
	_ =	strace $0xD0000000  }
0x3: {  	_ = 	snop  }
0x4: {  	_ = 	snop  }
0x5: {  	_ = 	snop  }
0x6: {  	_ = 	snop  }
0x7: {  	_ = 	snop  }
__scs_overlays_trampoline_lowered:
0x8: {  	[smem:$0x3FA9] =	sst s0  }
0x9: {  	[smem:$0x3FAA] =	sst s1  }
0xa: {  	[smem:$0x3FAB] =	sst s2  }
0xb: {  	[smem:$0x3FAC] =	sst s3  }
0xc: {  	[smem:$0x3FAD] =	sst s4  }
0xd: {  	[smem:$0x3FAE] =	sst s5  }
0xe: {  	[smem:$0x3FAF] =	sst s6  }
0xf: {  	[smem:$0x3FB0] =	sst s7  }
0x10: {  	[smem:$0x3FB1] =	sst s8  }
0x11: {  	[smem:$0x3FB2] =	sst s9;
	s0 =	simm.s32 @!p0 $0x0  }
0x12: {  	s1 =	sld [smem:$0x3F98];
	s0 =	simm.s32 @p0 $0x1  }
0x13: {  	[smem:$0x3FB3] =	sst s0;
	s0 =	simm.s32 @!p1 $0x0  }
0x14: {  	s2 =	sld [smem:$0x3F97];
	s0 =	simm.s32 @p1 $0x1  }
0x15: {  	[smem:$0x3FB4] =	sst s0;
	s0 =	simm.s32 @!p2 $0x0  }
0x16: {  	s3 =	sld [smem:$0x3FDB];
	s0 =	simm.s32 @p2 $0x1  }
0x17: {  	s4 =	simm.s32 $0x1BF5;
	[smem:$0x3FB6] =	sst s0  }
0x18: {  	s0 =	sld [smem:$0x3F99];
	_ =	swait.ge [sflag:s4], $0x0  }
0x19: {  	s7 =	sld [smem:$0x3F9A]  }
0x1a: {  	s8 =	sadd.s32 $0xFFFFE003, lr  }
0x1b: {  	s9 =	sadd.s32 $0xFFFFFEF7, lr;
	s5 =	simm.s32 $0xFFFFFFFF;
	p2 =	slt.u32 s8, $0xFFFFF086  }
0x1c: {  	p1 =	slt.u32 s9, $0xF7A;
	s5 =	simm.s32 @!p2 $0x0  }
0x1d: {  	s5 =	simm.s32 @p1 $0x1;
	p0 =	seq.s32 s7, s2  }
0x1e: {  	s7 =	smul.u32 @!p0 $0xF7A, s2;
	p2 =	seq.s32 @!p0 s5, $0x0  }
0x1f: {  	s9 =	smul.u32 $0xF7A, s1;
	s8 =	simm.s32 @!p0 $0x1BF5;
	p2 =	por !p2, p0  }
0x20: {  	[sflag:s8] =	ssyncset.s32 @!p0 $0xFFFFF086;
	s6 =	sadd.s32 @!p0 s3, s7;
	s7 =	simm.s32 @!p0 $0x108  }
0x21: {  	s3 =	sadd.s32 s3, s9;
	s6 =	sadd.s32 @!p0 $0x88, s6;
	s7 =	simm.s32 @p2 $0x1082  }
0x22: {  	[simem:s7], [sflag:s8] =	dma.local @!p0 [hbm:s6], $0xF7A  }
0x23: {  	s9 =	sor.u32 $0xD0000000, s2;
	s6 =	simm.s32 $0x108;
	_ =	swait.ge @!p0 [sflag:s8], $0x0  }
0x24: {  	s3 =	sadd.s32 $0x88, s3;
	s6 =	simm.s32 @!p1 $0x1082;
	[sflag:s4] =	ssyncset.s32 $0xFFFFF086  }
0x25: {  	[simem:s6], [sflag:s4] =	dma.local [hbm:s3], $0xF7A  }
0x26: {  	[smem:$0x3F9A] =	sst s1;
	(tag) =	ssettag s2;
	_ =	strace s9  }
0x27: {  	s1 =	sld [smem:$0x3FAA]  }
0x28: {  	s2 =	sld [smem:$0x3FAB]  }
0x29: {  	s4 =	sld [smem:$0x3FAD]  }
0x2a: {  	p0 =	seq.s32 s5, $0x0;
	s5 =	sld [smem:$0x3FAE]  }
0x2b: {  	s6 =	sld [smem:$0x3FAF]  }
0x2c: {  	s7 =	sld [smem:$0x3FB0]  }
0x2d: {  	s3 =	simm.s32 $0x108;
	s8 =	sld [smem:$0x3FB1]  }
0x2e: {  	s3 =	simm.s32 @!p0 $0x1082;
	s9 =	sld [smem:$0x3FB2]  }
0x2f: {  	lr =	sadd.s32 s0, s3;
	s0 =	sld [smem:$0x3FA9]  }
0x30: {  	s3 =	sld [smem:$0x3FAC]  }
0x31: {  	[smem:$0x3FB5] =	sst s10  }
0x32: {  	s10 =	sld [smem:$0x3FB3];
	_ =	sdelay $0x3  }
0x33: {  	p0 =	seq.s32 s10, $0x1;
	s10 =	sld [smem:$0x3FB5];
	_ =	sdelay $0x3  }
0x34: {  	[smem:$0x3FB5] =	sst s10  }
0x35: {  	s10 =	sld [smem:$0x3FB4];
	_ =	sdelay $0x3  }
0x36: {  	p1 =	seq.s32 s10, $0x1;
	s10 =	sld [smem:$0x3FB5];
	_ =	sdelay $0x3  }
0x37: {  	[smem:$0x3FB5] =	sst s10  }
0x38: {  	s10 =	sld [smem:$0x3FB6]  }
0x39: {  	_ = 	snop;
	(pc) =	sbr.ind lr, $3  }
0x3a: {  	_ = 	snop  }
0x3b: {  	_ = 	snop  }
0x3c: {  	p2 =	seq.s32 s10, $0x1;
	s10 =	sld [smem:$0x3FB5]  }
0x3d: {  	_ =	shalt  }
0x3e: {  	_ =	shalt  }
0x3f: {  	_ =	shalt  }
0x40: {  	_ =	shalt  }
0x41: {  	_ =	shalt  }
0x42: {  	_ =	shalt  }
0x43: {  	_ =	shalt  }
0x44: {  	_ =	shalt  }
0x45: {  	_ =	shalt  }
0x46: {  	_ =	shalt  }
0x47: {  	_ =	shalt  }
0x48: {  	_ =	shalt  }
0x49: {  	_ =	shalt  }
0x4a: {  	_ =	shalt  }
0x4b: {  	_ =	shalt  }
0x4c: {  	_ =	shalt  }
0x4d: {  	_ =	shalt  }
0x4e: {  	_ =	shalt  }
0x4f: {  	_ =	shalt  }
0x50: {  	_ =	shalt  }
0x51: {  	_ =	shalt  }
0x52: {  	_ =	shalt  }
0x53: {  	_ =	shalt  }
0x54: {  	_ =	shalt  }
0x55: {  	_ =	shalt  }
0x56: {  	_ =	shalt  }
0x57: {  	_ =	shalt  }
0x58: {  	_ =	shalt  }
0x59: {  	_ =	shalt  }
0x5a: {  	_ =	shalt  }
0x5b: {  	_ =	shalt  }
0x5c: {  	_ =	shalt  }
0x5d: {  	_ =	shalt  }
0x5e: {  	_ =	shalt  }
0x5f: {  	_ =	shalt  }
0x60: {  	_ =	shalt  }
0x61: {  	_ =	shalt  }
0x62: {  	_ =	shalt  }
0x63: {  	_ =	shalt  }
0x64: {  	_ =	shalt  }
0x65: {  	_ =	shalt  }
0x66: {  	_ =	shalt  }
0x67: {  	_ =	shalt  }
0x68: {  	_ =	shalt  }
0x69: {  	_ =	shalt  }
0x6a: {  	_ =	shalt  }
0x6b: {  	_ =	shalt  }
0x6c: {  	_ =	shalt  }
0x6d: {  	_ =	shalt  }
0x6e: {  	_ =	shalt  }
0x6f: {  	_ =	shalt  }
0x70: {  	_ =	shalt  }
0x71: {  	_ =	shalt  }
0x72: {  	_ =	shalt  }
0x73: {  	_ =	shalt  }
0x74: {  	_ =	shalt  }
0x75: {  	_ =	shalt  }
0x76: {  	_ =	shalt  }
0x77: {  	_ =	shalt  }
0x78: {  	_ =	shalt  }
0x79: {  	_ =	shalt  }
0x7a: {  	_ =	shalt  }
0x7b: {  	_ =	shalt  }
0x7c: {  	_ =	shalt  }
0x7d: {  	_ =	shalt  }
0x7e: {  	_ =	shalt  }
0x7f: {  	_ =	shalt  }
0x80: {  	_ =	shalt  }
0x81: {  	_ =	shalt  }
0x82: {  	_ =	shalt  }
0x83: {  	_ =	shalt  }
0x84: {  	_ =	shalt  }
0x85: {  	_ =	shalt  }
0x86: {  	_ =	shalt  }
0x87: {  	_ =	shalt  }
.Lfunc_end0:
.L_simem_size_0:
called_computation.1_lowered:
.L_overlay_start_0:
0x88: {  	s2 =	sld [smem:$0x3FD9]  }
0x89: {  	s3 =	sld [smem:$0x3FFE];
	_ =	sdelay $0x1  }
0x8a: {  	s1 =	srdreg.scid  }
0x8b: {  	s0 =	sand.u32 $0x1, s1  }
0x8c: {  	s17 =	sshll.u32 s0, $0xA;
	s2 =	sadd.s32 s3, s2  }
0x8d: {  	s2 =	sadd.s32 s2, s17  }
0x8e: {  	[smem:$0x3FC1] =	sst s2  }
0x8f: {  	_ = 	snop  }
0x90: {  	s2 =	sld [smem:$0x3FD0];
	(tm) =	ssettm $0x1  }
0x91: {  	s18 =	sld [smem:$0x3FFB];
	_ =	sdelay $0x3  }
0x92: {  	_ =	strace s18  }
0x93: {  	s3 =	sld [smem:$0x3FFC];
	_ =	sdelay $0x3  }
0x94: {  	_ =	strace s3  }
0x95: {  	s3 =	sld [smem:$0x3FFD];
	_ =	sdelay $0x3  }
0x96: {  	_ =	strace s3  }
0x97: {  	_ =	strace $0x8FFFFFFF  }
0x98: {  	s19 =	sld [smem:$0x3FDB];
	_ =	sdelay $0x1  }
0x99: {  	s4 =	simm.s32 $_scs_section_size  }
0x9a: {  	s5 =	simm.s32 $_size__tile_overlayer_lowered;
	s6 =	simm.s32 $_tile_overlayer_lowered  }
0x9b: {  	s22 =	simm.s32 $0x1BFF;
	s21 =	sshll.u32 s6, $0x1;
	s3 =	sadd.s32 s4, s19  }
0x9c: {  	s7 =	simm.s32 $0x0;
	s20 =	sshll.u32 s5, $0x1;
	s5 =	sadd.s32 s21, s3  }
0x9d: {  	[timem:s7], [sflag:s22] =	dma.local [hbm:s5], s20  }
0x9e: {  	_ =	swait.ge [sflag:s22], s20  }
0x9f: {  	s4 =	ssub.s32 $0x0, s20;
	[sflag:s22] =	ssyncset.done $0x0  }
0xa0: {  	[sflag:s22] =	ssyncadd.s32 s4;
	_ =	sdelay $0x1  }
0xa1: {  	s23 =	simm.s32 $0x1B8B  }
0xa2: {  	_ =	swait.ge [sflag:s23], $0x1  }
0xa3: {  	[sflag:s23] =	ssyncset.done $0x0  }
0xa4: {  	s25 =	simm.s32 $0x1B8E;
	s24 =	sld [smem:$0x3FFE];
	[sflag:s23] =	ssyncadd.s32 $0xFFFFFFFF  }
0xa5: {  	s26 =	simm.s32 $execute0_lowered;
	[smem:$0x3FD2] =	sst s25  }
0xa6: {  	s5 =	sshll.u32 s26, $0x1;
	_ =	strace $0x80000046;
	[dreg:$0x1] =	wrdreg $0xFFFFFFFF  }
0xa7: {  	s28 =	simm.s32 $_size_execute0_lowered;
	s3 =	sadd.s32 s3, s5;
	[dreg:$0x0] =	wrdreg $0x0  }
0xa8: {  	s5 =	sshll.u32 s28, $0x1;
	[dreg:$0x2] =	wrdreg s3  }
0xa9: {  	[dreg:$0x3] =	wrdreg s5  }
0xaa: {  	[dreg:$0x4] =	wrdreg $0xC0  }
0xab: {  	_ =	task [dreg:s7], $0x5FFFF  }
0xac: {  	[dreg:$0x1] =	wrdreg $0xFFFFFFFF  }
0xad: {  	[dreg:$0x0] =	wrdreg $0x60  }
0xae: {  	[dreg:$0x2] =	wrdreg s24  }
0xaf: {  	[dreg:$0x3] =	wrdreg s2  }
0xb0: {  	[dreg:$0x4] =	wrdreg $0x0  }
0xb1: {  	[dreg:$0x5] =	wrdreg $0xA  }
0xb2: {  	_ =	task.clear_ibuf [dreg:s7], $0x6FFFF;
	_ =	strace $0x90000046  }
0xb3: {  	s29 =	simm.s32 $0xA;
	_ =	strace $0x80000048  }
0xb4: {  	_ =	swait.ge [sflag:s29], $0x1  }
0xb5: {  	[sflag:s29] =	ssyncadd.s32 $0xFFFFFFFF  }
0xb6: {  	_ =	strace $0x90000048  }
0xb7: {  	_ =	sfence  }
0xb8: {  	s30 =	sld [smem:$0x0];
	_ =	sdelay $0x2  }
0xb9: {  	s31 =	sshll.u32 s1, $0xD;
	s1 =	sshrl.u32 s1, $0x2  }
0xba: {  	s3 =	sand.u32 $0x4000, s31;
	s1 =	sadd.s32 s1, s30  }
0xbb: {  	s0 =	sor.u32 s3, s0;
	s1 =	sshll.u32 s1, $0x11  }
0xbc: {  	s0 =	sor.u32 s1, s0  }
0xbd: {  	s0 =	sadd.s32 $0x8F2B, s0  }
0xbe: {  	[sflag:s0] =	ssyncadd.remote.s32 $0x1  }
0xbf: {  	_ =	sfence.sel $0xFFFF  }
0xc0: {  	[dreg:$0x0] =	wrdreg $0xFFFFFFFF;
	(pc) =	sbr.abs _section_cstart, $3  }
0xc1: {  	[dreg:$0x1] =	wrdreg $0xFFFFFFFF  }
0xc2: {  	_ =	task.clear_ibuf [dreg:s7], $0x2FFFF;
	_ =	strace $0x9FFFFFFF  }
0xc3: {  	(tm) =	ssettm $0x7FFFFFFF  }
tec
execute0_lowered:
.L_overlay_start_1:
0x0: {  	(tag) =	ssettag $0x1  }
0x1: {  	s0 =	rddreg [dreg:$0x0]  }
0x2: {  	s1 =	rddreg [dreg:$0x1]  }
0x3: {  	s2 =	rddreg [dreg:$0x2];
	s12 =	stileid.u32  }
0x4: {  	s4 =	srdreg.scid;
	s3 =	simm.s32 $0x0;
	s5 =	smul.u32 $0x14000, s12  }
0x5: {  	s14 =	simm.s32 $0x1;
	s15 =	simm.s32 $0x14000;
	s18 =	smul.u32 $0x50000, s12  }
0x6: {  	s16 =	simm.s32 $0x6;
	s28 =	simm.s32 $0x14080;
	s11 =	smul.u32 $0x72, s12  }
0x7: {  	s29 =	simm.s32 $0x0;
	s6 =	sand.u32 $0x1, s4;
	s25 =	smul.u32 $0xE40, s12  }
0x8: {  	[smem:$0x7FF] =	sst s3;
	s4 =	sadd.s32 $0x4E3400, s0;
	s7 =	smul.u32 $0x140000, s6  }
0x9: {  	s21 =	sshll.u32 s12, $0x6;
	_ =	strace $0x80000047;
	s9 =	smul.u32 $0x720, s6  }
0xa: {  	s19 =	ssub.s32 $0x2, s6;
	s23 =	smul.u32 $0xE400, s6;
	s6 =	sor.u32 $0x1C01, s21  }
0xb: {  	s21 =	simm.s32 $0x14400;
	s8 =	sshrl.u32 s5, $0x3;
	s10 =	sshrl.u32 s19, $0x1  }
0xc: {  	s5 =	sadd.s32 s5, s7;
	s17 =	sadd.s32 s8, s0;
	s8 =	sshrl.u32 s18, $0x2  }
0xd: {  	s22 =	sadd.s32 s11, s9;
	s18 =	simm.s32 $0x14180;
	s5 =	sshrl.u32 s5, $0x3  }
0xe: {  	s20 =	sadd.s32 s8, s2;
	s7 =	sadd.s32 $0x1DC00, s17;
	s24 =	sshll.u32 s22, $0x5  }
0xf: {  	s17 =	simm.s32 $0x58;
	s22 =	simm.s32 $0x9;
	s0 =	sadd.s32 s5, s0  }
0x10: {  	s5 =	ssub.s32 s19, s10;
	[dreg:$0x4] =	wrdreg s7;
	s26 =	sadd.s32 s24, s1  }
0x11: {  	s1 =	sadd.s32 s23, s1;
	s13 =	sshrl.u32 s20, $0x3;
	s0 =	sadd.s32 $0x45C00, s0  }
0x12: {  	s19 =	simm.s32 $0x17000;
	s5 =	smax.u32 s5, $0x1;
	[dreg:$0x5] =	wrdreg s0  }
.Ltmp0:
0x13: {  	s30 =	sadd.s32 $0x20, s26;
	[dreg:$0x6] =	wrdreg s5;
	(pc) =	sbr.rel .LBB2_1-.Ltmp0, $4  }
0x14: {  	s20 =	simm.s32 $0x14100;
	s1 =	sadd.s32 s25, s1;
	[dreg:$0x7] =	wrdreg s30  }
0x15: {  	s23 =	simm.s32 $0xA;
	s31 =	sadd.s32 $0x40, s26;
	[dreg:$0x8] =	wrdreg s1  }
0x16: {  	s24 =	simm.s32 $0xB;
	[dreg:$0x9] =	wrdreg s31;
	s0 =	sadd.s32 $0x60, s26  }
0x17: {  	s25 =	simm.s32 $0xC;
	s26 =	simm.s32 $0x5;
	[dreg:$0xa] =	wrdreg s0  }
.LBB2_13:
0x18: {  	_ =	swait.ge [sflag:s22], $0x2C00  }
0x19: {  	[sflag:s22] =	ssyncset.done $0x0  }
0x1a: {  	[sflag:s22] =	ssyncadd.s32 $0xFFFFD400  }
0x1b: {  	_ =	swait.ge [sflag:s23], $0x2C00  }
0x1c: {  	[sflag:s23] =	ssyncset.done $0x0  }
0x1d: {  	[sflag:s23] =	ssyncadd.s32 $0xFFFFD400  }
0x1e: {  	_ =	swait.ge [sflag:s24], $0x2C00  }
0x1f: {  	[sflag:s24] =	ssyncset.done $0x0  }
0x20: {  	[sflag:s24] =	ssyncadd.s32 $0xFFFFD400  }
0x21: {  	_ =	swait.ge [sflag:s25], $0x2C00  }
0x22: {  	[sflag:s25] =	ssyncset.done $0x0  }
0x23: {  	[sflag:s25] =	ssyncadd.s32 $0xFFFFD400  }
0x24: {  	[bflag:$0x0] =	sbarrier.arrive $0xFFFF  }
0x25: {  	s0 =	rddreg [dreg:$0x5]  }
0x26: {  	[hbm:s0], [sflag:s6] =	dma.local [spmem:s13], $0x2800  }
0x27: {  	_ =	swait.ge [sflag:s14], $0x2800  }
0x28: {  	s29 =	sadd.s32 $0x1, s29;
	s31 =	rddreg [dreg:$0x6]  }
0x29: {  	p0 =	sne.s32 s29, s31  }
.Ltmp1:
0x2a: {  	_ = 	snop;
	(pc) =	sbr.rel @!p0 .LBB2_14-.Ltmp1, $3  }
0x2b: {  	_ =	sdelay $0x1  }
0x2c: {  	[sflag:s14] =	ssyncset.done $0x0  }
0x2d: {  	[sflag:s14] =	ssyncadd.s32 $0xFFFFD800  }
.LBB2_1:
0x2e: {  	s0 =	rddreg [dreg:$0x4]  }
0x2f: {  	[spmem:s13], [sflag:s6] =	dma.local [hbm:s0], $0x2800  }
0x30: {  	_ =	swait.ge [sflag:s14], $0x2800  }
0x31: {  	[sflag:s14] =	ssyncset.done $0x0  }
0x32: {  	[sflag:s14] =	ssyncadd.s32 $0xFFFFD800  }
0x33: {  	[bflag:$0x0] =	sbarrier.arrive $0xFFFF  }
0x34: {  	s31 =	rddreg [dreg:$0x9]  }
0x35: {  	s12 =	rddreg [dreg:$0xa]  }
0x36: {  	s10 =	rddreg [dreg:$0x8]  }
0x37: {  	s30 =	simm.s32 $0x3;
	s7 =	simm.s32 $0x0;
	s9 =	rddreg [dreg:$0x7]  }
.LBB2_2:
0x38: {  	p0 =	seq.s32 s7, $0x0  }
.Ltmp2:
0x39: {  	_ = 	snop;
	(pc) =	sbr.rel @p0 .LBB2_5-.Ltmp2, $1  }
0x3a: {  	_ =	sdelay $0x3  }
0x3b: {  	p1 =	seq.s32 s7, $0x1D  }
.Ltmp3:
0x3c: {  	_ = 	snop;
	(pc) =	sbr.rel @p1 .LBB2_6-.Ltmp3, $2  }
0x3d: {  	_ =	sdelay $0x2  }
0x3e: {  	p0 =	por $0x0, $0x0  }
0x3f: {  	_ =	swait.ge [sflag:s22], $0x2C00  }
0x40: {  	[sflag:s22] =	ssyncset.done $0x0  }
0x41: {  	[sflag:s22] =	ssyncadd.s32 $0xFFFFD400  }
.LBB2_5:
0x42: {  	[tilespmem:s15], [sflag:$0x1] =	stream.linear.gather [hbm4b:s10+s3], $0x100, $0x38;
	[tilespmem:$0x1F400] =	vst v63  }
0x43: {  	s8 =	sadd.s32 $0xFFFFFFFB, s30  }
0x44: {  	p0 =	sgt.u32 s8, $0x71  }
0x45: {  	s5 =	simm.s32 @!p0 $0x4  }
0x46: {  	_ =	swait.ge @!p0 [sflag:s5], $0x100  }
0x47: {  	s1 =	simm.s32 @!p0 $0x14300;
	[sflag:s5] =	ssyncset.done @!p0 $0x0  }
0x48: {  	s11 =	simm.s32 @!p0 $0x1C800;
	[sflag:s5] =	ssyncadd.s32 @!p0 $0xFFFFFF00;
	s5 =	simm.s32 @!p0 $0x58  }
0x49: {  	[tilespmem:s11], [sflag:$0x8] =	stream.indirect.gather @!p0 [hbm4b:s4+s5], $0x80, s1, s5, $0xb8;
	[tilespmem:$0x1F400] =	vst v63  }
0x4a: {  	s11 =	sadd.s32 $0xFFFFFFF9, s30  }
0x4b: {  	p1 =	sgt.u32 s11, $0x71  }
.Ltmp4:
0x4c: {  	_ = 	snop;
	(pc) =	sbr.rel @p1 .LBB2_7-.Ltmp4, $2  }
0x4d: {  	_ =	sdelay $0x2  }
0x4e: {  	p0 =	slt.u32 s8, $0x72  }
.LBB2_6:
0x4f: {  	_ =	swait.ge [sflag:s16], $0x2C00  }
0x50: {  	[sflag:s16] =	ssyncset.done $0x0  }
0x51: {  	[sflag:s16] =	ssyncadd.s32 $0xFFFFD400  }
0x52: {  	[spmem:s2] =	stream.indirect.scatter.add.f32 [tilespmem:s19], [sflag:$0xA], $0x80, s18, s17, $0xb8;
	[tilespmem:$0x1F400] =	vst v63  }
.LBB2_7:
0x53: {  	p1 =	seq.s32 s30, $0x3  }
.Ltmp5:
0x54: {  	_ = 	snop;
	(pc) =	sbr.rel @p1 .LBB2_10-.Ltmp5, $1  }
0x55: {  	_ =	sdelay $0x3  }
0x56: {  	p1 =	seq.s32 s30, $0x77  }
.Ltmp6:
0x57: {  	_ = 	snop;
	(pc) =	sbr.rel @p1 .LBB2_11-.Ltmp6, $1  }
0x58: {  	_ =	sdelay $0x3  }
0x59: {  	_ =	swait.ge [sflag:s23], $0x2C00  }
0x5a: {  	[sflag:s23] =	ssyncset.done $0x0  }
0x5b: {  	[sflag:s23] =	ssyncadd.s32 $0xFFFFD400  }
.LBB2_10:
0x5c: {  	[tilespmem:s20], [sflag:$0x2] =	stream.linear.gather [hbm4b:s9+s3], $0x100, $0x38;
	[tilespmem:$0x1F400] =	vst v63  }
0x5d: {  	_ =	swait.ge [sflag:s14], $0x100  }
0x5e: {  	[sflag:s14] =	ssyncset.done $0x0  }
0x5f: {  	[sflag:s14] =	ssyncadd.s32 $0xFFFFFF00  }
0x60: {  	[tilespmem:s21], [sflag:$0x5] =	stream.indirect.gather [hbm4b:s4+s17], $0x80, s15, s17, $0xb8;
	[tilespmem:$0x1F400] =	vst v63  }
.LBB2_11:
0x61: {  	s1 =	simm.s32 @p0 $0x7;
	s11 =	sadd.s32 $0xFFFFFFFF, s30  }
0x62: {  	s5 =	simm.s32 @p0 $0x14280;
	_ =	swait.ge @p0 [sflag:s1], $0x2C00;
	p1 =	sgt.u32 s11, $0x71  }
0x63: {  	s8 =	simm.s32 @p0 $0x19C00;
	[sflag:s1] =	ssyncset.done @p0 $0x0;
	p2 =	seq.s32 @!p1 s30, $0x3  }
0x64: {  	[sflag:s1] =	ssyncadd.s32 @p0 $0xFFFFD400;
	s1 =	simm.s32 @p0 $0x58;
	p2 =	por p2, p1  }
0x65: {  	[spmem:s2] =	stream.indirect.scatter.add.f32 @p0 [tilespmem:s8], [sflag:$0xB], $0x80, s5, s1, $0xb8;
	[tilespmem:$0x1F400] =	vst v63  }
0x66: {  	s5 =	simm.s32 @!p2 $0xB  }
0x67: {  	_ =	swait.ge @!p2 [sflag:s5], $0x2C00  }
0x68: {  	s8 =	simm.s32 @!p1 $0x14200;
	[sflag:s5] =	ssyncset.done @!p2 $0x0  }
0x69: {  	[sflag:s5] =	ssyncadd.s32 @!p2 $0xFFFFD400;
	s5 =	simm.s32 @!p1 $0x0;
	p2 =	seq.s32 s30, $0x77  }
0x6a: {  	[tilespmem:s8], [sflag:$0x3] =	stream.linear.gather @!p1 [hbm4b:s31+s5], $0x100, $0x38;
	[tilespmem:$0x1F400] =	vst v63  }
0x6b: {  	s5 =	simm.s32 @!p2 $0x2  }
0x6c: {  	_ =	swait.ge @!p2 [sflag:s5], $0x100  }
0x6d: {  	s11 =	simm.s32 @!p2 $0x14100;
	[sflag:s5] =	ssyncset.done @!p2 $0x0  }
0x6e: {  	s0 =	simm.s32 @!p2 $0x17000;
	[sflag:s5] =	ssyncadd.s32 @!p2 $0xFFFFFF00;
	s5 =	simm.s32 @!p2 $0x58  }
0x6f: {  	[tilespmem:s0], [sflag:$0x6] =	stream.indirect.gather @!p2 [hbm4b:s4+s5], $0x80, s11, s5, $0xb8;
	[tilespmem:$0x1F400] =	vst v63  }
0x70: {  	s0 =	simm.s32 @p0 $0x8  }
0x71: {  	_ =	swait.ge @p0 [sflag:s0], $0x2C00  }
0x72: {  	[sflag:s0] =	ssyncset.done @p0 $0x0  }
0x73: {  	s5 =	simm.s32 @p0 $0x1C800;
	[sflag:s0] =	ssyncadd.s32 @p0 $0xFFFFD400;
	s0 =	simm.s32 @p0 $0x14380  }
0x74: {  	[spmem:s2] =	stream.indirect.scatter.add.f32 @p0 [tilespmem:s5], [sflag:$0xC], $0x80, s0, s1, $0xb8;
	[tilespmem:$0x1F400] =	vst v63  }
0x75: {  	p0 =	sgt.u32 s30, $0x71  }
0x76: {  	p3 =	seq.s32 @!p0 s30, $0x3  }
0x77: {  	p3 =	por p3, p0  }
0x78: {  	s0 =	simm.s32 @!p3 $0xC  }
0x79: {  	_ =	swait.ge @!p3 [sflag:s0], $0x2C00  }
0x7a: {  	[sflag:s0] =	ssyncset.done @!p3 $0x0  }
0x7b: {  	s1 =	simm.s32 @!p0 $0x14300;
	[sflag:s0] =	ssyncadd.s32 @!p3 $0xFFFFD400;
	s0 =	simm.s32 @!p0 $0x0  }
0x7c: {  	[tilespmem:s1], [sflag:$0x4] =	stream.linear.gather @!p0 [hbm4b:s12+s0], $0x100, $0x38;
	[tilespmem:$0x1F400] =	vst v63  }
.Ltmp7:
0x7d: {  	s0 =	simm.s32 @!p1 $0x3;
	(pc) =	sbr.rel @p2 .LBB2_13-.Ltmp7, $4  }
0x7e: {  	_ =	swait.ge @!p1 [sflag:s0], $0x100  }
0x7f: {  	[sflag:s0] =	ssyncset.done @!p1 $0x0  }
0x80: {  	s1 =	simm.s32 @!p1 $0x19C00;
	[sflag:s0] =	ssyncadd.s32 @!p1 $0xFFFFFF00;
	s0 =	simm.s32 @!p1 $0x58  }
0x81: {  	[tilespmem:s1], [sflag:$0x7] =	stream.indirect.gather @!p1 [hbm4b:s4+s0], $0x80, s8, s0, $0xb8;
	[tilespmem:$0x1F400] =	vst v63  }
.Ltmp8:
0x82: {  	(pc) =	sbr.rel .LBB2_2-.Ltmp8, $4  }
0x83: {  	_ =	swait.ge [sflag:s26], $0x2C00;
	s7 =	sadd.s32 $0x1, s7;
	s30 =	sadd.s32 $0x4, s30  }
0x84: {  	s9 =	sadd.s32 $0x80, s9;
	s10 =	sadd.s32 $0x80, s10;
	[sflag:s26] =	ssyncset.done $0x0  }
0x85: {  	s12 =	sadd.s32 $0x80, s12;
	s31 =	sadd.s32 $0x80, s31;
	[sflag:s26] =	ssyncadd.s32 $0xFFFFD400  }
0x86: {  	[spmem:s2] =	stream.indirect.scatter.add.f32 [tilespmem:s21], [sflag:$0x9], $0x80, s28, s17, $0xb8;
	[tilespmem:$0x1F400] =	vst v63  }
.LBB2_14:
0x87: {  	_ =	sfence.sel $0x180000  }
0x88: {  	[bflag:$0x0] =	sbarrier.arrive $0xFFFF  }
0x89: {  	_ =	strace $0x90000047  }
0x8a: {  	s0 =	stileid.u32;
	[bflag:$0x2] =	sbarrier.arrive $0xFFFF  }
0x8b: {  	p0 =	sne.s32 s0, $0x0;
	s0 =	rddreg [dreg:$0x3]  }
0x8c: {  	s0 =	sadd.s32 @!p0 $0x100000, s0  }
0x8d: {  	[sflag:s0] =	ssyncadd.tile.s32 @!p0 $0x1;
	_ =	shalt  }
.Lfunc_end2:
_tile_overlayer_lowered:
.L_overlay_start_2:
0x8e: {  	(tag) =	ssettag $0x2  }
0x8f: {  	s0 =	rddreg [dreg:$0x0];
	s2 =	stileid.u32  }
0x90: {  	s1 =	rddreg [dreg:$0x1];
	p0 =	sne.s32 s2, $0x0  }
0x91: {  	s3 =	rddreg [dreg:$0x2];
	[bflag:$0x3] =	sbarrier.arrive $0xFFFF;
	s2 =	simm.s32 @!p0 $0x1C01  }
0x92: {  	[timem:s3], [sflag:s2] =	dma.local @!p0 [hbm:s0], s1  }
0x93: {  	s0 =	simm.s32 @!p0 $0x1  }
0x94: {  	_ =	swait.ge @!p0 [sflag:s0], s1  }
0x95: {  	s1 =	ssub.s32 @!p0 $0x0, s1;
	[sflag:s0] =	ssyncset.done @!p0 $0x0  }
0x96: {  	[sflag:s0] =	ssyncadd.s32 @!p0 s1  }
0x97: {  	[bflag:$0x3] =	sbarrier.arrive $0xFFFF  }
0x98: {  	_ =	shalt  }

// kernel: kernel.13.cloned.1.call-start
scs
__scs_entry_jumppad:
0x0: {  	(pc) =	sbr.rel $0x88, $3  }
0x1: {  	(tag) =	ssettag $0x0;
	lr =	simm.s32 $0x1  }
0x2: {  	[smem:$0x3F9A] =	sst lr;
	_ =	strace $0xD0000000  }
0x3: {  	_ = 	snop  }
0x4: {  	_ = 	snop  }
0x5: {  	_ = 	snop  }
0x6: {  	_ = 	snop  }
0x7: {  	_ = 	snop  }
__scs_overlays_trampoline_lowered:
0x8: {  	[smem:$0x3FA9] =	sst s0  }
0x9: {  	[smem:$0x3FAA] =	sst s1  }
0xa: {  	[smem:$0x3FAB] =	sst s2  }
0xb: {  	[smem:$0x3FAC] =	sst s3  }
0xc: {  	[smem:$0x3FAD] =	sst s4  }
0xd: {  	[smem:$0x3FAE] =	sst s5  }
0xe: {  	[smem:$0x3FAF] =	sst s6  }
0xf: {  	[smem:$0x3FB0] =	sst s7  }
0x10: {  	[smem:$0x3FB1] =	sst s8  }
0x11: {  	[smem:$0x3FB2] =	sst s9;
	s0 =	simm.s32 @!p0 $0x0  }
0x12: {  	s1 =	sld [smem:$0x3F98];
	s0 =	simm.s32 @p0 $0x1  }
0x13: {  	[smem:$0x3FB3] =	sst s0;
	s0 =	simm.s32 @!p1 $0x0  }
0x14: {  	s2 =	sld [smem:$0x3F97];
	s0 =	simm.s32 @p1 $0x1  }
0x15: {  	[smem:$0x3FB4] =	sst s0;
	s0 =	simm.s32 @!p2 $0x0  }
0x16: {  	s3 =	sld [smem:$0x3FDB];
	s0 =	simm.s32 @p2 $0x1  }
0x17: {  	s4 =	simm.s32 $0x1BF5;
	[smem:$0x3FB6] =	sst s0  }
0x18: {  	s0 =	sld [smem:$0x3F99];
	_ =	swait.ge [sflag:s4], $0x0  }
0x19: {  	s7 =	sld [smem:$0x3F9A]  }
0x1a: {  	s8 =	sadd.s32 $0xFFFFE003, lr  }
0x1b: {  	s9 =	sadd.s32 $0xFFFFFEF7, lr;
	s5 =	simm.s32 $0xFFFFFFFF;
	p2 =	slt.u32 s8, $0xFFFFF086  }
0x1c: {  	p1 =	slt.u32 s9, $0xF7A;
	s5 =	simm.s32 @!p2 $0x0  }
0x1d: {  	s5 =	simm.s32 @p1 $0x1;
	p0 =	seq.s32 s7, s2  }
0x1e: {  	s7 =	smul.u32 @!p0 $0xF7A, s2;
	p2 =	seq.s32 @!p0 s5, $0x0  }
0x1f: {  	s9 =	smul.u32 $0xF7A, s1;
	s8 =	simm.s32 @!p0 $0x1BF5;
	p2 =	por !p2, p0  }
0x20: {  	[sflag:s8] =	ssyncset.s32 @!p0 $0xFFFFF086;
	s6 =	sadd.s32 @!p0 s3, s7;
	s7 =	simm.s32 @!p0 $0x108  }
0x21: {  	s3 =	sadd.s32 s3, s9;
	s6 =	sadd.s32 @!p0 $0x88, s6;
	s7 =	simm.s32 @p2 $0x1082  }
0x22: {  	[simem:s7], [sflag:s8] =	dma.local @!p0 [hbm:s6], $0xF7A  }
0x23: {  	s9 =	sor.u32 $0xD0000000, s2;
	s6 =	simm.s32 $0x108;
	_ =	swait.ge @!p0 [sflag:s8], $0x0  }
0x24: {  	s3 =	sadd.s32 $0x88, s3;
	s6 =	simm.s32 @!p1 $0x1082;
	[sflag:s4] =	ssyncset.s32 $0xFFFFF086  }
0x25: {  	[simem:s6], [sflag:s4] =	dma.local [hbm:s3], $0xF7A  }
0x26: {  	[smem:$0x3F9A] =	sst s1;
	(tag) =	ssettag s2;
	_ =	strace s9  }
0x27: {  	s1 =	sld [smem:$0x3FAA]  }
0x28: {  	s2 =	sld [smem:$0x3FAB]  }
0x29: {  	s4 =	sld [smem:$0x3FAD]  }
0x2a: {  	p0 =	seq.s32 s5, $0x0;
	s5 =	sld [smem:$0x3FAE]  }
0x2b: {  	s6 =	sld [smem:$0x3FAF]  }
0x2c: {  	s7 =	sld [smem:$0x3FB0]  }
0x2d: {  	s3 =	simm.s32 $0x108;
	s8 =	sld [smem:$0x3FB1]  }
0x2e: {  	s3 =	simm.s32 @!p0 $0x1082;
	s9 =	sld [smem:$0x3FB2]  }
0x2f: {  	lr =	sadd.s32 s0, s3;
	s0 =	sld [smem:$0x3FA9]  }
0x30: {  	s3 =	sld [smem:$0x3FAC]  }
0x31: {  	[smem:$0x3FB5] =	sst s10  }
0x32: {  	s10 =	sld [smem:$0x3FB3];
	_ =	sdelay $0x3  }
0x33: {  	p0 =	seq.s32 s10, $0x1;
	s10 =	sld [smem:$0x3FB5];
	_ =	sdelay $0x3  }
0x34: {  	[smem:$0x3FB5] =	sst s10  }
0x35: {  	s10 =	sld [smem:$0x3FB4];
	_ =	sdelay $0x3  }
0x36: {  	p1 =	seq.s32 s10, $0x1;
	s10 =	sld [smem:$0x3FB5];
	_ =	sdelay $0x3  }
0x37: {  	[smem:$0x3FB5] =	sst s10  }
0x38: {  	s10 =	sld [smem:$0x3FB6]  }
0x39: {  	_ = 	snop;
	(pc) =	sbr.ind lr, $3  }
0x3a: {  	_ = 	snop  }
0x3b: {  	_ = 	snop  }
0x3c: {  	p2 =	seq.s32 s10, $0x1;
	s10 =	sld [smem:$0x3FB5]  }
0x3d: {  	_ =	shalt  }
0x3e: {  	_ =	shalt  }
0x3f: {  	_ =	shalt  }
0x40: {  	_ =	shalt  }
0x41: {  	_ =	shalt  }
0x42: {  	_ =	shalt  }
0x43: {  	_ =	shalt  }
0x44: {  	_ =	shalt  }
0x45: {  	_ =	shalt  }
0x46: {  	_ =	shalt  }
0x47: {  	_ =	shalt  }
0x48: {  	_ =	shalt  }
0x49: {  	_ =	shalt  }
0x4a: {  	_ =	shalt  }
0x4b: {  	_ =	shalt  }
0x4c: {  	_ =	shalt  }
0x4d: {  	_ =	shalt  }
0x4e: {  	_ =	shalt  }
0x4f: {  	_ =	shalt  }
0x50: {  	_ =	shalt  }
0x51: {  	_ =	shalt  }
0x52: {  	_ =	shalt  }
0x53: {  	_ =	shalt  }
0x54: {  	_ =	shalt  }
0x55: {  	_ =	shalt  }
0x56: {  	_ =	shalt  }
0x57: {  	_ =	shalt  }
0x58: {  	_ =	shalt  }
0x59: {  	_ =	shalt  }
0x5a: {  	_ =	shalt  }
0x5b: {  	_ =	shalt  }
0x5c: {  	_ =	shalt  }
0x5d: {  	_ =	shalt  }
0x5e: {  	_ =	shalt  }
0x5f: {  	_ =	shalt  }
0x60: {  	_ =	shalt  }
0x61: {  	_ =	shalt  }
0x62: {  	_ =	shalt  }
0x63: {  	_ =	shalt  }
0x64: {  	_ =	shalt  }
0x65: {  	_ =	shalt  }
0x66: {  	_ =	shalt  }
0x67: {  	_ =	shalt  }
0x68: {  	_ =	shalt  }
0x69: {  	_ =	shalt  }
0x6a: {  	_ =	shalt  }
0x6b: {  	_ =	shalt  }
0x6c: {  	_ =	shalt  }
0x6d: {  	_ =	shalt  }
0x6e: {  	_ =	shalt  }
0x6f: {  	_ =	shalt  }
0x70: {  	_ =	shalt  }
0x71: {  	_ =	shalt  }
0x72: {  	_ =	shalt  }
0x73: {  	_ =	shalt  }
0x74: {  	_ =	shalt  }
0x75: {  	_ =	shalt  }
0x76: {  	_ =	shalt  }
0x77: {  	_ =	shalt  }
0x78: {  	_ =	shalt  }
0x79: {  	_ =	shalt  }
0x7a: {  	_ =	shalt  }
0x7b: {  	_ =	shalt  }
0x7c: {  	_ =	shalt  }
0x7d: {  	_ =	shalt  }
0x7e: {  	_ =	shalt  }
0x7f: {  	_ =	shalt  }
0x80: {  	_ =	shalt  }
0x81: {  	_ =	shalt  }
0x82: {  	_ =	shalt  }
0x83: {  	_ =	shalt  }
0x84: {  	_ =	shalt  }
0x85: {  	_ =	shalt  }
0x86: {  	_ =	shalt  }
0x87: {  	_ =	shalt  }
.Lfunc_end0:
.L_simem_size_0:
called_computation.2_lowered:
.L_overlay_start_0:
0x88: {  	s2 =	sld [smem:$0x3FD9]  }
0x89: {  	s3 =	sld [smem:$0x3FFE];
	_ =	sdelay $0x1  }
0x8a: {  	s1 =	srdreg.scid  }
0x8b: {  	s0 =	sand.u32 $0x1, s1  }
0x8c: {  	s16 =	sshll.u32 s0, $0xA;
	s2 =	sadd.s32 s3, s2  }
0x8d: {  	s2 =	sadd.s32 s2, s16  }
0x8e: {  	[smem:$0x3FC1] =	sst s2  }
0x8f: {  	_ = 	snop  }
0x90: {  	(tm) =	ssettm $0x1  }
0x91: {  	s17 =	sld [smem:$0x3FFB];
	_ =	sdelay $0x3  }
0x92: {  	_ =	strace s17  }
0x93: {  	s2 =	sld [smem:$0x3FFC];
	_ =	sdelay $0x3  }
0x94: {  	_ =	strace s2  }
0x95: {  	s2 =	sld [smem:$0x3FFD];
	_ =	sdelay $0x3  }
0x96: {  	_ =	strace s2  }
0x97: {  	_ =	strace $0x8FFFFFFF  }
0x98: {  	s18 =	sld [smem:$0x3FDB];
	_ =	sdelay $0x1  }
0x99: {  	s19 =	simm.s32 $_scs_section_size  }
0x9a: {  	s4 =	simm.s32 $_size__tile_overlayer_lowered;
	s5 =	simm.s32 $_tile_overlayer_lowered  }
0x9b: {  	s22 =	simm.s32 $0x1BFF;
	s21 =	sshll.u32 s5, $0x1;
	s2 =	sadd.s32 s19, s18  }
0x9c: {  	s6 =	simm.s32 $0x0;
	s20 =	sshll.u32 s4, $0x1;
	s4 =	sadd.s32 s21, s2  }
0x9d: {  	[timem:s6], [sflag:s22] =	dma.local [hbm:s4], s20  }
0x9e: {  	_ =	swait.ge [sflag:s22], s20  }
0x9f: {  	s3 =	ssub.s32 $0x0, s20;
	[sflag:s22] =	ssyncset.done $0x0  }
0xa0: {  	[sflag:s22] =	ssyncadd.s32 s3;
	_ =	sdelay $0x1  }
0xa1: {  	s23 =	simm.s32 $0x1B8B  }
0xa2: {  	_ =	swait.ge [sflag:s23], $0x1  }
0xa3: {  	[sflag:s23] =	ssyncset.done $0x0  }
0xa4: {  	s25 =	simm.s32 $0x1B8E;
	s24 =	sld [smem:$0x3FFE];
	[sflag:s23] =	ssyncadd.s32 $0xFFFFFFFF  }
0xa5: {  	s26 =	simm.s32 $execute0_lowered;
	[smem:$0x3FD2] =	sst s25  }
0xa6: {  	s4 =	sshll.u32 s26, $0x1;
	_ =	strace $0x8000004C;
	[dreg:$0x1] =	wrdreg $0xFFFFFFFF  }
0xa7: {  	s28 =	simm.s32 $_size_execute0_lowered;
	s2 =	sadd.s32 s2, s4;
	[dreg:$0x0] =	wrdreg $0x0  }
0xa8: {  	s4 =	sshll.u32 s28, $0x1;
	[dreg:$0x2] =	wrdreg s2  }
0xa9: {  	[dreg:$0x3] =	wrdreg s4  }
0xaa: {  	[dreg:$0x4] =	wrdreg $0xC0  }
0xab: {  	_ =	task [dreg:s6], $0x5FFFF  }
0xac: {  	[dreg:$0x1] =	wrdreg $0xFFFFFFFF  }
0xad: {  	[dreg:$0x0] =	wrdreg $0x60  }
0xae: {  	[dreg:$0x2] =	wrdreg s24  }
0xaf: {  	[dreg:$0x3] =	wrdreg $0x0  }
0xb0: {  	[dreg:$0x4] =	wrdreg $0x9  }
0xb1: {  	_ =	task.clear_ibuf [dreg:s6], $0x5FFFF;
	_ =	strace $0x9000004C  }
0xb2: {  	s29 =	simm.s32 $0x9;
	_ =	strace $0x8000004E  }
0xb3: {  	_ =	swait.ge [sflag:s29], $0x1  }
0xb4: {  	[sflag:s29] =	ssyncadd.s32 $0xFFFFFFFF  }
0xb5: {  	_ =	strace $0x9000004E  }
0xb6: {  	_ =	sfence  }
0xb7: {  	s30 =	sld [smem:$0x0];
	_ =	sdelay $0x2  }
0xb8: {  	s31 =	sshll.u32 s1, $0xD;
	s1 =	sshrl.u32 s1, $0x2  }
0xb9: {  	s3 =	sand.u32 $0x4000, s31;
	s1 =	sadd.s32 s1, s30  }
0xba: {  	s0 =	sor.u32 s3, s0;
	s1 =	sshll.u32 s1, $0x11  }
0xbb: {  	s0 =	sor.u32 s1, s0  }
0xbc: {  	s0 =	sadd.s32 $0x8F2B, s0  }
0xbd: {  	[sflag:s0] =	ssyncadd.remote.s32 $0x1  }
0xbe: {  	_ =	sfence.sel $0xFFFF  }
0xbf: {  	[dreg:$0x0] =	wrdreg $0xFFFFFFFF;
	(pc) =	sbr.abs _section_cstart, $3  }
0xc0: {  	[dreg:$0x1] =	wrdreg $0xFFFFFFFF  }
0xc1: {  	_ =	task.clear_ibuf [dreg:s6], $0x2FFFF;
	_ =	strace $0x9FFFFFFF  }
0xc2: {  	(tm) =	ssettm $0x7FFFFFFF  }
0xc3: {  	_ =	shalt  }
tec
execute0_lowered:
.L_overlay_start_1:
0x0: {  	(tag) =	ssettag $0x1  }
0x1: {  	s0 =	rddreg [dreg:$0x0]  }
0x2: {  	s2 =	rddreg [dreg:$0x1]  }
0x3: {  	s12 =	stileid.u32;
	s1 =	srdreg.scid  }
0x4: {  	s3 =	simm.s32 $0x0;
	s14 =	simm.s32 $0x1;
	s15 =	simm.s32 $0x14000  }
0x5: {  	s16 =	simm.s32 $0x6;
	s17 =	simm.s32 $0x58;
	s5 =	smul.u32 $0x14000, s12  }
0x6: {  	s18 =	simm.s32 $0x14180;
	s28 =	simm.s32 $0x14080;
	s20 =	smul.u32 $0x50000, s12  }
0x7: {  	s29 =	simm.s32 $0x0;
	s1 =	sand.u32 $0x1, s1;
	s11 =	smul.u32 $0x72, s12  }
0x8: {  	[smem:$0x7FF] =	sst s3;
	s4 =	sadd.s32 $0x95C00, s0;
	s25 =	smul.u32 $0xE40, s12  }
0x9: {  	s7 =	sadd.s32 $0x1400, s0;
	s23 =	sshll.u32 s12, $0x6;
	s6 =	smul.u32 $0x140000, s1  }
0xa: {  	_ =	strace $0x8000004D;
	s21 =	ssub.s32 $0x2, s1;
	s9 =	smul.u32 $0x720, s1  }
0xb: {  	s1 =	smul.u32 $0xE400, s1;
	s8 =	sshrl.u32 s5, $0x3;
	s10 =	sshrl.u32 s21, $0x1  }
0xc: {  	s5 =	sadd.s32 s5, s6;
	s19 =	sadd.s32 s8, s0;
	s8 =	sshrl.u32 s20, $0x2  }
0xd: {  	s24 =	sadd.s32 s11, s9;
	s1 =	sadd.s32 s1, s7;
	s20 =	simm.s32 $0x14100  }
0xe: {  	s5 =	sshrl.u32 s5, $0x3;
	s22 =	sadd.s32 s8, s2;
	s6 =	sadd.s32 $0x1DC00, s19  }
0xf: {  	s8 =	sshll.u32 s24, $0x5;
	s1 =	sadd.s32 s25, s1;
	s19 =	simm.s32 $0x17000  }
0x10: {  	s24 =	simm.s32 $0xB;
	s25 =	simm.s32 $0xC;
	s0 =	sadd.s32 s5, s0  }
0x11: {  	s5 =	ssub.s32 s21, s10;
	[dreg:$0x3] =	wrdreg s6;
	s6 =	sor.u32 $0x1C01, s23  }
0x12: {  	s26 =	sadd.s32 s8, s7;
	[dreg:$0x7] =	wrdreg s1;
	s0 =	sadd.s32 $0xBDC00, s0  }
.Ltmp0:
0x13: {  	s5 =	smax.u32 s5, $0x1;
	[dreg:$0x4] =	wrdreg s0;
	(pc) =	sbr.rel .LBB2_1-.Ltmp0, $4  }
0x14: {  	s13 =	sshrl.u32 s22, $0x3;
	s30 =	sadd.s32 $0x20, s26;
	[dreg:$0x5] =	wrdreg s5  }
0x15: {  	s21 =	simm.s32 $0x14400;
	s31 =	sadd.s32 $0x40, s26;
	[dreg:$0x6] =	wrdreg s30  }
0x16: {  	s22 =	simm.s32 $0x9;
	[dreg:$0x8] =	wrdreg s31;
	s0 =	sadd.s32 $0x60, s26  }
0x17: {  	s23 =	simm.s32 $0xA;
	s26 =	simm.s32 $0x5;
	[dreg:$0x9] =	wrdreg s0  }
.LBB2_13:
0x18: {  	_ =	swait.ge [sflag:s22], $0x2C00  }
0x19: {  	[sflag:s22] =	ssyncset.done $0x0  }
0x1a: {  	[sflag:s22] =	ssyncadd.s32 $0xFFFFD400  }
0x1b: {  	_ =	swait.ge [sflag:s23], $0x2C00  }
0x1c: {  	[sflag:s23] =	ssyncset.done $0x0  }
0x1d: {  	[sflag:s23] =	ssyncadd.s32 $0xFFFFD400  }
0x1e: {  	_ =	swait.ge [sflag:s24], $0x2C00  }
0x1f: {  	[sflag:s24] =	ssyncset.done $0x0  }
0x20: {  	[sflag:s24] =	ssyncadd.s32 $0xFFFFD400  }
0x21: {  	_ =	swait.ge [sflag:s25], $0x2C00  }
0x22: {  	[sflag:s25] =	ssyncset.done $0x0  }
0x23: {  	[sflag:s25] =	ssyncadd.s32 $0xFFFFD400  }
0x24: {  	[bflag:$0x0] =	sbarrier.arrive $0xFFFF  }
0x25: {  	s0 =	rddreg [dreg:$0x4]  }
0x26: {  	[hbm:s0], [sflag:s6] =	dma.local [spmem:s13], $0x2800  }
0x27: {  	_ =	swait.ge [sflag:s14], $0x2800  }
0x28: {  	s29 =	sadd.s32 $0x1, s29;
	s31 =	rddreg [dreg:$0x5]  }
0x29: {  	p0 =	sne.s32 s29, s31  }
.Ltmp1:
0x2a: {  	_ = 	snop;
	(pc) =	sbr.rel @!p0 .LBB2_14-.Ltmp1, $3  }
0x2b: {  	_ =	sdelay $0x1  }
0x2c: {  	[sflag:s14] =	ssyncset.done $0x0  }
0x2d: {  	[sflag:s14] =	ssyncadd.s32 $0xFFFFD800  }
.LBB2_1:
0x2e: {  	s0 =	rddreg [dreg:$0x3]  }
0x2f: {  	[spmem:s13], [sflag:s6] =	dma.local [hbm:s0], $0x2800  }
0x30: {  	_ =	swait.ge [sflag:s14], $0x2800  }
0x31: {  	[sflag:s14] =	ssyncset.done $0x0  }
0x32: {  	[sflag:s14] =	ssyncadd.s32 $0xFFFFD800  }
0x33: {  	[bflag:$0x0] =	sbarrier.arrive $0xFFFF  }
0x34: {  	s31 =	rddreg [dreg:$0x8]  }
0x35: {  	s12 =	rddreg [dreg:$0x9]  }
0x36: {  	s10 =	rddreg [dreg:$0x7]  }
0x37: {  	s30 =	simm.s32 $0x3;
	s7 =	simm.s32 $0x0;
	s9 =	rddreg [dreg:$0x6]  }
.LBB2_2:
0x38: {  	p0 =	seq.s32 s7, $0x0  }
.Ltmp2:
0x39: {  	_ = 	snop;
	(pc) =	sbr.rel @p0 .LBB2_5-.Ltmp2, $1  }
0x3a: {  	_ =	sdelay $0x3  }
0x3b: {  	p1 =	seq.s32 s7, $0x1D  }
.Ltmp3:
0x3c: {  	_ = 	snop;
	(pc) =	sbr.rel @p1 .LBB2_6-.Ltmp3, $2  }
0x3d: {  	_ =	sdelay $0x2  }
0x3e: {  	p0 =	por $0x0, $0x0  }
0x3f: {  	_ =	swait.ge [sflag:s22], $0x2C00  }
0x40: {  	[sflag:s22] =	ssyncset.done $0x0  }
0x41: {  	[sflag:s22] =	ssyncadd.s32 $0xFFFFD400  }
.LBB2_5:
0x42: {  	[tilespmem:s15], [sflag:$0x1] =	stream.linear.gather [hbm4b:s10+s3], $0x100, $0x38;
	[tilespmem:$0x1F400] =	vst v63  }
0x43: {  	s8 =	sadd.s32 $0xFFFFFFFB, s30  }
0x44: {  	p0 =	sgt.u32 s8, $0x71  }
0x45: {  	s5 =	simm.s32 @!p0 $0x4  }
0x46: {  	_ =	swait.ge @!p0 [sflag:s5], $0x100  }
0x47: {  	s1 =	simm.s32 @!p0 $0x14300;
	[sflag:s5] =	ssyncset.done @!p0 $0x0  }
0x48: {  	s11 =	simm.s32 @!p0 $0x1C800;
	[sflag:s5] =	ssyncadd.s32 @!p0 $0xFFFFFF00;
	s5 =	simm.s32 @!p0 $0x58  }
0x49: {  	[tilespmem:s11], [sflag:$0x8] =	stream.indirect.gather @!p0 [hbm4b:s4+s5], $0x80, s1, s5, $0xb8;
	[tilespmem:$0x1F400] =	vst v63  }
0x4a: {  	s11 =	sadd.s32 $0xFFFFFFF9, s30  }
0x4b: {  	p1 =	sgt.u32 s11, $0x71  }
.Ltmp4:
0x4c: {  	_ = 	snop;
	(pc) =	sbr.rel @p1 .LBB2_7-.Ltmp4, $2  }
0x4d: {  	_ =	sdelay $0x2  }
0x4e: {  	p0 =	slt.u32 s8, $0x72  }
.LBB2_6:
0x4f: {  	_ =	swait.ge [sflag:s16], $0x2C00  }
0x50: {  	[sflag:s16] =	ssyncset.done $0x0  }
0x51: {  	[sflag:s16] =	ssyncadd.s32 $0xFFFFD400  }
0x52: {  	[spmem:s2] =	stream.indirect.scatter.add.f32 [tilespmem:s19], [sflag:$0xA], $0x80, s18, s17, $0xb8;
	[tilespmem:$0x1F400] =	vst v63  }
.LBB2_7:
0x53: {  	p1 =	seq.s32 s30, $0x3  }
.Ltmp5:
0x54: {  	_ = 	snop;
	(pc) =	sbr.rel @p1 .LBB2_10-.Ltmp5, $1  }
0x55: {  	_ =	sdelay $0x3  }
0x56: {  	p1 =	seq.s32 s30, $0x77  }
.Ltmp6:
0x57: {  	_ = 	snop;
	(pc) =	sbr.rel @p1 .LBB2_11-.Ltmp6, $1  }
0x58: {  	_ =	sdelay $0x3  }
0x59: {  	_ =	swait.ge [sflag:s23], $0x2C00  }
0x5a: {  	[sflag:s23] =	ssyncset.done $0x0  }
0x5b: {  	[sflag:s23] =	ssyncadd.s32 $0xFFFFD400  }
.LBB2_10:
0x5c: {  	[tilespmem:s20], [sflag:$0x2] =	stream.linear.gather [hbm4b:s9+s3], $0x100, $0x38;
	[tilespmem:$0x1F400] =	vst v63  }
0x5d: {  	_ =	swait.ge [sflag:s14], $0x100  }
0x5e: {  	[sflag:s14] =	ssyncset.done $0x0  }
0x5f: {  	[sflag:s14] =	ssyncadd.s32 $0xFFFFFF00  }
0x60: {  	[tilespmem:s21], [sflag:$0x5] =	stream.indirect.gather [hbm4b:s4+s17], $0x80, s15, s17, $0xb8;
	[tilespmem:$0x1F400] =	vst v63  }
.LBB2_11:
0x61: {  	s1 =	simm.s32 @p0 $0x7;
	s11 =	sadd.s32 $0xFFFFFFFF, s30  }
0x62: {  	s5 =	simm.s32 @p0 $0x14280;
	_ =	swait.ge @p0 [sflag:s1], $0x2C00;
	p1 =	sgt.u32 s11, $0x71  }
0x63: {  	s8 =	simm.s32 @p0 $0x19C00;
	[sflag:s1] =	ssyncset.done @p0 $0x0;
	p2 =	seq.s32 @!p1 s30, $0x3  }
0x64: {  	[sflag:s1] =	ssyncadd.s32 @p0 $0xFFFFD400;
	s1 =	simm.s32 @p0 $0x58;
	p2 =	por p2, p1  }
0x65: {  	[spmem:s2] =	stream.indirect.scatter.add.f32 @p0 [tilespmem:s8], [sflag:$0xB], $0x80, s5, s1, $0xb8;
	[tilespmem:$0x1F400] =	vst v63  }
0x66: {  	s5 =	simm.s32 @!p2 $0xB  }
0x67: {  	_ =	swait.ge @!p2 [sflag:s5], $0x2C00  }
0x68: {  	s8 =	simm.s32 @!p1 $0x14200;
	[sflag:s5] =	ssyncset.done @!p2 $0x0  }
0x69: {  	[sflag:s5] =	ssyncadd.s32 @!p2 $0xFFFFD400;
	s5 =	simm.s32 @!p1 $0x0;
	p2 =	seq.s32 s30, $0x77  }
0x6a: {  	[tilespmem:s8], [sflag:$0x3] =	stream.linear.gather @!p1 [hbm4b:s31+s5], $0x100, $0x38;
	[tilespmem:$0x1F400] =	vst v63  }
0x6b: {  	s5 =	simm.s32 @!p2 $0x2  }
0x6c: {  	_ =	swait.ge @!p2 [sflag:s5], $0x100  }
0x6d: {  	s11 =	simm.s32 @!p2 $0x14100;
	[sflag:s5] =	ssyncset.done @!p2 $0x0  }
0x6e: {  	s0 =	simm.s32 @!p2 $0x17000;
	[sflag:s5] =	ssyncadd.s32 @!p2 $0xFFFFFF00;
	s5 =	simm.s32 @!p2 $0x58  }
0x6f: {  	[tilespmem:s0], [sflag:$0x6] =	stream.indirect.gather @!p2 [hbm4b:s4+s5], $0x80, s11, s5, $0xb8;
	[tilespmem:$0x1F400] =	vst v63  }
0x70: {  	s0 =	simm.s32 @p0 $0x8  }
0x71: {  	_ =	swait.ge @p0 [sflag:s0], $0x2C00  }
0x72: {  	[sflag:s0] =	ssyncset.done @p0 $0x0  }
0x73: {  	s5 =	simm.s32 @p0 $0x1C800;
	[sflag:s0] =	ssyncadd.s32 @p0 $0xFFFFD400;
	s0 =	simm.s32 @p0 $0x14380  }
0x74: {  	[spmem:s2] =	stream.indirect.scatter.add.f32 @p0 [tilespmem:s5], [sflag:$0xC], $0x80, s0, s1, $0xb8;
	[tilespmem:$0x1F400] =	vst v63  }
0x75: {  	p0 =	sgt.u32 s30, $0x71  }
0x76: {  	p3 =	seq.s32 @!p0 s30, $0x3  }
0x77: {  	p3 =	por p3, p0  }
0x78: {  	s0 =	simm.s32 @!p3 $0xC  }
0x79: {  	_ =	swait.ge @!p3 [sflag:s0], $0x2C00  }
0x7a: {  	[sflag:s0] =	ssyncset.done @!p3 $0x0  }
0x7b: {  	s1 =	simm.s32 @!p0 $0x14300;
	[sflag:s0] =	ssyncadd.s32 @!p3 $0xFFFFD400;
	s0 =	simm.s32 @!p0 $0x0  }
0x7c: {  	[tilespmem:s1], [sflag:$0x4] =	stream.linear.gather @!p0 [hbm4b:s12+s0], $0x100, $0x38;
	[tilespmem:$0x1F400] =	vst v63  }
.Ltmp7:
0x7d: {  	s0 =	simm.s32 @!p1 $0x3;
	(pc) =	sbr.rel @p2 .LBB2_13-.Ltmp7, $4  }
0x7e: {  	_ =	swait.ge @!p1 [sflag:s0], $0x100  }
0x7f: {  	[sflag:s0] =	ssyncset.done @!p1 $0x0  }
0x80: {  	s1 =	simm.s32 @!p1 $0x19C00;
	[sflag:s0] =	ssyncadd.s32 @!p1 $0xFFFFFF00;
	s0 =	simm.s32 @!p1 $0x58  }
0x81: {  	[tilespmem:s1], [sflag:$0x7] =	stream.indirect.gather @!p1 [hbm4b:s4+s0], $0x80, s8, s0, $0xb8;
	[tilespmem:$0x1F400] =	vst v63  }
.Ltmp8:
0x82: {  	(pc) =	sbr.rel .LBB2_2-.Ltmp8, $4  }
0x83: {  	_ =	swait.ge [sflag:s26], $0x2C00;
	s7 =	sadd.s32 $0x1, s7;
	s30 =	sadd.s32 $0x4, s30  }
0x84: {  	s9 =	sadd.s32 $0x80, s9;
	s10 =	sadd.s32 $0x80, s10;
	[sflag:s26] =	ssyncset.done $0x0  }
0x85: {  	s12 =	sadd.s32 $0x80, s12;
	s31 =	sadd.s32 $0x80, s31;
	[sflag:s26] =	ssyncadd.s32 $0xFFFFD400  }
0x86: {  	[spmem:s2] =	stream.indirect.scatter.add.f32 [tilespmem:s21], [sflag:$0x9], $0x80, s28, s17, $0xb8;
	[tilespmem:$0x1F400] =	vst v63  }
.LBB2_14:
0x87: {  	_ =	sfence.sel $0x180000  }
0x88: {  	[bflag:$0x0] =	sbarrier.arrive $0xFFFF  }
0x89: {  	_ =	strace $0x9000004D  }
0x8a: {  	s0 =	stileid.u32;
	[bflag:$0x2] =	sbarrier.arrive $0xFFFF  }
0x8b: {  	p0 =	sne.s32 s0, $0x0;
	s0 =	rddreg [dreg:$0x2]  }
0x8c: {  	s0 =	sadd.s32 @!p0 $0x100000, s0  }
0x8d: {  	[sflag:s0] =	ssyncadd.tile.s32 @!p0 $0x1;
	_ =	shalt  }
.Lfunc_end2:
_tile_overlayer_lowered:
.L_overlay_start_2:
0x8e: {  	(tag) =	ssettag $0x2  }
0x8f: {  	s0 =	rddreg [dreg:$0x0];
	s2 =	stileid.u32  }
0x90: {  	s1 =	rddreg [dreg:$0x1];
	p0 =	sne.s32 s2, $0x0  }
0x91: {  	s3 =	rddreg [dreg:$0x2];
	[bflag:$0x3] =	sbarrier.arrive $0xFFFF;
	s2 =	simm.s32 @!p0 $0x1C01  }
0x92: {  	[timem:s3], [sflag:s2] =	dma.local @!p0 [hbm:s0], s1  }
0x93: {  	s0 =	simm.s32 @!p0 $0x1  }
0x94: {  	_ =	swait.ge @!p0 [sflag:s0], s1  }
0x95: {  	s1 =	ssub.s32 @!p0 $0x0, s1;
	[sflag:s0] =	ssyncset.done @!p0 $0x0  }
0x96: {  	[sflag:s0] =	ssyncadd.s32 @!p0 s1  }
0x97: {  	[bflag:$0x3] =	sbarrier.arrive $0xFFFF  }
0x98: {  	_ =	shalt  }

// kernel: kernel.7.cloned.1.call-start
scs
__scs_entry_jumppad:
0x0: {  	(pc) =	sbr.rel $0x88, $3  }
0x1: {  	(tag) =	ssettag $0x0;
	lr =	simm.s32 $0x1  }
0x2: {  	[smem:$0x3F9A] =	sst lr;
	_ =	strace $0xD0000000  }
0x3: {  	_ = 	snop  }
0x4: {  	_ = 	snop  }
0x5: {  	_ = 	snop  }
0x6: {  	_ = 	snop  }
0x7: {  	_ = 	snop  }
__scs_overlays_trampoline_lowered:
0x8: {  	[smem:$0x3FA9] =	sst s0  }
0x9: {  	[smem:$0x3FAA] =	sst s1  }
0xa: {  	[smem:$0x3FAB] =	sst s2  }
0xb: {  	[smem:$0x3FAC] =	sst s3  }
0xc: {  	[smem:$0x3FAD] =	sst s4  }
0xd: {  	[smem:$0x3FAE] =	sst s5  }
0xe: {  	[smem:$0x3FAF] =	sst s6  }
0xf: {  	[smem:$0x3FB0] =	sst s7  }
0x10: {  	[smem:$0x3FB1] =	sst s8  }
0x11: {  	[smem:$0x3FB2] =	sst s9;
	s0 =	simm.s32 @!p0 $0x0  }
0x12: {  	s1 =	sld [smem:$0x3F98];
	s0 =	simm.s32 @p0 $0x1  }
0x13: {  	[smem:$0x3FB3] =	sst s0;
	s0 =	simm.s32 @!p1 $0x0  }
0x14: {  	s2 =	sld [smem:$0x3F97];
	s0 =	simm.s32 @p1 $0x1  }
0x15: {  	[smem:$0x3FB4] =	sst s0;
	s0 =	simm.s32 @!p2 $0x0  }
0x16: {  	s3 =	sld [smem:$0x3FDB];
	s0 =	simm.s32 @p2 $0x1  }
0x17: {  	s4 =	simm.s32 $0x1BF5;
	[smem:$0x3FB6] =	sst s0  }
0x18: {  	s0 =	sld [smem:$0x3F99];
	_ =	swait.ge [sflag:s4], $0x0  }
0x19: {  	s7 =	sld [smem:$0x3F9A]  }
0x1a: {  	s8 =	sadd.s32 $0xFFFFE003, lr  }
0x1b: {  	s9 =	sadd.s32 $0xFFFFFEF7, lr;
	s5 =	simm.s32 $0xFFFFFFFF;
	p2 =	slt.u32 s8, $0xFFFFF086  }
0x1c: {  	p1 =	slt.u32 s9, $0xF7A;
	s5 =	simm.s32 @!p2 $0x0  }
0x1d: {  	s5 =	simm.s32 @p1 $0x1;
	p0 =	seq.s32 s7, s2  }
0x1e: {  	s7 =	smul.u32 @!p0 $0xF7A, s2;
	p2 =	seq.s32 @!p0 s5, $0x0  }
0x1f: {  	s9 =	smul.u32 $0xF7A, s1;
	s8 =	simm.s32 @!p0 $0x1BF5;
	p2 =	por !p2, p0  }
0x20: {  	[sflag:s8] =	ssyncset.s32 @!p0 $0xFFFFF086;
	s6 =	sadd.s32 @!p0 s3, s7;
	s7 =	simm.s32 @!p0 $0x108  }
0x21: {  	s3 =	sadd.s32 s3, s9;
	s6 =	sadd.s32 @!p0 $0x88, s6;
	s7 =	simm.s32 @p2 $0x1082  }
0x22: {  	[simem:s7], [sflag:s8] =	dma.local @!p0 [hbm:s6], $0xF7A  }
0x23: {  	s9 =	sor.u32 $0xD0000000, s2;
	s6 =	simm.s32 $0x108;
	_ =	swait.ge @!p0 [sflag:s8], $0x0  }
0x24: {  	s3 =	sadd.s32 $0x88, s3;
	s6 =	simm.s32 @!p1 $0x1082;
	[sflag:s4] =	ssyncset.s32 $0xFFFFF086  }
0x25: {  	[simem:s6], [sflag:s4] =	dma.local [hbm:s3], $0xF7A  }
0x26: {  	[smem:$0x3F9A] =	sst s1;
	(tag) =	ssettag s2;
	_ =	strace s9  }
0x27: {  	s1 =	sld [smem:$0x3FAA]  }
0x28: {  	s2 =	sld [smem:$0x3FAB]  }
0x29: {  	s4 =	sld [smem:$0x3FAD]  }
0x2a: {  	p0 =	seq.s32 s5, $0x0;
	s5 =	sld [smem:$0x3FAE]  }
0x2b: {  	s6 =	sld [smem:$0x3FAF]  }
0x2c: {  	s7 =	sld [smem:$0x3FB0]  }
0x2d: {  	s3 =	simm.s32 $0x108;
	s8 =	sld [smem:$0x3FB1]  }
0x2e: {  	s3 =	simm.s32 @!p0 $0x1082;
	s9 =	sld [smem:$0x3FB2]  }
0x2f: {  	lr =	sadd.s32 s0, s3;
	s0 =	sld [smem:$0x3FA9]  }
0x30: {  	s3 =	sld [smem:$0x3FAC]  }
0x31: {  	[smem:$0x3FB5] =	sst s10  }
0x32: {  	s10 =	sld [smem:$0x3FB3];
	_ =	sdelay $0x3  }
0x33: {  	p0 =	seq.s32 s10, $0x1;
	s10 =	sld [smem:$0x3FB5];
	_ =	sdelay $0x3  }
0x34: {  	[smem:$0x3FB5] =	sst s10  }
0x35: {  	s10 =	sld [smem:$0x3FB4];
	_ =	sdelay $0x3  }
0x36: {  	p1 =	seq.s32 s10, $0x1;
	s10 =	sld [smem:$0x3FB5];
	_ =	sdelay $0x3  }
0x37: {  	[smem:$0x3FB5] =	sst s10  }
0x38: {  	s10 =	sld [smem:$0x3FB6]  }
0x39: {  	_ = 	snop;
	(pc) =	sbr.ind lr, $3  }
0x3a: {  	_ = 	snop  }
0x3b: {  	_ = 	snop  }
0x3c: {  	p2 =	seq.s32 s10, $0x1;
	s10 =	sld [smem:$0x3FB5]  }
0x3d: {  	_ =	shalt  }
0x3e: {  	_ =	shalt  }
0x3f: {  	_ =	shalt  }
0x40: {  	_ =	shalt  }
0x41: {  	_ =	shalt  }
0x42: {  	_ =	shalt  }
0x43: {  	_ =	shalt  }
0x44: {  	_ =	shalt  }
0x45: {  	_ =	shalt  }
0x46: {  	_ =	shalt  }
0x47: {  	_ =	shalt  }
0x48: {  	_ =	shalt  }
0x49: {  	_ =	shalt  }
0x4a: {  	_ =	shalt  }
0x4b: {  	_ =	shalt  }
0x4c: {  	_ =	shalt  }
0x4d: {  	_ =	shalt  }
0x4e: {  	_ =	shalt  }
0x4f: {  	_ =	shalt  }
0x50: {  	_ =	shalt  }
0x51: {  	_ =	shalt  }
0x52: {  	_ =	shalt  }
0x53: {  	_ =	shalt  }
0x54: {  	_ =	shalt  }
0x55: {  	_ =	shalt  }
0x56: {  	_ =	shalt  }
0x57: {  	_ =	shalt  }
0x58: {  	_ =	shalt  }
0x59: {  	_ =	shalt  }
0x5a: {  	_ =	shalt  }
0x5b: {  	_ =	shalt  }
0x5c: {  	_ =	shalt  }
0x5d: {  	_ =	shalt  }
0x5e: {  	_ =	shalt  }
0x5f: {  	_ =	shalt  }
0x60: {  	_ =	shalt  }
0x61: {  	_ =	shalt  }
0x62: {  	_ =	shalt  }
0x63: {  	_ =	shalt  }
0x64: {  	_ =	shalt  }
0x65: {  	_ =	shalt  }
0x66: {  	_ =	shalt  }
0x67: {  	_ =	shalt  }
0x68: {  	_ =	shalt  }
0x69: {  	_ =	shalt  }
0x6a: {  	_ =	shalt  }
0x6b: {  	_ =	shalt  }
0x6c: {  	_ =	shalt  }
0x6d: {  	_ =	shalt  }
0x6e: {  	_ =	shalt  }
0x6f: {  	_ =	shalt  }
0x70: {  	_ =	shalt  }
0x71: {  	_ =	shalt  }
0x72: {  	_ =	shalt  }
0x73: {  	_ =	shalt  }
0x74: {  	_ =	shalt  }
0x75: {  	_ =	shalt  }
0x76: {  	_ =	shalt  }
0x77: {  	_ =	shalt  }
0x78: {  	_ =	shalt  }
0x79: {  	_ =	shalt  }
0x7a: {  	_ =	shalt  }
0x7b: {  	_ =	shalt  }
0x7c: {  	_ =	shalt  }
0x7d: {  	_ =	shalt  }
0x7e: {  	_ =	shalt  }
0x7f: {  	_ =	shalt  }
0x80: {  	_ =	shalt  }
0x81: {  	_ =	shalt  }
0x82: {  	_ =	shalt  }
0x83: {  	_ =	shalt  }
0x84: {  	_ =	shalt  }
0x85: {  	_ =	shalt  }
0x86: {  	_ =	shalt  }
0x87: {  	_ =	shalt  }
.Lfunc_end0:
.L_simem_size_0:
called_computation_lowered:
.L_overlay_start_0:
0x88: {  	s2 =	sld [smem:$0x3FD9]  }
0x89: {  	s3 =	sld [smem:$0x3FFE];
	_ =	sdelay $0x1  }
0x8a: {  	s1 =	srdreg.scid  }
0x8b: {  	s0 =	sand.u32 $0x1, s1  }
0x8c: {  	s17 =	sshll.u32 s0, $0xA;
	s2 =	sadd.s32 s3, s2  }
0x8d: {  	s2 =	sadd.s32 s2, s17  }
0x8e: {  	[smem:$0x3FC1] =	sst s2  }
0x8f: {  	_ = 	snop  }
0x90: {  	s18 =	sld [smem:$0x3FC9];
	(tm) =	ssettm $0x1  }
0x91: {  	s19 =	sld [smem:$0x3FFB];
	_ =	sdelay $0x3  }
0x92: {  	_ =	strace s19  }
0x93: {  	s2 =	sld [smem:$0x3FFC];
	_ =	sdelay $0x3  }
0x94: {  	_ =	strace s2  }
0x95: {  	s2 =	sld [smem:$0x3FFD];
	_ =	sdelay $0x3  }
0x96: {  	_ =	strace s2  }
0x97: {  	_ =	strace $0x8FFFFFFF  }
0x98: {  	s20 =	sld [smem:$0x3FDB];
	_ =	sdelay $0x1  }
0x99: {  	s4 =	simm.s32 $_scs_section_size  }
0x9a: {  	s5 =	simm.s32 $_size__tile_overlayer_lowered;
	s6 =	simm.s32 $_tile_overlayer_lowered  }
0x9b: {  	s7 =	simm.s32 $0x1BFF;
	s21 =	sshll.u32 s6, $0x1;
	s4 =	sadd.s32 s4, s20  }
0x9c: {  	s22 =	simm.s32 $0x0;
	s5 =	sshll.u32 s5, $0x1;
	s6 =	sadd.s32 s21, s4  }
0x9d: {  	[timem:s22], [sflag:s7] =	dma.local [hbm:s6], s5  }
0x9e: {  	_ =	swait.ge [sflag:s7], s5  }
0x9f: {  	s5 =	ssub.s32 $0x0, s5;
	[sflag:s7] =	ssyncset.done $0x0  }
0xa0: {  	[sflag:s7] =	ssyncadd.s32 s5;
	_ =	sdelay $0x1  }
0xa1: {  	s23 =	simm.s32 $0x1B8B  }
0xa2: {  	_ =	swait.ge [sflag:s23], $0x1  }
0xa3: {  	[sflag:s23] =	ssyncset.done $0x0  }
0xa4: {  	[sflag:s23] =	ssyncadd.s32 $0xFFFFFFFF  }
0xa5: {  	s5 =	sld [smem:$0x0]  }
0xa6: {  	s6 =	sand.u32 $0xFFFFFFFE, s1  }
0xa7: {  	p0 =	sne.s32 s1, s6  }
0xa8: {  	s6 =	sshll.u32 @p0 s6, $0xE  }
0xa9: {  	s6 =	sadd.s32 @p0 $0x11B8D, s6;
	s7 =	sshll.u32 @p0 s5, $0x11  }
0xaa: {  	s6 =	sor.u32 @p0 s7, s6  }
0xab: {  	[sflag:s6] =	ssyncadd.remote.s32 @p0 $0x1;
	_ =	sdelay $0x1  }
0xac: {  	s6 =	simm.s32 @p0 $0x1B8D  }
0xad: {  	_ =	swait.eq @p0 [sflag:s6], $0x1  }
0xae: {  	[sflag:s6] =	ssyncadd.s32 @p0 $0xFFFFFFFF  }
0xaf: {  	s7 =	sshll.u32 @!p0 s1, $0xE  }
0xb0: {  	s7 =	sor.u32 @!p0 $0x4000, s7;
	s6 =	simm.s32 @!p0 $0x1B8D  }
0xb1: {  	s5 =	sshll.u32 @!p0 s5, $0x11;
	s7 =	sadd.s32 @!p0 $0x11B8D, s7;
	_ =	swait.eq @!p0 [sflag:s6], $0x1  }
0xb2: {  	s5 =	sor.u32 @!p0 s5, s7;
	[sflag:s6] =	ssyncadd.s32 @!p0 $0xFFFFFFFF  }
0xb3: {  	s25 =	simm.s32 $0x1B8E;
	s24 =	sld [smem:$0x3FFE];
	[sflag:s5] =	ssyncadd.remote.s32 @!p0 $0x1  }
0xb4: {  	s26 =	simm.s32 $execute0_lowered;
	[smem:$0x3FD2] =	sst s25  }
0xb5: {  	s6 =	sshll.u32 s26, $0x1;
	_ =	strace $0x80000049;
	[dreg:$0x1] =	wrdreg $0xFFFFFFFF  }
0xb6: {  	s28 =	simm.s32 $_size_execute0_lowered;
	s4 =	sadd.s32 s4, s6;
	[dreg:$0x0] =	wrdreg $0x0  }
0xb7: {  	s6 =	sshll.u32 s28, $0x1;
	[dreg:$0x2] =	wrdreg s4  }
0xb8: {  	[dreg:$0x3] =	wrdreg s6  }
0xb9: {  	[dreg:$0x4] =	wrdreg $0xC0  }
0xba: {  	_ =	task [dreg:s22], $0x5FFFF  }
0xbb: {  	[dreg:$0x1] =	wrdreg $0xFFFFFFFF  }
0xbc: {  	[dreg:$0x0] =	wrdreg $0x60  }
0xbd: {  	[dreg:$0x2] =	wrdreg s18  }
0xbe: {  	[dreg:$0x3] =	wrdreg s24  }
0xbf: {  	[dreg:$0x4] =	wrdreg $0x0  }
0xc0: {  	[dreg:$0x5] =	wrdreg $0x9  }
0xc1: {  	_ =	task.clear_ibuf [dreg:s22], $0x6FFFF;
	_ =	strace $0x90000049  }
0xc2: {  	s29 =	simm.s32 $0x9;
	_ =	strace $0x8000004B  }
0xc3: {  	_ =	swait.ge [sflag:s29], $0x1  }
0xc4: {  	[sflag:s29] =	ssyncadd.s32 $0xFFFFFFFF  }
0xc5: {  	_ =	strace $0x9000004B  }
0xc6: {  	_ =	sfence  }
0xc7: {  	s30 =	sld [smem:$0x0];
	_ =	sdelay $0x2  }
0xc8: {  	s31 =	sshll.u32 s1, $0xD;
	s1 =	sshrl.u32 s1, $0x2  }
0xc9: {  	s4 =	sand.u32 $0x4000, s31;
	s1 =	sadd.s32 s1, s30  }
0xca: {  	s0 =	sor.u32 s4, s0;
	s1 =	sshll.u32 s1, $0x11  }
0xcb: {  	s0 =	sor.u32 s1, s0  }
0xcc: {  	s0 =	sadd.s32 $0x8F2B, s0  }
0xcd: {  	[sflag:s0] =	ssyncadd.remote.s32 $0x1  }
0xce: {  	_ =	sfence.sel $0xFFFF  }
0xcf: {  	[dreg:$0x0] =	wrdreg $0xFFFFFFFF;
	(pc) =	sbr.abs _section_cstart, $3  }
0xd0: {  	[dreg:$0x1] =	wrdreg $0xFFFFFFFF  }
0xd1: {  	_ =	task.clear_ibuf [dreg:s22], $0x2FFFF;
	_ =	strace $0x9FFFFFFF  }
0xd2: {  	(tm) =	ssettm $0x7FFFFFFF  }
0xd3: {  	_ =	shalt  }
tec
execute0_lowered:
.L_overlay_start_1:
0x0: {  	(tag) =	ssettag $0x1  }
0x1: {  	s2 =	rddreg [dreg:$0x0]  }
0x2: {  	s0 =	rddreg [dreg:$0x1]  }
0x3: {  	s3 =	rddreg [dreg:$0x2];
	s12 =	stileid.u32  }
0x4: {  	s1 =	srdreg.scid;
	s4 =	simm.s32 $0x0;
	s14 =	simm.s32 $0x1  }
0x5: {  	s15 =	simm.s32 $0x14000;
	s16 =	simm.s32 $0x6;
	s5 =	smul.u32 $0x14000, s12  }
0x6: {  	s17 =	simm.s32 $0x58;
	s18 =	simm.s32 $0x14180;
	s20 =	smul.u32 $0x50000, s12  }
0x7: {  	s28 =	simm.s32 $0x14080;
	s29 =	simm.s32 $0x0;
	s11 =	smul.u32 $0x72, s12  }
0x8: {  	s1 =	sand.u32 $0x1, s1;
	[smem:$0x7FF] =	sst s4;
	s25 =	smul.u32 $0xE40, s12  }
0x9: {  	s7 =	sadd.s32 $0x1400, s0;
	s23 =	sshll.u32 s12, $0x6;
	s6 =	smul.u32 $0x140000, s1  }
0xa: {  	_ =	strace $0x8000004A;
	s21 =	ssub.s32 $0x2, s1;
	s9 =	smul.u32 $0x720, s1  }
0xb: {  	s1 =	smul.u32 $0xE400, s1;
	s8 =	sshrl.u32 s5, $0x3;
	s10 =	sshrl.u32 s21, $0x1  }
0xc: {  	s5 =	sadd.s32 s5, s6;
	s19 =	sadd.s32 s8, s0;
	s8 =	sshrl.u32 s20, $0x2  }
0xd: {  	s24 =	sadd.s32 s11, s9;
	s1 =	sadd.s32 s1, s7;
	s20 =	simm.s32 $0x14100  }
0xe: {  	s5 =	sshrl.u32 s5, $0x3;
	s22 =	sadd.s32 s8, s3;
	s6 =	sadd.s32 $0x1DC00, s19  }
0xf: {  	s8 =	sshll.u32 s24, $0x5;
	s1 =	sadd.s32 s25, s1;
	s19 =	simm.s32 $0x17000  }
0x10: {  	s24 =	simm.s32 $0xB;
	s25 =	simm.s32 $0xC;
	s0 =	sadd.s32 s5, s0  }
0x11: {  	s5 =	ssub.s32 s21, s10;
	[dreg:$0x4] =	wrdreg s6;
	s6 =	sor.u32 $0x1C01, s23  }
0x12: {  	s26 =	sadd.s32 s8, s7;
	[dreg:$0x8] =	wrdreg s1;
	s0 =	sadd.s32 $0x95C00, s0  }
.Ltmp0:
0x13: {  	s5 =	smax.u32 s5, $0x1;
	[dreg:$0x5] =	wrdreg s0;
	(pc) =	sbr.rel .LBB2_1-.Ltmp0, $4  }
0x14: {  	s13 =	sshrl.u32 s22, $0x3;
	s30 =	sadd.s32 $0x20, s26;
	[dreg:$0x6] =	wrdreg s5  }
0x15: {  	s21 =	simm.s32 $0x14400;
	s31 =	sadd.s32 $0x40, s26;
	[dreg:$0x7] =	wrdreg s30  }
0x16: {  	s22 =	simm.s32 $0x9;
	[dreg:$0x9] =	wrdreg s31;
	s0 =	sadd.s32 $0x60, s26  }
0x17: {  	s23 =	simm.s32 $0xA;
	s26 =	simm.s32 $0x5;
	[dreg:$0xa] =	wrdreg s0  }
.LBB2_13:
0x18: {  	_ =	swait.ge [sflag:s22], $0x2C00  }
0x19: {  	[sflag:s22] =	ssyncset.done $0x0  }
0x1a: {  	[sflag:s22] =	ssyncadd.s32 $0xFFFFD400  }
0x1b: {  	_ =	swait.ge [sflag:s23], $0x2C00  }
0x1c: {  	[sflag:s23] =	ssyncset.done $0x0  }
0x1d: {  	[sflag:s23] =	ssyncadd.s32 $0xFFFFD400  }
0x1e: {  	_ =	swait.ge [sflag:s24], $0x2C00  }
0x1f: {  	[sflag:s24] =	ssyncset.done $0x0  }
0x20: {  	[sflag:s24] =	ssyncadd.s32 $0xFFFFD400  }
0x21: {  	_ =	swait.ge [sflag:s25], $0x2C00  }
0x22: {  	[sflag:s25] =	ssyncset.done $0x0  }
0x23: {  	[sflag:s25] =	ssyncadd.s32 $0xFFFFD400  }
0x24: {  	[bflag:$0x0] =	sbarrier.arrive $0xFFFF  }
0x25: {  	s0 =	rddreg [dreg:$0x5]  }
0x26: {  	[hbm:s0], [sflag:s6] =	dma.local [spmem:s13], $0x2800  }
0x27: {  	_ =	swait.ge [sflag:s14], $0x2800  }
0x28: {  	s29 =	sadd.s32 $0x1, s29;
	s31 =	rddreg [dreg:$0x6]  }
0x29: {  	p0 =	sne.s32 s29, s31  }
.Ltmp1:
0x2a: {  	_ = 	snop;
	(pc) =	sbr.rel @!p0 .LBB2_14-.Ltmp1, $3  }
0x2b: {  	_ =	sdelay $0x1  }
0x2c: {  	[sflag:s14] =	ssyncset.done $0x0  }
0x2d: {  	[sflag:s14] =	ssyncadd.s32 $0xFFFFD800  }
.LBB2_1:
0x2e: {  	s0 =	rddreg [dreg:$0x4]  }
0x2f: {  	[spmem:s13], [sflag:s6] =	dma.local [hbm:s0], $0x2800  }
0x30: {  	_ =	swait.ge [sflag:s14], $0x2800  }
0x31: {  	[sflag:s14] =	ssyncset.done $0x0  }
0x32: {  	[sflag:s14] =	ssyncadd.s32 $0xFFFFD800  }
0x33: {  	[bflag:$0x0] =	sbarrier.arrive $0xFFFF  }
0x34: {  	s31 =	rddreg [dreg:$0x9]  }
0x35: {  	s12 =	rddreg [dreg:$0xa]  }
0x36: {  	s10 =	rddreg [dreg:$0x8]  }
0x37: {  	s30 =	simm.s32 $0x3;
	s7 =	simm.s32 $0x0;
	s9 =	rddreg [dreg:$0x7]  }
.LBB2_2:
0x38: {  	p0 =	seq.s32 s7, $0x0  }
.Ltmp2:
0x39: {  	_ = 	snop;
	(pc) =	sbr.rel @p0 .LBB2_5-.Ltmp2, $1  }
0x3a: {  	_ =	sdelay $0x3  }
0x3b: {  	p1 =	seq.s32 s7, $0x1D  }
.Ltmp3:
0x3c: {  	_ = 	snop;
	(pc) =	sbr.rel @p1 .LBB2_6-.Ltmp3, $2  }
0x3d: {  	_ =	sdelay $0x2  }
0x3e: {  	p0 =	por $0x0, $0x0  }
0x3f: {  	_ =	swait.ge [sflag:s22], $0x2C00  }
0x40: {  	[sflag:s22] =	ssyncset.done $0x0  }
0x41: {  	[sflag:s22] =	ssyncadd.s32 $0xFFFFD400  }
.LBB2_5:
0x42: {  	[tilespmem:s15], [sflag:$0x1] =	stream.linear.gather [hbm4b:s10+s4], $0x100, $0x38;
	[tilespmem:$0x1F400] =	vst v63  }
0x43: {  	s8 =	sadd.s32 $0xFFFFFFFB, s30  }
0x44: {  	p0 =	sgt.u32 s8, $0x71  }
0x45: {  	s5 =	simm.s32 @!p0 $0x4  }
0x46: {  	_ =	swait.ge @!p0 [sflag:s5], $0x100  }
0x47: {  	s1 =	simm.s32 @!p0 $0x14300;
	[sflag:s5] =	ssyncset.done @!p0 $0x0  }
0x48: {  	s11 =	simm.s32 @!p0 $0x1C800;
	[sflag:s5] =	ssyncadd.s32 @!p0 $0xFFFFFF00;
	s5 =	simm.s32 @!p0 $0x58  }
0x49: {  	[tilespmem:s11], [sflag:$0x8] =	stream.indirect.gather @!p0 [hbm4b:s2+s5], $0x80, s1, s5, $0xb8;
	[tilespmem:$0x1F400] =	vst v63  }
0x4a: {  	s11 =	sadd.s32 $0xFFFFFFF9, s30  }
0x4b: {  	p1 =	sgt.u32 s11, $0x71  }
.Ltmp4:
0x4c: {  	_ = 	snop;
	(pc) =	sbr.rel @p1 .LBB2_7-.Ltmp4, $2  }
0x4d: {  	_ =	sdelay $0x2  }
0x4e: {  	p0 =	slt.u32 s8, $0x72  }
.LBB2_6:
0x4f: {  	_ =	swait.ge [sflag:s16], $0x2C00  }
0x50: {  	[sflag:s16] =	ssyncset.done $0x0  }
0x51: {  	[sflag:s16] =	ssyncadd.s32 $0xFFFFD400  }
0x52: {  	[spmem:s3] =	stream.indirect.scatter.add.f32 [tilespmem:s19], [sflag:$0xA], $0x80, s18, s17, $0xb8;
	[tilespmem:$0x1F400] =	vst v63  }
.LBB2_7:
0x53: {  	p1 =	seq.s32 s30, $0x3  }
.Ltmp5:
0x54: {  	_ = 	snop;
	(pc) =	sbr.rel @p1 .LBB2_10-.Ltmp5, $1  }
0x55: {  	_ =	sdelay $0x3  }
0x56: {  	p1 =	seq.s32 s30, $0x77  }
.Ltmp6:
0x57: {  	_ = 	snop;
	(pc) =	sbr.rel @p1 .LBB2_11-.Ltmp6, $1  }
0x58: {  	_ =	sdelay $0x3  }
0x59: {  	_ =	swait.ge [sflag:s23], $0x2C00  }
0x5a: {  	[sflag:s23] =	ssyncset.done $0x0  }
0x5b: {  	[sflag:s23] =	ssyncadd.s32 $0xFFFFD400  }
.LBB2_10:
0x5c: {  	[tilespmem:s20], [sflag:$0x2] =	stream.linear.gather [hbm4b:s9+s4], $0x100, $0x38;
	[tilespmem:$0x1F400] =	vst v63  }
0x5d: {  	_ =	swait.ge [sflag:s14], $0x100  }
0x5e: {  	[sflag:s14] =	ssyncset.done $0x0  }
0x5f: {  	[sflag:s14] =	ssyncadd.s32 $0xFFFFFF00  }
0x60: {  	[tilespmem:s21], [sflag:$0x5] =	stream.indirect.gather [hbm4b:s2+s17], $0x80, s15, s17, $0xb8;
	[tilespmem:$0x1F400] =	vst v63  }
.LBB2_11:
0x61: {  	s1 =	simm.s32 @p0 $0x7;
	s11 =	sadd.s32 $0xFFFFFFFF, s30  }
0x62: {  	s5 =	simm.s32 @p0 $0x14280;
	_ =	swait.ge @p0 [sflag:s1], $0x2C00;
	p1 =	sgt.u32 s11, $0x71  }
0x63: {  	s8 =	simm.s32 @p0 $0x19C00;
	[sflag:s1] =	ssyncset.done @p0 $0x0;
	p2 =	seq.s32 @!p1 s30, $0x3  }
0x64: {  	[sflag:s1] =	ssyncadd.s32 @p0 $0xFFFFD400;
	s1 =	simm.s32 @p0 $0x58;
	p2 =	por p2, p1  }
0x65: {  	[spmem:s3] =	stream.indirect.scatter.add.f32 @p0 [tilespmem:s8], [sflag:$0xB], $0x80, s5, s1, $0xb8;
	[tilespmem:$0x1F400] =	vst v63  }
0x66: {  	s5 =	simm.s32 @!p2 $0xB  }
0x67: {  	_ =	swait.ge @!p2 [sflag:s5], $0x2C00  }
0x68: {  	s8 =	simm.s32 @!p1 $0x14200;
	[sflag:s5] =	ssyncset.done @!p2 $0x0  }
0x69: {  	[sflag:s5] =	ssyncadd.s32 @!p2 $0xFFFFD400;
	s5 =	simm.s32 @!p1 $0x0;
	p2 =	seq.s32 s30, $0x77  }
0x6a: {  	[tilespmem:s8], [sflag:$0x3] =	stream.linear.gather @!p1 [hbm4b:s31+s5], $0x100, $0x38;
	[tilespmem:$0x1F400] =	vst v63  }
0x6b: {  	s5 =	simm.s32 @!p2 $0x2  }
0x6c: {  	_ =	swait.ge @!p2 [sflag:s5], $0x100  }
0x6d: {  	s11 =	simm.s32 @!p2 $0x14100;
	[sflag:s5] =	ssyncset.done @!p2 $0x0  }
0x6e: {  	s0 =	simm.s32 @!p2 $0x17000;
	[sflag:s5] =	ssyncadd.s32 @!p2 $0xFFFFFF00;
	s5 =	simm.s32 @!p2 $0x58  }
0x6f: {  	[tilespmem:s0], [sflag:$0x6] =	stream.indirect.gather @!p2 [hbm4b:s2+s5], $0x80, s11, s5, $0xb8;
	[tilespmem:$0x1F400] =	vst v63  }
0x70: {  	s0 =	simm.s32 @p0 $0x8  }
0x71: {  	_ =	swait.ge @p0 [sflag:s0], $0x2C00  }
0x72: {  	[sflag:s0] =	ssyncset.done @p0 $0x0  }
0x73: {  	s5 =	simm.s32 @p0 $0x1C800;
	[sflag:s0] =	ssyncadd.s32 @p0 $0xFFFFD400;
	s0 =	simm.s32 @p0 $0x14380  }
0x74: {  	[spmem:s3] =	stream.indirect.scatter.add.f32 @p0 [tilespmem:s5], [sflag:$0xC], $0x80, s0, s1, $0xb8;
	[tilespmem:$0x1F400] =	vst v63  }
0x75: {  	p0 =	sgt.u32 s30, $0x71  }
0x76: {  	p3 =	seq.s32 @!p0 s30, $0x3  }
0x77: {  	p3 =	por p3, p0  }
0x78: {  	s0 =	simm.s32 @!p3 $0xC  }
0x79: {  	_ =	swait.ge @!p3 [sflag:s0], $0x2C00  }
0x7a: {  	[sflag:s0] =	ssyncset.done @!p3 $0x0  }
0x7b: {  	s1 =	simm.s32 @!p0 $0x14300;
	[sflag:s0] =	ssyncadd.s32 @!p3 $0xFFFFD400;
	s0 =	simm.s32 @!p0 $0x0  }
0x7c: {  	[tilespmem:s1], [sflag:$0x4] =	stream.linear.gather @!p0 [hbm4b:s12+s0], $0x100, $0x38;
	[tilespmem:$0x1F400] =	vst v63  }
.Ltmp7:
0x7d: {  	s0 =	simm.s32 @!p1 $0x3;
	(pc) =	sbr.rel @p2 .LBB2_13-.Ltmp7, $4  }
0x7e: {  	_ =	swait.ge @!p1 [sflag:s0], $0x100  }
0x7f: {  	[sflag:s0] =	ssyncset.done @!p1 $0x0  }
0x80: {  	s1 =	simm.s32 @!p1 $0x19C00;
	[sflag:s0] =	ssyncadd.s32 @!p1 $0xFFFFFF00;
	s0 =	simm.s32 @!p1 $0x58  }
0x81: {  	[tilespmem:s1], [sflag:$0x7] =	stream.indirect.gather @!p1 [hbm4b:s2+s0], $0x80, s8, s0, $0xb8;
	[tilespmem:$0x1F400] =	vst v63  }
.Ltmp8:
0x82: {  	(pc) =	sbr.rel .LBB2_2-.Ltmp8, $4  }
0x83: {  	_ =	swait.ge [sflag:s26], $0x2C00;
	s7 =	sadd.s32 $0x1, s7;
	s30 =	sadd.s32 $0x4, s30  }
0x84: {  	s9 =	sadd.s32 $0x80, s9;
	s10 =	sadd.s32 $0x80, s10;
	[sflag:s26] =	ssyncset.done $0x0  }
0x85: {  	s12 =	sadd.s32 $0x80, s12;
	s31 =	sadd.s32 $0x80, s31;
	[sflag:s26] =	ssyncadd.s32 $0xFFFFD400  }
0x86: {  	[spmem:s3] =	stream.indirect.scatter.add.f32 [tilespmem:s21], [sflag:$0x9], $0x80, s28, s17, $0xb8;
	[tilespmem:$0x1F400] =	vst v63  }
.LBB2_14:
0x87: {  	_ =	sfence.sel $0x180000  }
0x88: {  	[bflag:$0x0] =	sbarrier.arrive $0xFFFF  }
0x89: {  	_ =	strace $0x9000004A  }
0x8a: {  	s0 =	stileid.u32;
	[bflag:$0x2] =	sbarrier.arrive $0xFFFF  }
0x8b: {  	p0 =	sne.s32 s0, $0x0;
	s0 =	rddreg [dreg:$0x3]  }
0x8c: {  	s0 =	sadd.s32 @!p0 $0x100000, s0  }
0x8d: {  	[sflag:s0] =	ssyncadd.tile.s32 @!p0 $0x1;
	_ =	shalt  }
.Lfunc_end2:
_tile_overlayer_lowered:
.L_overlay_start_2:
0x8e: {  	(tag) =	ssettag $0x2  }
0x8f: {  	s0 =	rddreg [dreg:$0x0];
	s2 =	stileid.u32  }
0x90: {  	s1 =	rddreg [dreg:$0x1];
	p0 =	sne.s32 s2, $0x0  }
0x91: {  	s3 =	rddreg [dreg:$0x2];
	[bflag:$0x3] =	sbarrier.arrive $0xFFFF;
	s2 =	simm.s32 @!p0 $0x1C01  }
0x92: {  	[timem:s3], [sflag:s2] =	dma.local @!p0 [hbm:s0], s1  }
0x93: {  	s0 =	simm.s32 @!p0 $0x1  }
0x94: {  	_ =	swait.ge @!p0 [sflag:s0], s1  }
0x95: {  	s1 =	ssub.s32 @!p0 $0x0, s1;
	[sflag:s0] =	ssyncset.done @!p0 $0x0  }
0x96: {  	[sflag:s0] =	ssyncadd.s32 @!p0 s1  }
0x97: {  	[bflag:$0x3] =	sbarrier.arrive $0xFFFF  }
0x98: {  	_ =	shalt  }

</sc_bundles>
